<compile_context>
chip_gen: v7x
topology: tpu7x:2x2x1
jax: 0.10.2.dev20260603
libtpu: 0.0.44.dev20260713+nightly
codegen_flags: <defaults>
</compile_context>

<pallas_src>
import dataclasses
import math
from functools import partial

import jax
import jax.numpy as jnp
from jax import lax
from jax.experimental import pallas as pl
from jax.experimental.pallas import tpu as pltpu
from jax.experimental.pallas import tpu_sc as plsc


def _sc_counts_body(nb, l, e_txt, k_pad, e_img, nw, row_q, img_rows, img_workers,
                    src_hbm, dst_hbm, isrc_hbm, idst_hbm, ctxt_hbm, cimg_hbm,
                    src_v, dst_v, cbuf, isrc_v, idst_v, cibuf):
    w = lax.axis_index("s") * 2 + lax.axis_index("c")
    ones = jnp.ones((16,), jnp.float32)
    nq = l // row_q
    tasks_per_worker = (nb * nq) // nw

    def zrow(r, _):
        for cc in range(l // 16):
            cbuf[r, pl.ds(cc * 16, 16)] = jnp.zeros((16,), jnp.float32)
        return 0
    lax.fori_loop(0, row_q, zrow, 0)

    def edge_pass(lo, sign):
        def chunk(i, _):
            s16 = src_v[pl.ds(i * 16, 16)]
            d16 = dst_v[pl.ds(i * 16, 16)]
            m = (d16 >= lo) & (d16 < lo + row_q)
            plsc.addupdate_scatter(cbuf, [d16 - lo, s16], sign * ones, mask=m)
            return 0
        lax.fori_loop(0, e_txt // 16, chunk, 0)

    for t in range(tasks_per_worker):
        b = (w * tasks_per_worker + t) // nq
        q = t % nq
        if t % nq == 0:
            pltpu.sync_copy(src_hbm.at[b], src_v)
            pltpu.sync_copy(dst_hbm.at[b], dst_v)
        lo = q * row_q
        edge_pass(lo, 1.0)
        pltpu.sync_copy(cbuf, ctxt_hbm.at[b, pl.ds(lo, row_q)])
        edge_pass(lo, -1.0)

    @pl.when(w < img_workers)
    def _img():
        def zrow_i(r, _):
            for cc in range(k_pad // 16):
                cibuf[r, pl.ds(cc * 16, 16)] = jnp.zeros((16,), jnp.float32)
            return 0
        lax.fori_loop(0, img_rows, zrow_i, 0)
        pltpu.sync_copy(isrc_hbm, isrc_v)
        pltpu.sync_copy(idst_hbm, idst_v)
        lo = w * img_rows

        def chunk(i, _):
            s16 = isrc_v[pl.ds(i * 16, 16)]
            d16 = idst_v[pl.ds(i * 16, 16)]
            m = (d16 >= lo) & (d16 < lo + img_rows)
            plsc.addupdate_scatter(cibuf, [d16 - lo, s16], ones, mask=m)
            return 0
        lax.fori_loop(0, e_img // 16, chunk, 0)
        pltpu.sync_copy(cibuf, cimg_hbm.at[pl.ds(lo, img_rows)])


def _build_counts_sc(src, dst, isrc, idst, nb, l, k):
    e_txt = src.shape[1]
    e_img = isrc.shape[0]
    k_pad = 208
    nw = 32
    row_q = 128
    img_workers = 4
    img_rows = 56
    mesh = plsc.VectorSubcoreMesh(core_axis_name="c", subcore_axis_name="s")
    cp = pltpu.CompilerParams()
    if "needs_layout_passes" in pltpu.CompilerParams.__dataclass_fields__:
        cp = dataclasses.replace(cp, needs_layout_passes=False)
    ctxt, cimg = pl.kernel(
        partial(_sc_counts_body, nb, l, e_txt, k_pad, e_img, nw, row_q,
                img_rows, img_workers),
        mesh=mesh,
        out_type=[
            jax.ShapeDtypeStruct((nb, l, l), jnp.float32),
            jax.ShapeDtypeStruct((img_workers * img_rows, k_pad), jnp.float32),
        ],
        scratch_types=[
            pltpu.VMEM((e_txt,), jnp.int32),
            pltpu.VMEM((e_txt,), jnp.int32),
            pltpu.VMEM((row_q, l), jnp.float32),
            pltpu.VMEM((e_img,), jnp.int32),
            pltpu.VMEM((e_img,), jnp.int32),
            pltpu.VMEM((img_rows, k_pad), jnp.float32),
        ],
        compiler_params=cp,
    )(src, dst, isrc, idst)
    return ctxt, cimg[:k, :k]


def _gat_dense(x, c, w, a_src, a_dst, bias, h_heads, d):
    n = x.shape[0]
    h = jax.lax.dot_general(x.astype(jnp.bfloat16), w, (((1,), (0,)), ((), ())),
                            preferred_element_type=jnp.float32)
    hb = h.astype(jnp.bfloat16)
    als_rows = jax.lax.dot_general(a_src, x, (((1,), (1,)), ((), ())),
                                   preferred_element_type=jnp.float32, precision=jax.lax.Precision.HIGHEST)
    ald_rows = jax.lax.dot_general(a_dst, x, (((1,), (1,)), ((), ())),
                                   preferred_element_type=jnp.float32, precision=jax.lax.Precision.HIGHEST)
    ald_cols = jnp.transpose(ald_rows)
    acc = jnp.zeros((n, d), jnp.float32)
    for hd in range(h_heads):
        hh = hb[:, hd * d:(hd + 1) * d]
        s = ald_cols[:, hd:hd + 1] + als_rows[hd:hd + 1, :]
        s = jnp.maximum(s, 0.2 * s)
        p = c * jnp.exp(s)
        den = jnp.sum(p, axis=1, keepdims=True)
        o = jax.lax.dot_general(p.astype(jnp.bfloat16), hh,
                                (((1,), (0,)), ((), ())),
                                preferred_element_type=jnp.float32)
        acc = acc + o * (1.0 / (den + 1e-16))
    return acc * (1.0 / h_heads) + bias


def _layer_norm(x, g, b):
    mu = jnp.mean(x, axis=1, keepdims=True)
    xc = x - mu
    var = jnp.mean(xc * xc, axis=1, keepdims=True)
    return xc * jax.lax.rsqrt(var + 1e-5) * g + b


def _main_kernel(t2_ref, v2_ref, score_ref, c_txt_ref, c_img_ref,
                 kpm_ref, npm_ref, gnn_ref,
                 txt_w_ref, txt_as_ref, txt_ad_ref, txt_b_ref,
                 img_w_ref, img_as_ref, img_ad_ref, img_b_ref,
                 lin1_w_ref, lin1_b_ref, lin2_w_ref, lin2_b_ref,
                 ln_g_ref, ln_b_ref, out_ref, *, l, k, d, h_heads):
    inv_sqrt_d = 1.0 / math.sqrt(d)
    x = t2_ref[0]
    v = v2_ref[0]
    score = score_ref[0]
    c_txt = c_txt_ref[0]
    c_img = c_img_ref[...]
    ln_g = ln_g_ref[...]
    ln_b = ln_b_ref[...]

    q1 = jax.lax.dot_general(x, v, (((1,), (1,)), ((), ())),
                             preferred_element_type=jnp.float32) * inv_sqrt_d

    ones_row = jnp.ones((1, l), jnp.float32)
    ctx = jax.lax.dot_general(ones_row, score * x, (((1,), (0,)), ((), ())),
                              preferred_element_type=jnp.float32, precision=jax.lax.Precision.HIGHEST)

    lin1_w = lin1_w_ref[...]
    pa_tok = jax.lax.dot_general(lin1_w, x, (((1,), (1,)), ((), ())),
                                 preferred_element_type=jnp.float32, precision=jax.lax.Precision.HIGHEST)
    pa_tok = pa_tok + lin1_b_ref[0, 0]
    kpm = kpm_ref[0]
    pa_tok = jnp.where(kpm > 0, -jnp.inf, pa_tok)

    gnn_on = gnn_ref[0, 0] > 0

    tnp = x
    for i in range(2):
        g = _gat_dense(tnp, c_txt, txt_w_ref[i], txt_as_ref[i],
                       txt_ad_ref[i], txt_b_ref[i:i + 1, :], h_heads, d)
        g = jnp.maximum(g, 0.0)
        g = jnp.where(gnn_on, 0.0, g)
        tnp = _layer_norm(g, ln_g, ln_b)

    v3 = v
    for i in range(2):
        g = _gat_dense(v3, c_img, img_w_ref[i], img_as_ref[i],
                       img_ad_ref[i], img_b_ref[i:i + 1, :], h_heads, d)
        v3 = _layer_norm(jnp.maximum(g, 0.0), ln_g, ln_b)

    q2a = jax.lax.dot_general(tnp, v3, (((1,), (1,)), ((), ())),
                              preferred_element_type=jnp.float32) * inv_sqrt_d
    q2c = jax.lax.dot_general(ctx, v3, (((1,), (1,)), ((), ())),
                              preferred_element_type=jnp.float32, precision=jax.lax.Precision.HIGHEST) * inv_sqrt_d

    lin2_w = lin2_w_ref[...]
    pa_np_a = jax.lax.dot_general(lin2_w, tnp, (((1,), (1,)), ((), ())),
                                  preferred_element_type=jnp.float32, precision=jax.lax.Precision.HIGHEST)
    pa_np_c = jnp.sum(ctx * lin2_w, axis=1, keepdims=True)
    lin2_b = lin2_b_ref[0, 0]
    pa_np_a = pa_np_a + lin2_b
    pa_np_c = pa_np_c + lin2_b
    npm = npm_ref[0]
    pa_np_a = jnp.where(npm[:, :l] > 0, -jnp.inf, pa_np_a)
    pa_np_c = jnp.where(npm[:, l:l + 1] > 0, -jnp.inf, pa_np_c)

    m_np = jnp.maximum(jnp.max(pa_np_a), pa_np_c[0, 0])
    ea = jnp.exp(pa_np_a - m_np)
    ec = jnp.exp(pa_np_c[0, 0] - m_np)
    z_np = jnp.sum(ea) + ec
    a2 = (jax.lax.dot_general(ea, q2a, (((1,), (0,)), ((), ())),
                              preferred_element_type=jnp.float32, precision=jax.lax.Precision.HIGHEST)
          + q2c * ec) / z_np

    m_tok = jnp.max(pa_tok)
    et = jnp.exp(pa_tok - m_tok)
    a1 = jax.lax.dot_general(et, q1, (((1,), (0,)), ((), ())),
                             preferred_element_type=jnp.float32, precision=jax.lax.Precision.HIGHEST) / jnp.sum(et)

    out_ref[0, 0, :k] = a1[0]
    out_ref[0, 0, k:] = a2[0]


def kernel(t2, v2, score, edge_index, gnn_mask, key_padding_mask, np_mask,
           img_edge_index, txt_W, txt_att_src, txt_att_dst, txt_bias,
           img_W, img_att_src, img_att_dst, img_bias,
           lin1_w, lin1_b, lin2_w, lin2_b, ln_g, ln_b):
    n, l, d = t2.shape
    k = v2.shape[1]
    h_heads = txt_att_src.shape[1]

    src_t = edge_index[:, 0, :].astype(jnp.int32)
    dst_t = edge_index[:, 1, :].astype(jnp.int32)
    src_i = img_edge_index[0, :].astype(jnp.int32)
    dst_i = img_edge_index[1, :].astype(jnp.int32)

    c_txt, c_img = _build_counts_sc(src_t, dst_t, src_i, dst_i, n, l, k)

    proj = lambda W, att: jnp.einsum('idhk,ihk->ihd',
                                     W.reshape(2, d, h_heads, d), att)
    txt_as = proj(txt_W, txt_att_src)
    txt_ad = proj(txt_W, txt_att_dst)
    img_as = proj(img_W, img_att_src)
    img_ad = proj(img_W, img_att_dst)
    txt_Wb = txt_W.astype(jnp.bfloat16)
    img_Wb = img_W.astype(jnp.bfloat16)

    kpm = key_padding_mask.astype(jnp.float32).reshape(n, 1, l)
    npm = np_mask.astype(jnp.float32).reshape(n, 1, l + 1)
    gnn = gnn_mask.astype(jnp.float32).reshape(n, 1, 1)

    lin1_w2 = lin1_w.reshape(1, d)
    lin2_w2 = lin2_w.reshape(1, d)
    lin1_b2 = lin1_b.reshape(1, 1)
    lin2_b2 = lin2_b.reshape(1, 1)
    ln_g2 = ln_g.reshape(1, d)
    ln_b2 = ln_b.reshape(1, d)

    full = lambda *shape: pl.BlockSpec(shape, lambda i: (0,) * len(shape))
    per_sample = lambda *shape: pl.BlockSpec((1,) + shape,
                                             lambda i: (i,) + (0,) * len(shape))

    out = pl.pallas_call(
        partial(_main_kernel, l=l, k=k, d=d, h_heads=h_heads),
        grid=(n,),
        in_specs=[
            per_sample(l, d),
            per_sample(k, d),
            per_sample(l, d),
            per_sample(l, l),
            full(k, k),
            per_sample(1, l),
            per_sample(1, l + 1),
            per_sample(1, 1),
            full(2, d, h_heads * d),
            full(2, h_heads, d),
            full(2, h_heads, d),
            full(2, d),
            full(2, d, h_heads * d),
            full(2, h_heads, d),
            full(2, h_heads, d),
            full(2, d),
            full(1, d),
            full(1, 1),
            full(1, d),
            full(1, 1),
            full(1, d),
            full(1, d),
        ],
        out_specs=pl.BlockSpec((1, 1, 2 * k), lambda i: (i, 0, 0)),
        out_shape=jax.ShapeDtypeStruct((n, 1, 2 * k), jnp.float32),
    )(t2, v2, score, c_txt, c_img, kpm, npm, gnn,
      txt_Wb, txt_as, txt_ad, txt_bias,
      img_Wb, img_as, img_ad, img_bias,
      lin1_w2, lin1_b2, lin2_w2, lin2_b2, ln_g2, ln_b2)
    return out.reshape(n, 2 * k)

# --- scband reference (transcript-rebuilt; emitter-appended) ---
"""Pipeline reference for scband-kehmodel-15642270892361 (READ-ONLY COPY).

The authoritative reference and input builder live on the scoring server;
editing this copy changes nothing except your own understanding.
"""

import jax, jax.numpy as jnp
import numpy as np
import math

N, L, K, D, H = 32, 512, 196, 300, 5
E_TXT, E_IMG = 2048, 3136


def setup_inputs(seed: int = 0):
    key = jax.random.key(seed)
    ks = jax.random.split(key, 24)
    s = 0.05
    return {
        "t2": jax.random.normal(ks[0], (N, L, D), jnp.float32),
        "v2": jax.random.normal(ks[1], (N, K, D), jnp.float32),
        "score": jax.random.uniform(ks[2], (N, L, D), jnp.float32),
        "edge_index": jax.random.randint(ks[3], (N, 2, E_TXT), 0, L),
        "gnn_mask": jnp.zeros((N,), jnp.bool_),
        "key_padding_mask": jnp.zeros((N, L), jnp.bool_),
        "np_mask": jnp.zeros((N, L + 1), jnp.bool_),
        "img_edge_index": jax.random.randint(ks[4], (2, E_IMG), 0, K),
        "txt_W": s * jax.random.normal(ks[5], (2, D, H * D), jnp.float32),
        "txt_att_src": s * jax.random.normal(ks[6], (2, H, D), jnp.float32),
        "txt_att_dst": s * jax.random.normal(ks[7], (2, H, D), jnp.float32),
        "txt_bias": jnp.zeros((2, D), jnp.float32),
        "img_W": s * jax.random.normal(ks[8], (2, D, H * D), jnp.float32),
        "img_att_src": s * jax.random.normal(ks[9], (2, H, D), jnp.float32),
        "img_att_dst": s * jax.random.normal(ks[10], (2, H, D), jnp.float32),
        "img_bias": jnp.zeros((2, D), jnp.float32),
        "lin1_w": s * jax.random.normal(ks[11], (D,), jnp.float32),
        "lin1_b": jnp.zeros((), jnp.float32),
        "lin2_w": s * jax.random.normal(ks[12], (D,), jnp.float32),
        "lin2_b": jnp.zeros((), jnp.float32),
        "ln_g": jnp.ones((D,), jnp.float32),
        "ln_b": jnp.zeros((D,), jnp.float32),
    }


def _gat(x, ei, W, a_src, a_dst, b):
    # PyG-style GATConv, heads=H, concat=False (mean over heads)
    n = x.shape[0]
    src, dst = ei[0], ei[1]
    h = (x @ W).reshape(n, H, D)
    al_s = jnp.sum(h * a_src[None], axis=-1)  # (n, H)
    al_d = jnp.sum(h * a_dst[None], axis=-1)
    e = jax.nn.leaky_relu(al_s[src] + al_d[dst], 0.2)  # (E, H)
    m = jax.ops.segment_max(e, dst, num_segments=n)
    m = jnp.where(jnp.isfinite(m), m, 0.0)
    ex = jnp.exp(e - m[dst])
    den = jax.ops.segment_sum(ex, dst, num_segments=n)
    alpha = ex / (den[dst] + 1e-16)
    out = jax.ops.segment_sum(h[src] * alpha[:, :, None], dst, num_segments=n)
    return out.mean(axis=1) + b


def _ln(x, g, b):
    mu = jnp.mean(x, axis=-1, keepdims=True)
    var = jnp.var(x, axis=-1, keepdims=True)
    return (x - mu) / jnp.sqrt(var + 1e-5) * g + b


def reference(t2, v2, score, edge_index, gnn_mask, key_padding_mask, np_mask, img_edge_index, txt_W, txt_att_src, txt_att_dst, txt_bias, img_W, img_att_src, img_att_dst, img_bias, lin1_w, lin1_b, lin2_w, lin2_b, ln_g, ln_b):
    lam = 1.0
    q1 = jnp.einsum('nld,nkd->nlk', t2, v2) / math.sqrt(D)
    c = jnp.sum(score * t2, axis=1, keepdims=True)  # (N,1,D)
    pa_token = t2 @ lin1_w + lin1_b  # (N,L)
    pa_token = jnp.where(key_padding_mask, -jnp.inf, pa_token)
    tnp = t2
    for i in range(2):
        g = jax.vmap(lambda x, ei: _gat(x, ei, txt_W[i], txt_att_src[i], txt_att_dst[i], txt_bias[i]))(tnp, edge_index)
        g = jax.nn.relu(g)
        g = jnp.where(gnn_mask[:, None, None], 0.0, g)
        tnp = _ln(g, ln_g, ln_b)
    v3 = v2
    for i in range(2):
        g = jax.vmap(lambda x: _gat(x, img_edge_index, img_W[i], img_att_src[i], img_att_dst[i], img_bias[i]))(v3)
        v3 = _ln(jax.nn.relu(g), ln_g, ln_b)
    tnp = jnp.concatenate([tnp, c], axis=1)  # (N, L+1, D)
    q2 = jnp.einsum('nld,nkd->nlk', tnp, v3) / math.sqrt(D)
    pa_np = tnp @ lin2_w + lin2_b  # (N, L+1)
    pa_np = jnp.where(np_mask, -jnp.inf, pa_np)
    pa_np = jax.nn.softmax(pa_np * lam, axis=1)[:, :, None]
    pa_tok = jax.nn.softmax(pa_token * lam, axis=1)[:, :, None]
    a1 = jnp.sum(q1 * pa_tok, axis=1)  # (N, K)
    a2 = jnp.sum(q2 * pa_np, axis=1)   # (N, K)
    return jnp.concatenate([a1, a2], axis=1)  # (N, 2K)

if __name__ == "__main__":
    import jax
    _d = setup_inputs()
    print(jax.jit(kernel)(*tuple(_d.values())))

</pallas_src>

<mosaic_0001>
#map = affine_map<(d0, d1) -> (0, 0)>
#map1 = affine_map<(d0, d1) -> (0)>
#map2 = affine_map<(d0, d1) -> (0, 0, 0)>
module attributes {stable_mosaic.version = 14 : i64} {
  func.func @_sc_counts_body(%arg0: i32, %arg1: i32, %arg2: memref<32x2048xi32, #tpu.memory_space<hbm>>, %arg3: memref<32x2048xi32, #tpu.memory_space<hbm>>, %arg4: memref<3136xi32, #tpu.memory_space<hbm>>, %arg5: memref<3136xi32, #tpu.memory_space<hbm>>, %arg6: memref<32x512x512xf32, #tpu.memory_space<hbm>>, %arg7: memref<224x208xf32, #tpu.memory_space<hbm>>, %arg8: memref<2048xi32, #tpu.memory_space<vmem>>, %arg9: memref<2048xi32, #tpu.memory_space<vmem>>, %arg10: memref<128x512xf32, #tpu.memory_space<vmem>>, %arg11: memref<3136xi32, #tpu.memory_space<vmem>>, %arg12: memref<3136xi32, #tpu.memory_space<vmem>>, %arg13: memref<56x208xf32, #tpu.memory_space<vmem>>) attributes {dimension_semantics = [#tpu.dimension_semantics<core_parallel>, #tpu.dimension_semantics<subcore_parallel>], iteration_bounds = array<i64: 2, 16>, scalar_prefetch = 0 : i64, scratch_operands = 6 : i64, tpu.core_type = #tpu.core_type<sc_vector_subcore>, window_params = [{transform_indices = #map}, {transform_indices = #map}, {transform_indices = #map1}, {transform_indices = #map1}, {transform_indices = #map2}, {transform_indices = #map}]} {
    %mul3A = arith.constant 2 : i32
    %mul3A_0 = arith.muli %arg1, %mul3A : i32
    %add3A = arith.addi %mul3A_0, %arg0 : i32
    %broadcast_in_dim3A = arith.constant 1.000000e+00 : f32
    %broadcast_in_dim3A_1 = vector.broadcast %broadcast_in_dim3A : f32 to vector<16xf32>
    %scan3A = arith.constant 0 : i32
    %scan3A_2 = arith.constant 0 : i32
    %scan3A_3 = arith.constant 128 : i32
    %scan3A_4 = arith.addi %scan3A_2, %scan3A_3 : i32
    %scan3A_5 = arith.constant 1 : i32
    %scan3A_6 = scf.for %scan3A_170 = %scan3A_2 to %scan3A_4 step %scan3A_5 iter_args(%scan3A_171 = %scan3A) -> (i32)  : i32 {
      %broadcast_in_dim3A_172 = arith.constant 0.000000e+00 : f32
      %broadcast_in_dim3A_173 = vector.broadcast %broadcast_in_dim3A_172 : f32 to vector<16xf32>
      %swap3A = arith.index_cast %scan3A_170 : i32 to index
      %swap3A_174 = arith.constant 0 : index
      %swap3A_175 = tpu.vector_load %arg10[%swap3A, %swap3A_174] {strides = array<i32>} : memref<128x512xf32, #tpu.memory_space<vmem>>, vector<16xf32>,
      tpu.vector_store %arg10[%swap3A, %swap3A_174], %broadcast_in_dim3A_173 {strides = array<i32>} : memref<128x512xf32, #tpu.memory_space<vmem>>, vector<16xf32>,
      %broadcast_in_dim3A_176 = arith.constant 0.000000e+00 : f32
      %broadcast_in_dim3A_177 = vector.broadcast %broadcast_in_dim3A_176 : f32 to vector<16xf32>
      %swap3A_178 = arith.index_cast %scan3A_170 : i32 to index
      %swap3A_179 = arith.constant 16 : index
      %swap3A_180 = tpu.vector_load %arg10[%swap3A_178, %swap3A_179] {strides = array<i32>} : memref<128x512xf32, #tpu.memory_space<vmem>>, vector<16xf32>,
      tpu.vector_store %arg10[%swap3A_178, %swap3A_179], %broadcast_in_dim3A_177 {strides = array<i32>} : memref<128x512xf32, #tpu.memory_space<vmem>>, vector<16xf32>,
      %broadcast_in_dim3A_181 = arith.constant 0.000000e+00 : f32
      %broadcast_in_dim3A_182 = vector.broadcast %broadcast_in_dim3A_181 : f32 to vector<16xf32>
      %swap3A_183 = arith.index_cast %scan3A_170 : i32 to index
      %swap3A_184 = arith.constant 32 : index
      %swap3A_185 = tpu.vector_load %arg10[%swap3A_183, %swap3A_184] {strides = array<i32>} : memref<128x512xf32, #tpu.memory_space<vmem>>, vector<16xf32>,
      tpu.vector_store %arg10[%swap3A_183, %swap3A_184], %broadcast_in_dim3A_182 {strides = array<i32>} : memref<128x512xf32, #tpu.memory_space<vmem>>, vector<16xf32>,
      %broadcast_in_dim3A_186 = arith.constant 0.000000e+00 : f32
      %broadcast_in_dim3A_187 = vector.broadcast %broadcast_in_dim3A_186 : f32 to vector<16xf32>
      %swap3A_188 = arith.index_cast %scan3A_170 : i32 to index
      %swap3A_189 = arith.constant 48 : index
      %swap3A_190 = tpu.vector_load %arg10[%swap3A_188, %swap3A_189] {strides = array<i32>} : memref<128x512xf32, #tpu.memory_space<vmem>>, vector<16xf32>,
      tpu.vector_store %arg10[%swap3A_188, %swap3A_189], %broadcast_in_dim3A_187 {strides = array<i32>} : memref<128x512xf32, #tpu.memory_space<vmem>>, vector<16xf32>,
      %broadcast_in_dim3A_191 = arith.constant 0.000000e+00 : f32
      %broadcast_in_dim3A_192 = vector.broadcast %broadcast_in_dim3A_191 : f32 to vector<16xf32>
      %swap3A_193 = arith.index_cast %scan3A_170 : i32 to index
      %swap3A_194 = arith.constant 64 : index
      %swap3A_195 = tpu.vector_load %arg10[%swap3A_193, %swap3A_194] {strides = array<i32>} : memref<128x512xf32, #tpu.memory_space<vmem>>, vector<16xf32>,
      tpu.vector_store %arg10[%swap3A_193, %swap3A_194], %broadcast_in_dim3A_192 {strides = array<i32>} : memref<128x512xf32, #tpu.memory_space<vmem>>, vector<16xf32>,
      %broadcast_in_dim3A_196 = arith.constant 0.000000e+00 : f32
      %broadcast_in_dim3A_197 = vector.broadcast %broadcast_in_dim3A_196 : f32 to vector<16xf32>
      %swap3A_198 = arith.index_cast %scan3A_170 : i32 to index
      %swap3A_199 = arith.constant 80 : index
      %swap3A_200 = tpu.vector_load %arg10[%swap3A_198, %swap3A_199] {strides = array<i32>} : memref<128x512xf32, #tpu.memory_space<vmem>>, vector<16xf32>,
      tpu.vector_store %arg10[%swap3A_198, %swap3A_199], %broadcast_in_dim3A_197 {strides = array<i32>} : memref<128x512xf32, #tpu.memory_space<vmem>>, vector<16xf32>,
      %broadcast_in_dim3A_201 = arith.constant 0.000000e+00 : f32
      %broadcast_in_dim3A_202 = vector.broadcast %broadcast_in_dim3A_201 : f32 to vector<16xf32>
      %swap3A_203 = arith.index_cast %scan3A_170 : i32 to index
      %swap3A_204 = arith.constant 96 : index
      %swap3A_205 = tpu.vector_load %arg10[%swap3A_203, %swap3A_204] {strides = array<i32>} : memref<128x512xf32, #tpu.memory_space<vmem>>, vector<16xf32>,
      tpu.vector_store %arg10[%swap3A_203, %swap3A_204], %broadcast_in_dim3A_202 {strides = array<i32>} : memref<128x512xf32, #tpu.memory_space<vmem>>, vector<16xf32>,
      %broadcast_in_dim3A_206 = arith.constant 0.000000e+00 : f32
      %broadcast_in_dim3A_207 = vector.broadcast %broadcast_in_dim3A_206 : f32 to vector<16xf32>
      %swap3A_208 = arith.index_cast %scan3A_170 : i32 to index
      %swap3A_209 = arith.constant 112 : index
      %swap3A_210 = tpu.vector_load %arg10[%swap3A_208, %swap3A_209] {strides = array<i32>} : memref<128x512xf32, #tpu.memory_space<vmem>>, vector<16xf32>,
      tpu.vector_store %arg10[%swap3A_208, %swap3A_209], %broadcast_in_dim3A_207 {strides = array<i32>} : memref<128x512xf32, #tpu.memory_space<vmem>>, vector<16xf32>,
      %broadcast_in_dim3A_211 = arith.constant 0.000000e+00 : f32
      %broadcast_in_dim3A_212 = vector.broadcast %broadcast_in_dim3A_211 : f32 to vector<16xf32>
      %swap3A_213 = arith.index_cast %scan3A_170 : i32 to index
      %swap3A_214 = arith.constant 128 : index
      %swap3A_215 = tpu.vector_load %arg10[%swap3A_213, %swap3A_214] {strides = array<i32>} : memref<128x512xf32, #tpu.memory_space<vmem>>, vector<16xf32>,
      tpu.vector_store %arg10[%swap3A_213, %swap3A_214], %broadcast_in_dim3A_212 {strides = array<i32>} : memref<128x512xf32, #tpu.memory_space<vmem>>, vector<16xf32>,
      %broadcast_in_dim3A_216 = arith.constant 0.000000e+00 : f32
      %broadcast_in_dim3A_217 = vector.broadcast %broadcast_in_dim3A_216 : f32 to vector<16xf32>
      %swap3A_218 = arith.index_cast %scan3A_170 : i32 to index
      %swap3A_219 = arith.constant 144 : index
      %swap3A_220 = tpu.vector_load %arg10[%swap3A_218, %swap3A_219] {strides = array<i32>} : memref<128x512xf32, #tpu.memory_space<vmem>>, vector<16xf32>,
      tpu.vector_store %arg10[%swap3A_218, %swap3A_219], %broadcast_in_dim3A_217 {strides = array<i32>} : memref<128x512xf32, #tpu.memory_space<vmem>>, vector<16xf32>,
      %broadcast_in_dim3A_221 = arith.constant 0.000000e+00 : f32
      %broadcast_in_dim3A_222 = vector.broadcast %broadcast_in_dim3A_221 : f32 to vector<16xf32>
      %swap3A_223 = arith.index_cast %scan3A_170 : i32 to index
      %swap3A_224 = arith.constant 160 : index
      %swap3A_225 = tpu.vector_load %arg10[%swap3A_223, %swap3A_224] {strides = array<i32>} : memref<128x512xf32, #tpu.memory_space<vmem>>, vector<16xf32>,
      tpu.vector_store %arg10[%swap3A_223, %swap3A_224], %broadcast_in_dim3A_222 {strides = array<i32>} : memref<128x512xf32, #tpu.memory_space<vmem>>, vector<16xf32>,
      %broadcast_in_dim3A_226 = arith.constant 0.000000e+00 : f32
      %broadcast_in_dim3A_227 = vector.broadcast %broadcast_in_dim3A_226 : f32 to vector<16xf32>
      %swap3A_228 = arith.index_cast %scan3A_170 : i32 to index
      %swap3A_229 = arith.constant 176 : index
      %swap3A_230 = tpu.vector_load %arg10[%swap3A_228, %swap3A_229] {strides = array<i32>} : memref<128x512xf32, #tpu.memory_space<vmem>>, vector<16xf32>,
      tpu.vector_store %arg10[%swap3A_228, %swap3A_229], %broadcast_in_dim3A_227 {strides = array<i32>} : memref<128x512xf32, #tpu.memory_space<vmem>>, vector<16xf32>,
      %broadcast_in_dim3A_231 = arith.constant 0.000000e+00 : f32
      %broadcast_in_dim3A_232 = vector.broadcast %broadcast_in_dim3A_231 : f32 to vector<16xf32>
      %swap3A_233 = arith.index_cast %scan3A_170 : i32 to index
      %swap3A_234 = arith.constant 192 : index
      %swap3A_235 = tpu.vector_load %arg10[%swap3A_233, %swap3A_234] {strides = array<i32>} : memref<128x512xf32, #tpu.memory_space<vmem>>, vector<16xf32>,
      tpu.vector_store %arg10[%swap3A_233, %swap3A_234], %broadcast_in_dim3A_232 {strides = array<i32>} : memref<128x512xf32, #tpu.memory_space<vmem>>, vector<16xf32>,
      %broadcast_in_dim3A_236 = arith.constant 0.000000e+00 : f32
      %broadcast_in_dim3A_237 = vector.broadcast %broadcast_in_dim3A_236 : f32 to vector<16xf32>
      %swap3A_238 = arith.index_cast %scan3A_170 : i32 to index
      %swap3A_239 = arith.constant 208 : index
      %swap3A_240 = tpu.vector_load %arg10[%swap3A_238, %swap3A_239] {strides = array<i32>} : memref<128x512xf32, #tpu.memory_space<vmem>>, vector<16xf32>,
      tpu.vector_store %arg10[%swap3A_238, %swap3A_239], %broadcast_in_dim3A_237 {strides = array<i32>} : memref<128x512xf32, #tpu.memory_space<vmem>>, vector<16xf32>,
      %broadcast_in_dim3A_241 = arith.constant 0.000000e+00 : f32
      %broadcast_in_dim3A_242 = vector.broadcast %broadcast_in_dim3A_241 : f32 to vector<16xf32>
      %swap3A_243 = arith.index_cast %scan3A_170 : i32 to index
      %swap3A_244 = arith.constant 224 : index
      %swap3A_245 = tpu.vector_load %arg10[%swap3A_243, %swap3A_244] {strides = array<i32>} : memref<128x512xf32, #tpu.memory_space<vmem>>, vector<16xf32>,
      tpu.vector_store %arg10[%swap3A_243, %swap3A_244], %broadcast_in_dim3A_242 {strides = array<i32>} : memref<128x512xf32, #tpu.memory_space<vmem>>, vector<16xf32>,
      %broadcast_in_dim3A_246 = arith.constant 0.000000e+00 : f32
      %broadcast_in_dim3A_247 = vector.broadcast %broadcast_in_dim3A_246 : f32 to vector<16xf32>
      %swap3A_248 = arith.index_cast %scan3A_170 : i32 to index
      %swap3A_249 = arith.constant 240 : index
      %swap3A_250 = tpu.vector_load %arg10[%swap3A_248, %swap3A_249] {strides = array<i32>} : memref<128x512xf32, #tpu.memory_space<vmem>>, vector<16xf32>,
      tpu.vector_store %arg10[%swap3A_248, %swap3A_249], %broadcast_in_dim3A_247 {strides = array<i32>} : memref<128x512xf32, #tpu.memory_space<vmem>>, vector<16xf32>,
      %broadcast_in_dim3A_251 = arith.constant 0.000000e+00 : f32
      %broadcast_in_dim3A_252 = vector.broadcast %broadcast_in_dim3A_251 : f32 to vector<16xf32>
      %swap3A_253 = arith.index_cast %scan3A_170 : i32 to index
      %swap3A_254 = arith.constant 256 : index
      %swap3A_255 = tpu.vector_load %arg10[%swap3A_253, %swap3A_254] {strides = array<i32>} : memref<128x512xf32, #tpu.memory_space<vmem>>, vector<16xf32>,
      tpu.vector_store %arg10[%swap3A_253, %swap3A_254], %broadcast_in_dim3A_252 {strides = array<i32>} : memref<128x512xf32, #tpu.memory_space<vmem>>, vector<16xf32>,
      %broadcast_in_dim3A_256 = arith.constant 0.000000e+00 : f32
      %broadcast_in_dim3A_257 = vector.broadcast %broadcast_in_dim3A_256 : f32 to vector<16xf32>
      %swap3A_258 = arith.index_cast %scan3A_170 : i32 to index
      %swap3A_259 = arith.constant 272 : index
      %swap3A_260 = tpu.vector_load %arg10[%swap3A_258, %swap3A_259] {strides = array<i32>} : memref<128x512xf32, #tpu.memory_space<vmem>>, vector<16xf32>,
      tpu.vector_store %arg10[%swap3A_258, %swap3A_259], %broadcast_in_dim3A_257 {strides = array<i32>} : memref<128x512xf32, #tpu.memory_space<vmem>>, vector<16xf32>,
      %broadcast_in_dim3A_261 = arith.constant 0.000000e+00 : f32
      %broadcast_in_dim3A_262 = vector.broadcast %broadcast_in_dim3A_261 : f32 to vector<16xf32>
      %swap3A_263 = arith.index_cast %scan3A_170 : i32 to index
      %swap3A_264 = arith.constant 288 : index
      %swap3A_265 = tpu.vector_load %arg10[%swap3A_263, %swap3A_264] {strides = array<i32>} : memref<128x512xf32, #tpu.memory_space<vmem>>, vector<16xf32>,
      tpu.vector_store %arg10[%swap3A_263, %swap3A_264], %broadcast_in_dim3A_262 {strides = array<i32>} : memref<128x512xf32, #tpu.memory_space<vmem>>, vector<16xf32>,
      %broadcast_in_dim3A_266 = arith.constant 0.000000e+00 : f32
      %broadcast_in_dim3A_267 = vector.broadcast %broadcast_in_dim3A_266 : f32 to vector<16xf32>
      %swap3A_268 = arith.index_cast %scan3A_170 : i32 to index
      %swap3A_269 = arith.constant 304 : index
      %swap3A_270 = tpu.vector_load %arg10[%swap3A_268, %swap3A_269] {strides = array<i32>} : memref<128x512xf32, #tpu.memory_space<vmem>>, vector<16xf32>,
      tpu.vector_store %arg10[%swap3A_268, %swap3A_269], %broadcast_in_dim3A_267 {strides = array<i32>} : memref<128x512xf32, #tpu.memory_space<vmem>>, vector<16xf32>,
      %broadcast_in_dim3A_271 = arith.constant 0.000000e+00 : f32
      %broadcast_in_dim3A_272 = vector.broadcast %broadcast_in_dim3A_271 : f32 to vector<16xf32>
      %swap3A_273 = arith.index_cast %scan3A_170 : i32 to index
      %swap3A_274 = arith.constant 320 : index
      %swap3A_275 = tpu.vector_load %arg10[%swap3A_273, %swap3A_274] {strides = array<i32>} : memref<128x512xf32, #tpu.memory_space<vmem>>, vector<16xf32>,
      tpu.vector_store %arg10[%swap3A_273, %swap3A_274], %broadcast_in_dim3A_272 {strides = array<i32>} : memref<128x512xf32, #tpu.memory_space<vmem>>, vector<16xf32>,
      %broadcast_in_dim3A_276 = arith.constant 0.000000e+00 : f32
      %broadcast_in_dim3A_277 = vector.broadcast %broadcast_in_dim3A_276 : f32 to vector<16xf32>
      %swap3A_278 = arith.index_cast %scan3A_170 : i32 to index
      %swap3A_279 = arith.constant 336 : index
      %swap3A_280 = tpu.vector_load %arg10[%swap3A_278, %swap3A_279] {strides = array<i32>} : memref<128x512xf32, #tpu.memory_space<vmem>>, vector<16xf32>,
      tpu.vector_store %arg10[%swap3A_278, %swap3A_279], %broadcast_in_dim3A_277 {strides = array<i32>} : memref<128x512xf32, #tpu.memory_space<vmem>>, vector<16xf32>,
      %broadcast_in_dim3A_281 = arith.constant 0.000000e+00 : f32
      %broadcast_in_dim3A_282 = vector.broadcast %broadcast_in_dim3A_281 : f32 to vector<16xf32>
      %swap3A_283 = arith.index_cast %scan3A_170 : i32 to index
      %swap3A_284 = arith.constant 352 : index
      %swap3A_285 = tpu.vector_load %arg10[%swap3A_283, %swap3A_284] {strides = array<i32>} : memref<128x512xf32, #tpu.memory_space<vmem>>, vector<16xf32>,
      tpu.vector_store %arg10[%swap3A_283, %swap3A_284], %broadcast_in_dim3A_282 {strides = array<i32>} : memref<128x512xf32, #tpu.memory_space<vmem>>, vector<16xf32>,
      %broadcast_in_dim3A_286 = arith.constant 0.000000e+00 : f32
      %broadcast_in_dim3A_287 = vector.broadcast %broadcast_in_dim3A_286 : f32 to vector<16xf32>
      %swap3A_288 = arith.index_cast %scan3A_170 : i32 to index
      %swap3A_289 = arith.constant 368 : index
      %swap3A_290 = tpu.vector_load %arg10[%swap3A_288, %swap3A_289] {strides = array<i32>} : memref<128x512xf32, #tpu.memory_space<vmem>>, vector<16xf32>,
      tpu.vector_store %arg10[%swap3A_288, %swap3A_289], %broadcast_in_dim3A_287 {strides = array<i32>} : memref<128x512xf32, #tpu.memory_space<vmem>>, vector<16xf32>,
      %broadcast_in_dim3A_291 = arith.constant 0.000000e+00 : f32
      %broadcast_in_dim3A_292 = vector.broadcast %broadcast_in_dim3A_291 : f32 to vector<16xf32>
      %swap3A_293 = arith.index_cast %scan3A_170 : i32 to index
      %swap3A_294 = arith.constant 384 : index
      %swap3A_295 = tpu.vector_load %arg10[%swap3A_293, %swap3A_294] {strides = array<i32>} : memref<128x512xf32, #tpu.memory_space<vmem>>, vector<16xf32>,
      tpu.vector_store %arg10[%swap3A_293, %swap3A_294], %broadcast_in_dim3A_292 {strides = array<i32>} : memref<128x512xf32, #tpu.memory_space<vmem>>, vector<16xf32>,
      %broadcast_in_dim3A_296 = arith.constant 0.000000e+00 : f32
      %broadcast_in_dim3A_297 = vector.broadcast %broadcast_in_dim3A_296 : f32 to vector<16xf32>
      %swap3A_298 = arith.index_cast %scan3A_170 : i32 to index
      %swap3A_299 = arith.constant 400 : index
      %swap3A_300 = tpu.vector_load %arg10[%swap3A_298, %swap3A_299] {strides = array<i32>} : memref<128x512xf32, #tpu.memory_space<vmem>>, vector<16xf32>,
      tpu.vector_store %arg10[%swap3A_298, %swap3A_299], %broadcast_in_dim3A_297 {strides = array<i32>} : memref<128x512xf32, #tpu.memory_space<vmem>>, vector<16xf32>,
      %broadcast_in_dim3A_301 = arith.constant 0.000000e+00 : f32
      %broadcast_in_dim3A_302 = vector.broadcast %broadcast_in_dim3A_301 : f32 to vector<16xf32>
      %swap3A_303 = arith.index_cast %scan3A_170 : i32 to index
      %swap3A_304 = arith.constant 416 : index
      %swap3A_305 = tpu.vector_load %arg10[%swap3A_303, %swap3A_304] {strides = array<i32>} : memref<128x512xf32, #tpu.memory_space<vmem>>, vector<16xf32>,
      tpu.vector_store %arg10[%swap3A_303, %swap3A_304], %broadcast_in_dim3A_302 {strides = array<i32>} : memref<128x512xf32, #tpu.memory_space<vmem>>, vector<16xf32>,
      %broadcast_in_dim3A_306 = arith.constant 0.000000e+00 : f32
      %broadcast_in_dim3A_307 = vector.broadcast %broadcast_in_dim3A_306 : f32 to vector<16xf32>
      %swap3A_308 = arith.index_cast %scan3A_170 : i32 to index
      %swap3A_309 = arith.constant 432 : index
      %swap3A_310 = tpu.vector_load %arg10[%swap3A_308, %swap3A_309] {strides = array<i32>} : memref<128x512xf32, #tpu.memory_space<vmem>>, vector<16xf32>,
      tpu.vector_store %arg10[%swap3A_308, %swap3A_309], %broadcast_in_dim3A_307 {strides = array<i32>} : memref<128x512xf32, #tpu.memory_space<vmem>>, vector<16xf32>,
      %broadcast_in_dim3A_311 = arith.constant 0.000000e+00 : f32
      %broadcast_in_dim3A_312 = vector.broadcast %broadcast_in_dim3A_311 : f32 to vector<16xf32>
      %swap3A_313 = arith.index_cast %scan3A_170 : i32 to index
      %swap3A_314 = arith.constant 448 : index
      %swap3A_315 = tpu.vector_load %arg10[%swap3A_313, %swap3A_314] {strides = array<i32>} : memref<128x512xf32, #tpu.memory_space<vmem>>, vector<16xf32>,
      tpu.vector_store %arg10[%swap3A_313, %swap3A_314], %broadcast_in_dim3A_312 {strides = array<i32>} : memref<128x512xf32, #tpu.memory_space<vmem>>, vector<16xf32>,
      %broadcast_in_dim3A_316 = arith.constant 0.000000e+00 : f32
      %broadcast_in_dim3A_317 = vector.broadcast %broadcast_in_dim3A_316 : f32 to vector<16xf32>
      %swap3A_318 = arith.index_cast %scan3A_170 : i32 to index
      %swap3A_319 = arith.constant 464 : index
      %swap3A_320 = tpu.vector_load %arg10[%swap3A_318, %swap3A_319] {strides = array<i32>} : memref<128x512xf32, #tpu.memory_space<vmem>>, vector<16xf32>,
      tpu.vector_store %arg10[%swap3A_318, %swap3A_319], %broadcast_in_dim3A_317 {strides = array<i32>} : memref<128x512xf32, #tpu.memory_space<vmem>>, vector<16xf32>,
      %broadcast_in_dim3A_321 = arith.constant 0.000000e+00 : f32
      %broadcast_in_dim3A_322 = vector.broadcast %broadcast_in_dim3A_321 : f32 to vector<16xf32>
      %swap3A_323 = arith.index_cast %scan3A_170 : i32 to index
      %swap3A_324 = arith.constant 480 : index
      %swap3A_325 = tpu.vector_load %arg10[%swap3A_323, %swap3A_324] {strides = array<i32>} : memref<128x512xf32, #tpu.memory_space<vmem>>, vector<16xf32>,
      tpu.vector_store %arg10[%swap3A_323, %swap3A_324], %broadcast_in_dim3A_322 {strides = array<i32>} : memref<128x512xf32, #tpu.memory_space<vmem>>, vector<16xf32>,
      %broadcast_in_dim3A_326 = arith.constant 0.000000e+00 : f32
      %broadcast_in_dim3A_327 = vector.broadcast %broadcast_in_dim3A_326 : f32 to vector<16xf32>
      %swap3A_328 = arith.index_cast %scan3A_170 : i32 to index
      %swap3A_329 = arith.constant 496 : index
      %swap3A_330 = tpu.vector_load %arg10[%swap3A_328, %swap3A_329] {strides = array<i32>} : memref<128x512xf32, #tpu.memory_space<vmem>>, vector<16xf32>,
      tpu.vector_store %arg10[%swap3A_328, %swap3A_329], %broadcast_in_dim3A_327 {strides = array<i32>} : memref<128x512xf32, #tpu.memory_space<vmem>>, vector<16xf32>,
      %scan3A_331 = arith.constant 0 : i32
      scf.yield %scan3A_331 : i32
    }
    %scan3A_7 = arith.constant 128 : i32
    %mul3A_8 = arith.constant 4 : i32
    %mul3A_9 = arith.muli %add3A, %mul3A_8 : i32
    %add3A_10 = arith.constant 0 : i32
    %add3A_11 = arith.addi %mul3A_9, %add3A_10 : i32
    %jit3A = arith.constant 4 : i32
    %div3A = arith.divsi %add3A_11, %jit3A : i32
    %sign3A = arith.constant 0 : i32
    %sign3A_12 = arith.cmpi sgt, %add3A_11, %sign3A : i32
    %sign3A_13 = arith.extui %sign3A_12 : i1 to i32
    %sign3A_14 = arith.constant 0 : i32
    %sign3A_15 = arith.cmpi slt, %add3A_11, %sign3A_14 : i32
    %sign3A_16 = arith.extui %sign3A_15 : i1 to i32
    %sign3A_17 = arith.subi %sign3A_13, %sign3A_16 : i32
    %sign3A_18 = arith.constant 0 : i32
    %sign3A_19 = arith.cmpi sgt, %jit3A, %sign3A_18 : i32
    %sign3A_20 = arith.extui %sign3A_19 : i1 to i32
    %sign3A_21 = arith.constant 0 : i32
    %sign3A_22 = arith.cmpi slt, %jit3A, %sign3A_21 : i32
    %sign3A_23 = arith.extui %sign3A_22 : i1 to i32
    %sign3A_24 = arith.subi %sign3A_20, %sign3A_23 : i32
    %ne3A = arith.cmpi ne, %sign3A_17, %sign3A_24 : i32
    %rem3A = arith.remsi %add3A_11, %jit3A : i32
    %ne3A_25 = arith.constant 0 : i32
    %ne3A_26 = arith.cmpi ne, %rem3A, %ne3A_25 : i32
    %and3A = arith.andi %ne3A, %ne3A_26 : i1
    %sub3A = arith.constant 1 : i32
    %sub3A_27 = arith.subi %div3A, %sub3A : i32
    %select_n3A = arith.select %and3A, %sub3A_27, %div3A : i32
    "tpu.region"() ({
      %run_scoped3A = tpu.sem_alloc : memref<!tpu.dma_semaphore, #tpu.memory_space<semaphore_mem>>
      %dma_start3A = arith.constant 0 : i32
      %dma_start3A_170 = tpu.memref_slice %arg2[%select_n3A, %dma_start3A] : memref<32x2048xi32, #tpu.memory_space<hbm>> -> memref<1x2048xi32, #tpu.memory_space<hbm>>
      %dma_start3A_171 = tpu.memref_squeeze %dma_start3A_170 : memref<1x2048xi32, #tpu.memory_space<hbm>> -> memref<2048xi32, #tpu.memory_space<hbm>>
      %dma_start3A_172 = arith.constant 0 : i32
      %dma_start3A_173 = tpu.memref_slice %arg2[%select_n3A, %dma_start3A_172] : memref<32x2048xi32, #tpu.memory_space<hbm>> -> memref<1x2048xi32, #tpu.memory_space<hbm>>
      %dma_start3A_174 = tpu.memref_squeeze %dma_start3A_173 : memref<1x2048xi32, #tpu.memory_space<hbm>> -> memref<2048xi32, #tpu.memory_space<hbm>>
      tpu.enqueue_dma source(%dma_start3A_174 : memref<2048xi32, #tpu.memory_space<hbm>>) target(%arg8 : memref<2048xi32, #tpu.memory_space<vmem>>) target_semaphore(%run_scoped3A : memref<!tpu.dma_semaphore, #tpu.memory_space<semaphore_mem>>)
      %dma_wait3A = arith.constant 0 : i32
      %dma_wait3A_175 = tpu.memref_slice %arg2[%select_n3A, %dma_wait3A] : memref<32x2048xi32, #tpu.memory_space<hbm>> -> memref<1x2048xi32, #tpu.memory_space<hbm>>
      %dma_wait3A_176 = tpu.memref_squeeze %dma_wait3A_175 : memref<1x2048xi32, #tpu.memory_space<hbm>> -> memref<2048xi32, #tpu.memory_space<hbm>>
      %dma_wait3A_177 = arith.constant 0 : i32
      %dma_wait3A_178 = tpu.memref_slice %arg2[%select_n3A, %dma_wait3A_177] : memref<32x2048xi32, #tpu.memory_space<hbm>> -> memref<1x2048xi32, #tpu.memory_space<hbm>>
      %dma_wait3A_179 = tpu.memref_squeeze %dma_wait3A_178 : memref<1x2048xi32, #tpu.memory_space<hbm>> -> memref<2048xi32, #tpu.memory_space<hbm>>
      tpu.wait_dma2 semaphore(%run_scoped3A : memref<!tpu.dma_semaphore, #tpu.memory_space<semaphore_mem>>) src(%dma_wait3A_179 : memref<2048xi32, #tpu.memory_space<hbm>>) dst(%arg8 : memref<2048xi32, #tpu.memory_space<vmem>>)
      tpu.yield
    }) : () -> ()
    "tpu.region"() ({
      %run_scoped3A = tpu.sem_alloc : memref<!tpu.dma_semaphore, #tpu.memory_space<semaphore_mem>>
      %dma_start3A = arith.constant 0 : i32
      %dma_start3A_170 = tpu.memref_slice %arg3[%select_n3A, %dma_start3A] : memref<32x2048xi32, #tpu.memory_space<hbm>> -> memref<1x2048xi32, #tpu.memory_space<hbm>>
      %dma_start3A_171 = tpu.memref_squeeze %dma_start3A_170 : memref<1x2048xi32, #tpu.memory_space<hbm>> -> memref<2048xi32, #tpu.memory_space<hbm>>
      %dma_start3A_172 = arith.constant 0 : i32
      %dma_start3A_173 = tpu.memref_slice %arg3[%select_n3A, %dma_start3A_172] : memref<32x2048xi32, #tpu.memory_space<hbm>> -> memref<1x2048xi32, #tpu.memory_space<hbm>>
      %dma_start3A_174 = tpu.memref_squeeze %dma_start3A_173 : memref<1x2048xi32, #tpu.memory_space<hbm>> -> memref<2048xi32, #tpu.memory_space<hbm>>
      tpu.enqueue_dma source(%dma_start3A_174 : memref<2048xi32, #tpu.memory_space<hbm>>) target(%arg9 : memref<2048xi32, #tpu.memory_space<vmem>>) target_semaphore(%run_scoped3A : memref<!tpu.dma_semaphore, #tpu.memory_space<semaphore_mem>>)
      %dma_wait3A = arith.constant 0 : i32
      %dma_wait3A_175 = tpu.memref_slice %arg3[%select_n3A, %dma_wait3A] : memref<32x2048xi32, #tpu.memory_space<hbm>> -> memref<1x2048xi32, #tpu.memory_space<hbm>>
      %dma_wait3A_176 = tpu.memref_squeeze %dma_wait3A_175 : memref<1x2048xi32, #tpu.memory_space<hbm>> -> memref<2048xi32, #tpu.memory_space<hbm>>
      %dma_wait3A_177 = arith.constant 0 : i32
      %dma_wait3A_178 = tpu.memref_slice %arg3[%select_n3A, %dma_wait3A_177] : memref<32x2048xi32, #tpu.memory_space<hbm>> -> memref<1x2048xi32, #tpu.memory_space<hbm>>
      %dma_wait3A_179 = tpu.memref_squeeze %dma_wait3A_178 : memref<1x2048xi32, #tpu.memory_space<hbm>> -> memref<2048xi32, #tpu.memory_space<hbm>>
      tpu.wait_dma2 semaphore(%run_scoped3A : memref<!tpu.dma_semaphore, #tpu.memory_space<semaphore_mem>>) src(%dma_wait3A_179 : memref<2048xi32, #tpu.memory_space<hbm>>) dst(%arg9 : memref<2048xi32, #tpu.memory_space<vmem>>)
      tpu.yield
    }) : () -> ()
    %scan3A_28 = arith.constant 0 : i32
    %scan3A_29 = arith.constant 0 : i32
    %scan3A_30 = arith.constant 128 : i32
    %scan3A_31 = arith.addi %scan3A_29, %scan3A_30 : i32
    %scan3A_32 = arith.constant 1 : i32
    %scan3A_33 = scf.for %scan3A_170 = %scan3A_29 to %scan3A_31 step %scan3A_32 iter_args(%scan3A_171 = %scan3A_28) -> (i32)  : i32 {
      %mul3A_172 = arith.constant 16 : i32
      %mul3A_173 = arith.muli %scan3A_170, %mul3A_172 : i32
      %get3A = arith.index_cast %mul3A_173 : i32 to index
      %get3A_174 = tpu.vector_load %arg8[%get3A] {strides = array<i32>} : memref<2048xi32, #tpu.memory_space<vmem>>, vector<16xi32>,
      %mul3A_175 = arith.constant 16 : i32
      %mul3A_176 = arith.muli %scan3A_170, %mul3A_175 : i32
      %get3A_177 = arith.index_cast %mul3A_176 : i32 to index
      %get3A_178 = tpu.vector_load %arg9[%get3A_177] {strides = array<i32>} : memref<2048xi32, #tpu.memory_space<vmem>>, vector<16xi32>,
      %ge3A = arith.constant 0 : i32
      %ge3A_179 = vector.broadcast %ge3A : i32 to vector<16xi32>
      %ge3A_180 = arith.cmpi sge, %get3A_178, %ge3A_179 : vector<16xi32>
      %lt3A_181 = arith.constant 128 : i32
      %lt3A_182 = vector.broadcast %lt3A_181 : i32 to vector<16xi32>
      %lt3A_183 = arith.cmpi slt, %get3A_178, %lt3A_182 : vector<16xi32>
      %and3A_184 = arith.andi %ge3A_180, %lt3A_183 : vector<16xi1>
      %sub3A_185 = arith.constant 0 : i32
      %sub3A_186 = vector.broadcast %sub3A_185 : i32 to vector<16xi32>
      %sub3A_187 = arith.subi %get3A_178, %sub3A_186 : vector<16xi32>
      %mul3A_188 = arith.constant 1.000000e+00 : f32
      %mul3A_189 = vector.broadcast %mul3A_188 : f32 to vector<16xf32>
      %mul3A_190 = arith.mulf %mul3A_189, %broadcast_in_dim3A_1 : vector<16xf32>
      tpu.vector_store_idx %arg10[%sub3A_187, %get3A_174], %mul3A_190 masked %and3A_184 {add = true} : memref<128x512xf32, #tpu.memory_space<vmem>>[vector<16xi32>, vector<16xi32>], vector<16xf32>, vector<16xi1>
      %scan3A_191 = arith.constant 0 : i32
      scf.yield %scan3A_191 : i32
    }
    %scan3A_34 = arith.constant 128 : i32
    "tpu.region"() ({
      %run_scoped3A = tpu.sem_alloc : memref<!tpu.dma_semaphore, #tpu.memory_space<semaphore_mem>>
      %dma_start3A = arith.constant 0 : i32
      %dma_start3A_170 = arith.constant 0 : i32
      %dma_start3A_171 = tpu.memref_slice %arg6[%select_n3A, %dma_start3A, %dma_start3A_170] : memref<32x512x512xf32, #tpu.memory_space<hbm>> -> memref<1x128x512xf32, #tpu.memory_space<hbm>>
      %dma_start3A_172 = tpu.memref_squeeze %dma_start3A_171 : memref<1x128x512xf32, #tpu.memory_space<hbm>> -> memref<128x512xf32, #tpu.memory_space<hbm>>
      %dma_start3A_173 = arith.constant 0 : i32
      %dma_start3A_174 = arith.constant 0 : i32
      %dma_start3A_175 = tpu.memref_slice %arg6[%select_n3A, %dma_start3A_173, %dma_start3A_174] : memref<32x512x512xf32, #tpu.memory_space<hbm>> -> memref<1x128x512xf32, #tpu.memory_space<hbm>>
      %dma_start3A_176 = tpu.memref_squeeze %dma_start3A_175 : memref<1x128x512xf32, #tpu.memory_space<hbm>> -> memref<128x512xf32, #tpu.memory_space<hbm>>
      tpu.enqueue_dma source(%arg10 : memref<128x512xf32, #tpu.memory_space<vmem>>) target(%dma_start3A_176 : memref<128x512xf32, #tpu.memory_space<hbm>>) target_semaphore(%run_scoped3A : memref<!tpu.dma_semaphore, #tpu.memory_space<semaphore_mem>>)
      %dma_wait3A = arith.constant 0 : i32
      %dma_wait3A_177 = arith.constant 0 : i32
      %dma_wait3A_178 = tpu.memref_slice %arg6[%select_n3A, %dma_wait3A, %dma_wait3A_177] : memref<32x512x512xf32, #tpu.memory_space<hbm>> -> memref<1x128x512xf32, #tpu.memory_space<hbm>>
      %dma_wait3A_179 = tpu.memref_squeeze %dma_wait3A_178 : memref<1x128x512xf32, #tpu.memory_space<hbm>> -> memref<128x512xf32, #tpu.memory_space<hbm>>
      %dma_wait3A_180 = arith.constant 0 : i32
      %dma_wait3A_181 = arith.constant 0 : i32
      %dma_wait3A_182 = tpu.memref_slice %arg6[%select_n3A, %dma_wait3A_180, %dma_wait3A_181] : memref<32x512x512xf32, #tpu.memory_space<hbm>> -> memref<1x128x512xf32, #tpu.memory_space<hbm>>
      %dma_wait3A_183 = tpu.memref_squeeze %dma_wait3A_182 : memref<1x128x512xf32, #tpu.memory_space<hbm>> -> memref<128x512xf32, #tpu.memory_space<hbm>>
      tpu.wait_dma2 semaphore(%run_scoped3A : memref<!tpu.dma_semaphore, #tpu.memory_space<semaphore_mem>>) src(%arg10 : memref<128x512xf32, #tpu.memory_space<vmem>>) dst(%dma_wait3A_183 : memref<128x512xf32, #tpu.memory_space<hbm>>)
      tpu.yield
    }) : () -> ()
    %scan3A_35 = arith.constant 0 : i32
    %scan3A_36 = arith.constant 0 : i32
    %scan3A_37 = arith.constant 128 : i32
    %scan3A_38 = arith.addi %scan3A_36, %scan3A_37 : i32
    %scan3A_39 = arith.constant 1 : i32
    %scan3A_40 = scf.for %scan3A_170 = %scan3A_36 to %scan3A_38 step %scan3A_39 iter_args(%scan3A_171 = %scan3A_35) -> (i32)  : i32 {
      %mul3A_172 = arith.constant 16 : i32
      %mul3A_173 = arith.muli %scan3A_170, %mul3A_172 : i32
      %get3A = arith.index_cast %mul3A_173 : i32 to index
      %get3A_174 = tpu.vector_load %arg8[%get3A] {strides = array<i32>} : memref<2048xi32, #tpu.memory_space<vmem>>, vector<16xi32>,
      %mul3A_175 = arith.constant 16 : i32
      %mul3A_176 = arith.muli %scan3A_170, %mul3A_175 : i32
      %get3A_177 = arith.index_cast %mul3A_176 : i32 to index
      %get3A_178 = tpu.vector_load %arg9[%get3A_177] {strides = array<i32>} : memref<2048xi32, #tpu.memory_space<vmem>>, vector<16xi32>,
      %ge3A = arith.constant 0 : i32
      %ge3A_179 = vector.broadcast %ge3A : i32 to vector<16xi32>
      %ge3A_180 = arith.cmpi sge, %get3A_178, %ge3A_179 : vector<16xi32>
      %lt3A_181 = arith.constant 128 : i32
      %lt3A_182 = vector.broadcast %lt3A_181 : i32 to vector<16xi32>
      %lt3A_183 = arith.cmpi slt, %get3A_178, %lt3A_182 : vector<16xi32>
      %and3A_184 = arith.andi %ge3A_180, %lt3A_183 : vector<16xi1>
      %sub3A_185 = arith.constant 0 : i32
      %sub3A_186 = vector.broadcast %sub3A_185 : i32 to vector<16xi32>
      %sub3A_187 = arith.subi %get3A_178, %sub3A_186 : vector<16xi32>
      %mul3A_188 = arith.constant -1.000000e+00 : f32
      %mul3A_189 = vector.broadcast %mul3A_188 : f32 to vector<16xf32>
      %mul3A_190 = arith.mulf %mul3A_189, %broadcast_in_dim3A_1 : vector<16xf32>
      tpu.vector_store_idx %arg10[%sub3A_187, %get3A_174], %mul3A_190 masked %and3A_184 {add = true} : memref<128x512xf32, #tpu.memory_space<vmem>>[vector<16xi32>, vector<16xi32>], vector<16xf32>, vector<16xi1>
      %scan3A_191 = arith.constant 0 : i32
      scf.yield %scan3A_191 : i32
    }
    %scan3A_41 = arith.constant 128 : i32
    %mul3A_42 = arith.constant 4 : i32
    %mul3A_43 = arith.muli %add3A, %mul3A_42 : i32
    %add3A_44 = arith.constant 1 : i32
    %add3A_45 = arith.addi %mul3A_43, %add3A_44 : i32
    %jit3A_46 = arith.constant 4 : i32
    %div3A_47 = arith.divsi %add3A_45, %jit3A_46 : i32
    %sign3A_48 = arith.constant 0 : i32
    %sign3A_49 = arith.cmpi sgt, %add3A_45, %sign3A_48 : i32
    %sign3A_50 = arith.extui %sign3A_49 : i1 to i32
    %sign3A_51 = arith.constant 0 : i32
    %sign3A_52 = arith.cmpi slt, %add3A_45, %sign3A_51 : i32
    %sign3A_53 = arith.extui %sign3A_52 : i1 to i32
    %sign3A_54 = arith.subi %sign3A_50, %sign3A_53 : i32
    %sign3A_55 = arith.constant 0 : i32
    %sign3A_56 = arith.cmpi sgt, %jit3A_46, %sign3A_55 : i32
    %sign3A_57 = arith.extui %sign3A_56 : i1 to i32
    %sign3A_58 = arith.constant 0 : i32
    %sign3A_59 = arith.cmpi slt, %jit3A_46, %sign3A_58 : i32
    %sign3A_60 = arith.extui %sign3A_59 : i1 to i32
    %sign3A_61 = arith.subi %sign3A_57, %sign3A_60 : i32
    %ne3A_62 = arith.cmpi ne, %sign3A_54, %sign3A_61 : i32
    %rem3A_63 = arith.remsi %add3A_45, %jit3A_46 : i32
    %ne3A_64 = arith.constant 0 : i32
    %ne3A_65 = arith.cmpi ne, %rem3A_63, %ne3A_64 : i32
    %and3A_66 = arith.andi %ne3A_62, %ne3A_65 : i1
    %sub3A_67 = arith.constant 1 : i32
    %sub3A_68 = arith.subi %div3A_47, %sub3A_67 : i32
    %select_n3A_69 = arith.select %and3A_66, %sub3A_68, %div3A_47 : i32
    %scan3A_70 = arith.constant 0 : i32
    %scan3A_71 = arith.constant 0 : i32
    %scan3A_72 = arith.constant 128 : i32
    %scan3A_73 = arith.addi %scan3A_71, %scan3A_72 : i32
    %scan3A_74 = arith.constant 1 : i32
    %scan3A_75 = scf.for %scan3A_170 = %scan3A_71 to %scan3A_73 step %scan3A_74 iter_args(%scan3A_171 = %scan3A_70) -> (i32)  : i32 {
      %mul3A_172 = arith.constant 16 : i32
      %mul3A_173 = arith.muli %scan3A_170, %mul3A_172 : i32
      %get3A = arith.index_cast %mul3A_173 : i32 to index
      %get3A_174 = tpu.vector_load %arg8[%get3A] {strides = array<i32>} : memref<2048xi32, #tpu.memory_space<vmem>>, vector<16xi32>,
      %mul3A_175 = arith.constant 16 : i32
      %mul3A_176 = arith.muli %scan3A_170, %mul3A_175 : i32
      %get3A_177 = arith.index_cast %mul3A_176 : i32 to index
      %get3A_178 = tpu.vector_load %arg9[%get3A_177] {strides = array<i32>} : memref<2048xi32, #tpu.memory_space<vmem>>, vector<16xi32>,
      %ge3A = arith.constant 128 : i32
      %ge3A_179 = vector.broadcast %ge3A : i32 to vector<16xi32>
      %ge3A_180 = arith.cmpi sge, %get3A_178, %ge3A_179 : vector<16xi32>
      %lt3A_181 = arith.constant 256 : i32
      %lt3A_182 = vector.broadcast %lt3A_181 : i32 to vector<16xi32>
      %lt3A_183 = arith.cmpi slt, %get3A_178, %lt3A_182 : vector<16xi32>
      %and3A_184 = arith.andi %ge3A_180, %lt3A_183 : vector<16xi1>
      %sub3A_185 = arith.constant 128 : i32
      %sub3A_186 = vector.broadcast %sub3A_185 : i32 to vector<16xi32>
      %sub3A_187 = arith.subi %get3A_178, %sub3A_186 : vector<16xi32>
      %mul3A_188 = arith.constant 1.000000e+00 : f32
      %mul3A_189 = vector.broadcast %mul3A_188 : f32 to vector<16xf32>
      %mul3A_190 = arith.mulf %mul3A_189, %broadcast_in_dim3A_1 : vector<16xf32>
      tpu.vector_store_idx %arg10[%sub3A_187, %get3A_174], %mul3A_190 masked %and3A_184 {add = true} : memref<128x512xf32, #tpu.memory_space<vmem>>[vector<16xi32>, vector<16xi32>], vector<16xf32>, vector<16xi1>
      %scan3A_191 = arith.constant 0 : i32
      scf.yield %scan3A_191 : i32
    }
    %scan3A_76 = arith.constant 128 : i32
    "tpu.region"() ({
      %run_scoped3A = tpu.sem_alloc : memref<!tpu.dma_semaphore, #tpu.memory_space<semaphore_mem>>
      %dma_start3A = arith.constant 128 : i32
      %dma_start3A_170 = arith.constant 0 : i32
      %dma_start3A_171 = tpu.memref_slice %arg6[%select_n3A_69, %dma_start3A, %dma_start3A_170] : memref<32x512x512xf32, #tpu.memory_space<hbm>> -> memref<1x128x512xf32, #tpu.memory_space<hbm>>
      %dma_start3A_172 = tpu.memref_squeeze %dma_start3A_171 : memref<1x128x512xf32, #tpu.memory_space<hbm>> -> memref<128x512xf32, #tpu.memory_space<hbm>>
      %dma_start3A_173 = arith.constant 128 : i32
      %dma_start3A_174 = arith.constant 0 : i32
      %dma_start3A_175 = tpu.memref_slice %arg6[%select_n3A_69, %dma_start3A_173, %dma_start3A_174] : memref<32x512x512xf32, #tpu.memory_space<hbm>> -> memref<1x128x512xf32, #tpu.memory_space<hbm>>
      %dma_start3A_176 = tpu.memref_squeeze %dma_start3A_175 : memref<1x128x512xf32, #tpu.memory_space<hbm>> -> memref<128x512xf32, #tpu.memory_space<hbm>>
      tpu.enqueue_dma source(%arg10 : memref<128x512xf32, #tpu.memory_space<vmem>>) target(%dma_start3A_176 : memref<128x512xf32, #tpu.memory_space<hbm>>) target_semaphore(%run_scoped3A : memref<!tpu.dma_semaphore, #tpu.memory_space<semaphore_mem>>)
      %dma_wait3A = arith.constant 128 : i32
      %dma_wait3A_177 = arith.constant 0 : i32
      %dma_wait3A_178 = tpu.memref_slice %arg6[%select_n3A_69, %dma_wait3A, %dma_wait3A_177] : memref<32x512x512xf32, #tpu.memory_space<hbm>> -> memref<1x128x512xf32, #tpu.memory_space<hbm>>
      %dma_wait3A_179 = tpu.memref_squeeze %dma_wait3A_178 : memref<1x128x512xf32, #tpu.memory_space<hbm>> -> memref<128x512xf32, #tpu.memory_space<hbm>>
      %dma_wait3A_180 = arith.constant 128 : i32
      %dma_wait3A_181 = arith.constant 0 : i32
      %dma_wait3A_182 = tpu.memref_slice %arg6[%select_n3A_69, %dma_wait3A_180, %dma_wait3A_181] : memref<32x512x512xf32, #tpu.memory_space<hbm>> -> memref<1x128x512xf32, #tpu.memory_space<hbm>>
      %dma_wait3A_183 = tpu.memref_squeeze %dma_wait3A_182 : memref<1x128x512xf32, #tpu.memory_space<hbm>> -> memref<128x512xf32, #tpu.memory_space<hbm>>
      tpu.wait_dma2 semaphore(%run_scoped3A : memref<!tpu.dma_semaphore, #tpu.memory_space<semaphore_mem>>) src(%arg10 : memref<128x512xf32, #tpu.memory_space<vmem>>) dst(%dma_wait3A_183 : memref<128x512xf32, #tpu.memory_space<hbm>>)
      tpu.yield
    }) : () -> ()
    %scan3A_77 = arith.constant 0 : i32
    %scan3A_78 = arith.constant 0 : i32
    %scan3A_79 = arith.constant 128 : i32
    %scan3A_80 = arith.addi %scan3A_78, %scan3A_79 : i32
    %scan3A_81 = arith.constant 1 : i32
    %scan3A_82 = scf.for %scan3A_170 = %scan3A_78 to %scan3A_80 step %scan3A_81 iter_args(%scan3A_171 = %scan3A_77) -> (i32)  : i32 {
      %mul3A_172 = arith.constant 16 : i32
      %mul3A_173 = arith.muli %scan3A_170, %mul3A_172 : i32
      %get3A = arith.index_cast %mul3A_173 : i32 to index
      %get3A_174 = tpu.vector_load %arg8[%get3A] {strides = array<i32>} : memref<2048xi32, #tpu.memory_space<vmem>>, vector<16xi32>,
      %mul3A_175 = arith.constant 16 : i32
      %mul3A_176 = arith.muli %scan3A_170, %mul3A_175 : i32
      %get3A_177 = arith.index_cast %mul3A_176 : i32 to index
      %get3A_178 = tpu.vector_load %arg9[%get3A_177] {strides = array<i32>} : memref<2048xi32, #tpu.memory_space<vmem>>, vector<16xi32>,
      %ge3A = arith.constant 128 : i32
      %ge3A_179 = vector.broadcast %ge3A : i32 to vector<16xi32>
      %ge3A_180 = arith.cmpi sge, %get3A_178, %ge3A_179 : vector<16xi32>
      %lt3A_181 = arith.constant 256 : i32
      %lt3A_182 = vector.broadcast %lt3A_181 : i32 to vector<16xi32>
      %lt3A_183 = arith.cmpi slt, %get3A_178, %lt3A_182 : vector<16xi32>
      %and3A_184 = arith.andi %ge3A_180, %lt3A_183 : vector<16xi1>
      %sub3A_185 = arith.constant 128 : i32
      %sub3A_186 = vector.broadcast %sub3A_185 : i32 to vector<16xi32>
      %sub3A_187 = arith.subi %get3A_178, %sub3A_186 : vector<16xi32>
      %mul3A_188 = arith.constant -1.000000e+00 : f32
      %mul3A_189 = vector.broadcast %mul3A_188 : f32 to vector<16xf32>
      %mul3A_190 = arith.mulf %mul3A_189, %broadcast_in_dim3A_1 : vector<16xf32>
      tpu.vector_store_idx %arg10[%sub3A_187, %get3A_174], %mul3A_190 masked %and3A_184 {add = true} : memref<128x512xf32, #tpu.memory_space<vmem>>[vector<16xi32>, vector<16xi32>], vector<16xf32>, vector<16xi1>
      %scan3A_191 = arith.constant 0 : i32
      scf.yield %scan3A_191 : i32
    }
    %scan3A_83 = arith.constant 128 : i32
    %mul3A_84 = arith.constant 4 : i32
    %mul3A_85 = arith.muli %add3A, %mul3A_84 : i32
    %add3A_86 = arith.constant 2 : i32
    %add3A_87 = arith.addi %mul3A_85, %add3A_86 : i32
    %jit3A_88 = arith.constant 4 : i32
    %div3A_89 = arith.divsi %add3A_87, %jit3A_88 : i32
    %sign3A_90 = arith.constant 0 : i32
    %sign3A_91 = arith.cmpi sgt, %add3A_87, %sign3A_90 : i32
    %sign3A_92 = arith.extui %sign3A_91 : i1 to i32
    %sign3A_93 = arith.constant 0 : i32
    %sign3A_94 = arith.cmpi slt, %add3A_87, %sign3A_93 : i32
    %sign3A_95 = arith.extui %sign3A_94 : i1 to i32
    %sign3A_96 = arith.subi %sign3A_92, %sign3A_95 : i32
    %sign3A_97 = arith.constant 0 : i32
    %sign3A_98 = arith.cmpi sgt, %jit3A_88, %sign3A_97 : i32
    %sign3A_99 = arith.extui %sign3A_98 : i1 to i32
    %sign3A_100 = arith.constant 0 : i32
    %sign3A_101 = arith.cmpi slt, %jit3A_88, %sign3A_100 : i32
    %sign3A_102 = arith.extui %sign3A_101 : i1 to i32
    %sign3A_103 = arith.subi %sign3A_99, %sign3A_102 : i32
    %ne3A_104 = arith.cmpi ne, %sign3A_96, %sign3A_103 : i32
    %rem3A_105 = arith.remsi %add3A_87, %jit3A_88 : i32
    %ne3A_106 = arith.constant 0 : i32
    %ne3A_107 = arith.cmpi ne, %rem3A_105, %ne3A_106 : i32
    %and3A_108 = arith.andi %ne3A_104, %ne3A_107 : i1
    %sub3A_109 = arith.constant 1 : i32
    %sub3A_110 = arith.subi %div3A_89, %sub3A_109 : i32
    %select_n3A_111 = arith.select %and3A_108, %sub3A_110, %div3A_89 : i32
    %scan3A_112 = arith.constant 0 : i32
    %scan3A_113 = arith.constant 0 : i32
    %scan3A_114 = arith.constant 128 : i32
    %scan3A_115 = arith.addi %scan3A_113, %scan3A_114 : i32
    %scan3A_116 = arith.constant 1 : i32
    %scan3A_117 = scf.for %scan3A_170 = %scan3A_113 to %scan3A_115 step %scan3A_116 iter_args(%scan3A_171 = %scan3A_112) -> (i32)  : i32 {
      %mul3A_172 = arith.constant 16 : i32
      %mul3A_173 = arith.muli %scan3A_170, %mul3A_172 : i32
      %get3A = arith.index_cast %mul3A_173 : i32 to index
      %get3A_174 = tpu.vector_load %arg8[%get3A] {strides = array<i32>} : memref<2048xi32, #tpu.memory_space<vmem>>, vector<16xi32>,
      %mul3A_175 = arith.constant 16 : i32
      %mul3A_176 = arith.muli %scan3A_170, %mul3A_175 : i32
      %get3A_177 = arith.index_cast %mul3A_176 : i32 to index
      %get3A_178 = tpu.vector_load %arg9[%get3A_177] {strides = array<i32>} : memref<2048xi32, #tpu.memory_space<vmem>>, vector<16xi32>,
      %ge3A = arith.constant 256 : i32
      %ge3A_179 = vector.broadcast %ge3A : i32 to vector<16xi32>
      %ge3A_180 = arith.cmpi sge, %get3A_178, %ge3A_179 : vector<16xi32>
      %lt3A_181 = arith.constant 384 : i32
      %lt3A_182 = vector.broadcast %lt3A_181 : i32 to vector<16xi32>
      %lt3A_183 = arith.cmpi slt, %get3A_178, %lt3A_182 : vector<16xi32>
      %and3A_184 = arith.andi %ge3A_180, %lt3A_183 : vector<16xi1>
      %sub3A_185 = arith.constant 256 : i32
      %sub3A_186 = vector.broadcast %sub3A_185 : i32 to vector<16xi32>
      %sub3A_187 = arith.subi %get3A_178, %sub3A_186 : vector<16xi32>
      %mul3A_188 = arith.constant 1.000000e+00 : f32
      %mul3A_189 = vector.broadcast %mul3A_188 : f32 to vector<16xf32>
      %mul3A_190 = arith.mulf %mul3A_189, %broadcast_in_dim3A_1 : vector<16xf32>
      tpu.vector_store_idx %arg10[%sub3A_187, %get3A_174], %mul3A_190 masked %and3A_184 {add = true} : memref<128x512xf32, #tpu.memory_space<vmem>>[vector<16xi32>, vector<16xi32>], vector<16xf32>, vector<16xi1>
      %scan3A_191 = arith.constant 0 : i32
      scf.yield %scan3A_191 : i32
    }
    %scan3A_118 = arith.constant 128 : i32
    "tpu.region"() ({
      %run_scoped3A = tpu.sem_alloc : memref<!tpu.dma_semaphore, #tpu.memory_space<semaphore_mem>>
      %dma_start3A = arith.constant 256 : i32
      %dma_start3A_170 = arith.constant 0 : i32
      %dma_start3A_171 = tpu.memref_slice %arg6[%select_n3A_111, %dma_start3A, %dma_start3A_170] : memref<32x512x512xf32, #tpu.memory_space<hbm>> -> memref<1x128x512xf32, #tpu.memory_space<hbm>>
      %dma_start3A_172 = tpu.memref_squeeze %dma_start3A_171 : memref<1x128x512xf32, #tpu.memory_space<hbm>> -> memref<128x512xf32, #tpu.memory_space<hbm>>
      %dma_start3A_173 = arith.constant 256 : i32
      %dma_start3A_174 = arith.constant 0 : i32
      %dma_start3A_175 = tpu.memref_slice %arg6[%select_n3A_111, %dma_start3A_173, %dma_start3A_174] : memref<32x512x512xf32, #tpu.memory_space<hbm>> -> memref<1x128x512xf32, #tpu.memory_space<hbm>>
      %dma_start3A_176 = tpu.memref_squeeze %dma_start3A_175 : memref<1x128x512xf32, #tpu.memory_space<hbm>> -> memref<128x512xf32, #tpu.memory_space<hbm>>
      tpu.enqueue_dma source(%arg10 : memref<128x512xf32, #tpu.memory_space<vmem>>) target(%dma_start3A_176 : memref<128x512xf32, #tpu.memory_space<hbm>>) target_semaphore(%run_scoped3A : memref<!tpu.dma_semaphore, #tpu.memory_space<semaphore_mem>>)
      %dma_wait3A = arith.constant 256 : i32
      %dma_wait3A_177 = arith.constant 0 : i32
      %dma_wait3A_178 = tpu.memref_slice %arg6[%select_n3A_111, %dma_wait3A, %dma_wait3A_177] : memref<32x512x512xf32, #tpu.memory_space<hbm>> -> memref<1x128x512xf32, #tpu.memory_space<hbm>>
      %dma_wait3A_179 = tpu.memref_squeeze %dma_wait3A_178 : memref<1x128x512xf32, #tpu.memory_space<hbm>> -> memref<128x512xf32, #tpu.memory_space<hbm>>
      %dma_wait3A_180 = arith.constant 256 : i32
      %dma_wait3A_181 = arith.constant 0 : i32
      %dma_wait3A_182 = tpu.memref_slice %arg6[%select_n3A_111, %dma_wait3A_180, %dma_wait3A_181] : memref<32x512x512xf32, #tpu.memory_space<hbm>> -> memref<1x128x512xf32, #tpu.memory_space<hbm>>
      %dma_wait3A_183 = tpu.memref_squeeze %dma_wait3A_182 : memref<1x128x512xf32, #tpu.memory_space<hbm>> -> memref<128x512xf32, #tpu.memory_space<hbm>>
      tpu.wait_dma2 semaphore(%run_scoped3A : memref<!tpu.dma_semaphore, #tpu.memory_space<semaphore_mem>>) src(%arg10 : memref<128x512xf32, #tpu.memory_space<vmem>>) dst(%dma_wait3A_183 : memref<128x512xf32, #tpu.memory_space<hbm>>)
      tpu.yield
    }) : () -> ()
    %scan3A_119 = arith.constant 0 : i32
    %scan3A_120 = arith.constant 0 : i32
    %scan3A_121 = arith.constant 128 : i32
    %scan3A_122 = arith.addi %scan3A_120, %scan3A_121 : i32
    %scan3A_123 = arith.constant 1 : i32
    %scan3A_124 = scf.for %scan3A_170 = %scan3A_120 to %scan3A_122 step %scan3A_123 iter_args(%scan3A_171 = %scan3A_119) -> (i32)  : i32 {
      %mul3A_172 = arith.constant 16 : i32
      %mul3A_173 = arith.muli %scan3A_170, %mul3A_172 : i32
      %get3A = arith.index_cast %mul3A_173 : i32 to index
      %get3A_174 = tpu.vector_load %arg8[%get3A] {strides = array<i32>} : memref<2048xi32, #tpu.memory_space<vmem>>, vector<16xi32>,
      %mul3A_175 = arith.constant 16 : i32
      %mul3A_176 = arith.muli %scan3A_170, %mul3A_175 : i32
      %get3A_177 = arith.index_cast %mul3A_176 : i32 to index
      %get3A_178 = tpu.vector_load %arg9[%get3A_177] {strides = array<i32>} : memref<2048xi32, #tpu.memory_space<vmem>>, vector<16xi32>,
      %ge3A = arith.constant 256 : i32
      %ge3A_179 = vector.broadcast %ge3A : i32 to vector<16xi32>
      %ge3A_180 = arith.cmpi sge, %get3A_178, %ge3A_179 : vector<16xi32>
      %lt3A_181 = arith.constant 384 : i32
      %lt3A_182 = vector.broadcast %lt3A_181 : i32 to vector<16xi32>
      %lt3A_183 = arith.cmpi slt, %get3A_178, %lt3A_182 : vector<16xi32>
      %and3A_184 = arith.andi %ge3A_180, %lt3A_183 : vector<16xi1>
      %sub3A_185 = arith.constant 256 : i32
      %sub3A_186 = vector.broadcast %sub3A_185 : i32 to vector<16xi32>
      %sub3A_187 = arith.subi %get3A_178, %sub3A_186 : vector<16xi32>
      %mul3A_188 = arith.constant -1.000000e+00 : f32
      %mul3A_189 = vector.broadcast %mul3A_188 : f32 to vector<16xf32>
      %mul3A_190 = arith.mulf %mul3A_189, %broadcast_in_dim3A_1 : vector<16xf32>
      tpu.vector_store_idx %arg10[%sub3A_187, %get3A_174], %mul3A_190 masked %and3A_184 {add = true} : memref<128x512xf32, #tpu.memory_space<vmem>>[vector<16xi32>, vector<16xi32>], vector<16xf32>, vector<16xi1>
      %scan3A_191 = arith.constant 0 : i32
      scf.yield %scan3A_191 : i32
    }
    %scan3A_125 = arith.constant 128 : i32
    %mul3A_126 = arith.constant 4 : i32
    %mul3A_127 = arith.muli %add3A, %mul3A_126 : i32
    %add3A_128 = arith.constant 3 : i32
    %add3A_129 = arith.addi %mul3A_127, %add3A_128 : i32
    %jit3A_130 = arith.constant 4 : i32
    %div3A_131 = arith.divsi %add3A_129, %jit3A_130 : i32
    %sign3A_132 = arith.constant 0 : i32
    %sign3A_133 = arith.cmpi sgt, %add3A_129, %sign3A_132 : i32
    %sign3A_134 = arith.extui %sign3A_133 : i1 to i32
    %sign3A_135 = arith.constant 0 : i32
    %sign3A_136 = arith.cmpi slt, %add3A_129, %sign3A_135 : i32
    %sign3A_137 = arith.extui %sign3A_136 : i1 to i32
    %sign3A_138 = arith.subi %sign3A_134, %sign3A_137 : i32
    %sign3A_139 = arith.constant 0 : i32
    %sign3A_140 = arith.cmpi sgt, %jit3A_130, %sign3A_139 : i32
    %sign3A_141 = arith.extui %sign3A_140 : i1 to i32
    %sign3A_142 = arith.constant 0 : i32
    %sign3A_143 = arith.cmpi slt, %jit3A_130, %sign3A_142 : i32
    %sign3A_144 = arith.extui %sign3A_143 : i1 to i32
    %sign3A_145 = arith.subi %sign3A_141, %sign3A_144 : i32
    %ne3A_146 = arith.cmpi ne, %sign3A_138, %sign3A_145 : i32
    %rem3A_147 = arith.remsi %add3A_129, %jit3A_130 : i32
    %ne3A_148 = arith.constant 0 : i32
    %ne3A_149 = arith.cmpi ne, %rem3A_147, %ne3A_148 : i32
    %and3A_150 = arith.andi %ne3A_146, %ne3A_149 : i1
    %sub3A_151 = arith.constant 1 : i32
    %sub3A_152 = arith.subi %div3A_131, %sub3A_151 : i32
    %select_n3A_153 = arith.select %and3A_150, %sub3A_152, %div3A_131 : i32
    %scan3A_154 = arith.constant 0 : i32
    %scan3A_155 = arith.constant 0 : i32
    %scan3A_156 = arith.constant 128 : i32
    %scan3A_157 = arith.addi %scan3A_155, %scan3A_156 : i32
    %scan3A_158 = arith.constant 1 : i32
    %scan3A_159 = scf.for %scan3A_170 = %scan3A_155 to %scan3A_157 step %scan3A_158 iter_args(%scan3A_171 = %scan3A_154) -> (i32)  : i32 {
      %mul3A_172 = arith.constant 16 : i32
      %mul3A_173 = arith.muli %scan3A_170, %mul3A_172 : i32
      %get3A = arith.index_cast %mul3A_173 : i32 to index
      %get3A_174 = tpu.vector_load %arg8[%get3A] {strides = array<i32>} : memref<2048xi32, #tpu.memory_space<vmem>>, vector<16xi32>,
      %mul3A_175 = arith.constant 16 : i32
      %mul3A_176 = arith.muli %scan3A_170, %mul3A_175 : i32
      %get3A_177 = arith.index_cast %mul3A_176 : i32 to index
      %get3A_178 = tpu.vector_load %arg9[%get3A_177] {strides = array<i32>} : memref<2048xi32, #tpu.memory_space<vmem>>, vector<16xi32>,
      %ge3A = arith.constant 384 : i32
      %ge3A_179 = vector.broadcast %ge3A : i32 to vector<16xi32>
      %ge3A_180 = arith.cmpi sge, %get3A_178, %ge3A_179 : vector<16xi32>
      %lt3A_181 = arith.constant 512 : i32
      %lt3A_182 = vector.broadcast %lt3A_181 : i32 to vector<16xi32>
      %lt3A_183 = arith.cmpi slt, %get3A_178, %lt3A_182 : vector<16xi32>
      %and3A_184 = arith.andi %ge3A_180, %lt3A_183 : vector<16xi1>
      %sub3A_185 = arith.constant 384 : i32
      %sub3A_186 = vector.broadcast %sub3A_185 : i32 to vector<16xi32>
      %sub3A_187 = arith.subi %get3A_178, %sub3A_186 : vector<16xi32>
      %mul3A_188 = arith.constant 1.000000e+00 : f32
      %mul3A_189 = vector.broadcast %mul3A_188 : f32 to vector<16xf32>
      %mul3A_190 = arith.mulf %mul3A_189, %broadcast_in_dim3A_1 : vector<16xf32>
      tpu.vector_store_idx %arg10[%sub3A_187, %get3A_174], %mul3A_190 masked %and3A_184 {add = true} : memref<128x512xf32, #tpu.memory_space<vmem>>[vector<16xi32>, vector<16xi32>], vector<16xf32>, vector<16xi1>
      %scan3A_191 = arith.constant 0 : i32
      scf.yield %scan3A_191 : i32
    }
    %scan3A_160 = arith.constant 128 : i32
    "tpu.region"() ({
      %run_scoped3A = tpu.sem_alloc : memref<!tpu.dma_semaphore, #tpu.memory_space<semaphore_mem>>
      %dma_start3A = arith.constant 384 : i32
      %dma_start3A_170 = arith.constant 0 : i32
      %dma_start3A_171 = tpu.memref_slice %arg6[%select_n3A_153, %dma_start3A, %dma_start3A_170] : memref<32x512x512xf32, #tpu.memory_space<hbm>> -> memref<1x128x512xf32, #tpu.memory_space<hbm>>
      %dma_start3A_172 = tpu.memref_squeeze %dma_start3A_171 : memref<1x128x512xf32, #tpu.memory_space<hbm>> -> memref<128x512xf32, #tpu.memory_space<hbm>>
      %dma_start3A_173 = arith.constant 384 : i32
      %dma_start3A_174 = arith.constant 0 : i32
      %dma_start3A_175 = tpu.memref_slice %arg6[%select_n3A_153, %dma_start3A_173, %dma_start3A_174] : memref<32x512x512xf32, #tpu.memory_space<hbm>> -> memref<1x128x512xf32, #tpu.memory_space<hbm>>
      %dma_start3A_176 = tpu.memref_squeeze %dma_start3A_175 : memref<1x128x512xf32, #tpu.memory_space<hbm>> -> memref<128x512xf32, #tpu.memory_space<hbm>>
      tpu.enqueue_dma source(%arg10 : memref<128x512xf32, #tpu.memory_space<vmem>>) target(%dma_start3A_176 : memref<128x512xf32, #tpu.memory_space<hbm>>) target_semaphore(%run_scoped3A : memref<!tpu.dma_semaphore, #tpu.memory_space<semaphore_mem>>)
      %dma_wait3A = arith.constant 384 : i32
      %dma_wait3A_177 = arith.constant 0 : i32
      %dma_wait3A_178 = tpu.memref_slice %arg6[%select_n3A_153, %dma_wait3A, %dma_wait3A_177] : memref<32x512x512xf32, #tpu.memory_space<hbm>> -> memref<1x128x512xf32, #tpu.memory_space<hbm>>
      %dma_wait3A_179 = tpu.memref_squeeze %dma_wait3A_178 : memref<1x128x512xf32, #tpu.memory_space<hbm>> -> memref<128x512xf32, #tpu.memory_space<hbm>>
      %dma_wait3A_180 = arith.constant 384 : i32
      %dma_wait3A_181 = arith.constant 0 : i32
      %dma_wait3A_182 = tpu.memref_slice %arg6[%select_n3A_153, %dma_wait3A_180, %dma_wait3A_181] : memref<32x512x512xf32, #tpu.memory_space<hbm>> -> memref<1x128x512xf32, #tpu.memory_space<hbm>>
      %dma_wait3A_183 = tpu.memref_squeeze %dma_wait3A_182 : memref<1x128x512xf32, #tpu.memory_space<hbm>> -> memref<128x512xf32, #tpu.memory_space<hbm>>
      tpu.wait_dma2 semaphore(%run_scoped3A : memref<!tpu.dma_semaphore, #tpu.memory_space<semaphore_mem>>) src(%arg10 : memref<128x512xf32, #tpu.memory_space<vmem>>) dst(%dma_wait3A_183 : memref<128x512xf32, #tpu.memory_space<hbm>>)
      tpu.yield
    }) : () -> ()
    %scan3A_161 = arith.constant 0 : i32
    %scan3A_162 = arith.constant 0 : i32
    %scan3A_163 = arith.constant 128 : i32
    %scan3A_164 = arith.addi %scan3A_162, %scan3A_163 : i32
    %scan3A_165 = arith.constant 1 : i32
    %scan3A_166 = scf.for %scan3A_170 = %scan3A_162 to %scan3A_164 step %scan3A_165 iter_args(%scan3A_171 = %scan3A_161) -> (i32)  : i32 {
      %mul3A_172 = arith.constant 16 : i32
      %mul3A_173 = arith.muli %scan3A_170, %mul3A_172 : i32
      %get3A = arith.index_cast %mul3A_173 : i32 to index
      %get3A_174 = tpu.vector_load %arg8[%get3A] {strides = array<i32>} : memref<2048xi32, #tpu.memory_space<vmem>>, vector<16xi32>,
      %mul3A_175 = arith.constant 16 : i32
      %mul3A_176 = arith.muli %scan3A_170, %mul3A_175 : i32
      %get3A_177 = arith.index_cast %mul3A_176 : i32 to index
      %get3A_178 = tpu.vector_load %arg9[%get3A_177] {strides = array<i32>} : memref<2048xi32, #tpu.memory_space<vmem>>, vector<16xi32>,
      %ge3A = arith.constant 384 : i32
      %ge3A_179 = vector.broadcast %ge3A : i32 to vector<16xi32>
      %ge3A_180 = arith.cmpi sge, %get3A_178, %ge3A_179 : vector<16xi32>
      %lt3A_181 = arith.constant 512 : i32
      %lt3A_182 = vector.broadcast %lt3A_181 : i32 to vector<16xi32>
      %lt3A_183 = arith.cmpi slt, %get3A_178, %lt3A_182 : vector<16xi32>
      %and3A_184 = arith.andi %ge3A_180, %lt3A_183 : vector<16xi1>
      %sub3A_185 = arith.constant 384 : i32
      %sub3A_186 = vector.broadcast %sub3A_185 : i32 to vector<16xi32>
      %sub3A_187 = arith.subi %get3A_178, %sub3A_186 : vector<16xi32>
      %mul3A_188 = arith.constant -1.000000e+00 : f32
      %mul3A_189 = vector.broadcast %mul3A_188 : f32 to vector<16xf32>
      %mul3A_190 = arith.mulf %mul3A_189, %broadcast_in_dim3A_1 : vector<16xf32>
      tpu.vector_store_idx %arg10[%sub3A_187, %get3A_174], %mul3A_190 masked %and3A_184 {add = true} : memref<128x512xf32, #tpu.memory_space<vmem>>[vector<16xi32>, vector<16xi32>], vector<16xf32>, vector<16xi1>
      %scan3A_191 = arith.constant 0 : i32
      scf.yield %scan3A_191 : i32
    }
    %scan3A_167 = arith.constant 128 : i32
    %lt3A = arith.constant 4 : i32
    %lt3A_168 = arith.cmpi slt, %add3A, %lt3A : i32
    %convert_element_type3A = arith.extui %lt3A_168 : i1 to i32
    %cond3A = arith.constant 0 : i32
    %cond3A_169 = arith.cmpi ne, %convert_element_type3A, %cond3A : i32
    scf.if %cond3A_169 {
      %scan3A_170 = arith.constant 0 : i32
      %scan3A_171 = arith.constant 0 : i32
      %scan3A_172 = arith.constant 56 : i32
      %scan3A_173 = arith.addi %scan3A_171, %scan3A_172 : i32
      %scan3A_174 = arith.constant 1 : i32
      %scan3A_175 = scf.for %scan3A_186 = %scan3A_171 to %scan3A_173 step %scan3A_174 iter_args(%scan3A_187 = %scan3A_170) -> (i32)  : i32 {
        %broadcast_in_dim3A_188 = arith.constant 0.000000e+00 : f32
        %broadcast_in_dim3A_189 = vector.broadcast %broadcast_in_dim3A_188 : f32 to vector<16xf32>
        %swap3A = arith.index_cast %scan3A_186 : i32 to index
        %swap3A_190 = arith.constant 0 : index
        %swap3A_191 = tpu.vector_load %arg13[%swap3A, %swap3A_190] {strides = array<i32>} : memref<56x208xf32, #tpu.memory_space<vmem>>, vector<16xf32>,
        tpu.vector_store %arg13[%swap3A, %swap3A_190], %broadcast_in_dim3A_189 {strides = array<i32>} : memref<56x208xf32, #tpu.memory_space<vmem>>, vector<16xf32>,
        %broadcast_in_dim3A_192 = arith.constant 0.000000e+00 : f32
        %broadcast_in_dim3A_193 = vector.broadcast %broadcast_in_dim3A_192 : f32 to vector<16xf32>
        %swap3A_194 = arith.index_cast %scan3A_186 : i32 to index
        %swap3A_195 = arith.constant 16 : index
        %swap3A_196 = tpu.vector_load %arg13[%swap3A_194, %swap3A_195] {strides = array<i32>} : memref<56x208xf32, #tpu.memory_space<vmem>>, vector<16xf32>,
        tpu.vector_store %arg13[%swap3A_194, %swap3A_195], %broadcast_in_dim3A_193 {strides = array<i32>} : memref<56x208xf32, #tpu.memory_space<vmem>>, vector<16xf32>,
        %broadcast_in_dim3A_197 = arith.constant 0.000000e+00 : f32
        %broadcast_in_dim3A_198 = vector.broadcast %broadcast_in_dim3A_197 : f32 to vector<16xf32>
        %swap3A_199 = arith.index_cast %scan3A_186 : i32 to index
        %swap3A_200 = arith.constant 32 : index
        %swap3A_201 = tpu.vector_load %arg13[%swap3A_199, %swap3A_200] {strides = array<i32>} : memref<56x208xf32, #tpu.memory_space<vmem>>, vector<16xf32>,
        tpu.vector_store %arg13[%swap3A_199, %swap3A_200], %broadcast_in_dim3A_198 {strides = array<i32>} : memref<56x208xf32, #tpu.memory_space<vmem>>, vector<16xf32>,
        %broadcast_in_dim3A_202 = arith.constant 0.000000e+00 : f32
        %broadcast_in_dim3A_203 = vector.broadcast %broadcast_in_dim3A_202 : f32 to vector<16xf32>
        %swap3A_204 = arith.index_cast %scan3A_186 : i32 to index
        %swap3A_205 = arith.constant 48 : index
        %swap3A_206 = tpu.vector_load %arg13[%swap3A_204, %swap3A_205] {strides = array<i32>} : memref<56x208xf32, #tpu.memory_space<vmem>>, vector<16xf32>,
        tpu.vector_store %arg13[%swap3A_204, %swap3A_205], %broadcast_in_dim3A_203 {strides = array<i32>} : memref<56x208xf32, #tpu.memory_space<vmem>>, vector<16xf32>,
        %broadcast_in_dim3A_207 = arith.constant 0.000000e+00 : f32
        %broadcast_in_dim3A_208 = vector.broadcast %broadcast_in_dim3A_207 : f32 to vector<16xf32>
        %swap3A_209 = arith.index_cast %scan3A_186 : i32 to index
        %swap3A_210 = arith.constant 64 : index
        %swap3A_211 = tpu.vector_load %arg13[%swap3A_209, %swap3A_210] {strides = array<i32>} : memref<56x208xf32, #tpu.memory_space<vmem>>, vector<16xf32>,
        tpu.vector_store %arg13[%swap3A_209, %swap3A_210], %broadcast_in_dim3A_208 {strides = array<i32>} : memref<56x208xf32, #tpu.memory_space<vmem>>, vector<16xf32>,
        %broadcast_in_dim3A_212 = arith.constant 0.000000e+00 : f32
        %broadcast_in_dim3A_213 = vector.broadcast %broadcast_in_dim3A_212 : f32 to vector<16xf32>
        %swap3A_214 = arith.index_cast %scan3A_186 : i32 to index
        %swap3A_215 = arith.constant 80 : index
        %swap3A_216 = tpu.vector_load %arg13[%swap3A_214, %swap3A_215] {strides = array<i32>} : memref<56x208xf32, #tpu.memory_space<vmem>>, vector<16xf32>,
        tpu.vector_store %arg13[%swap3A_214, %swap3A_215], %broadcast_in_dim3A_213 {strides = array<i32>} : memref<56x208xf32, #tpu.memory_space<vmem>>, vector<16xf32>,
        %broadcast_in_dim3A_217 = arith.constant 0.000000e+00 : f32
        %broadcast_in_dim3A_218 = vector.broadcast %broadcast_in_dim3A_217 : f32 to vector<16xf32>
        %swap3A_219 = arith.index_cast %scan3A_186 : i32 to index
        %swap3A_220 = arith.constant 96 : index
        %swap3A_221 = tpu.vector_load %arg13[%swap3A_219, %swap3A_220] {strides = array<i32>} : memref<56x208xf32, #tpu.memory_space<vmem>>, vector<16xf32>,
        tpu.vector_store %arg13[%swap3A_219, %swap3A_220], %broadcast_in_dim3A_218 {strides = array<i32>} : memref<56x208xf32, #tpu.memory_space<vmem>>, vector<16xf32>,
        %broadcast_in_dim3A_222 = arith.constant 0.000000e+00 : f32
        %broadcast_in_dim3A_223 = vector.broadcast %broadcast_in_dim3A_222 : f32 to vector<16xf32>
        %swap3A_224 = arith.index_cast %scan3A_186 : i32 to index
        %swap3A_225 = arith.constant 112 : index
        %swap3A_226 = tpu.vector_load %arg13[%swap3A_224, %swap3A_225] {strides = array<i32>} : memref<56x208xf32, #tpu.memory_space<vmem>>, vector<16xf32>,
        tpu.vector_store %arg13[%swap3A_224, %swap3A_225], %broadcast_in_dim3A_223 {strides = array<i32>} : memref<56x208xf32, #tpu.memory_space<vmem>>, vector<16xf32>,
        %broadcast_in_dim3A_227 = arith.constant 0.000000e+00 : f32
        %broadcast_in_dim3A_228 = vector.broadcast %broadcast_in_dim3A_227 : f32 to vector<16xf32>
        %swap3A_229 = arith.index_cast %scan3A_186 : i32 to index
        %swap3A_230 = arith.constant 128 : index
        %swap3A_231 = tpu.vector_load %arg13[%swap3A_229, %swap3A_230] {strides = array<i32>} : memref<56x208xf32, #tpu.memory_space<vmem>>, vector<16xf32>,
        tpu.vector_store %arg13[%swap3A_229, %swap3A_230], %broadcast_in_dim3A_228 {strides = array<i32>} : memref<56x208xf32, #tpu.memory_space<vmem>>, vector<16xf32>,
        %broadcast_in_dim3A_232 = arith.constant 0.000000e+00 : f32
        %broadcast_in_dim3A_233 = vector.broadcast %broadcast_in_dim3A_232 : f32 to vector<16xf32>
        %swap3A_234 = arith.index_cast %scan3A_186 : i32 to index
        %swap3A_235 = arith.constant 144 : index
        %swap3A_236 = tpu.vector_load %arg13[%swap3A_234, %swap3A_235] {strides = array<i32>} : memref<56x208xf32, #tpu.memory_space<vmem>>, vector<16xf32>,
        tpu.vector_store %arg13[%swap3A_234, %swap3A_235], %broadcast_in_dim3A_233 {strides = array<i32>} : memref<56x208xf32, #tpu.memory_space<vmem>>, vector<16xf32>,
        %broadcast_in_dim3A_237 = arith.constant 0.000000e+00 : f32
        %broadcast_in_dim3A_238 = vector.broadcast %broadcast_in_dim3A_237 : f32 to vector<16xf32>
        %swap3A_239 = arith.index_cast %scan3A_186 : i32 to index
        %swap3A_240 = arith.constant 160 : index
        %swap3A_241 = tpu.vector_load %arg13[%swap3A_239, %swap3A_240] {strides = array<i32>} : memref<56x208xf32, #tpu.memory_space<vmem>>, vector<16xf32>,
        tpu.vector_store %arg13[%swap3A_239, %swap3A_240], %broadcast_in_dim3A_238 {strides = array<i32>} : memref<56x208xf32, #tpu.memory_space<vmem>>, vector<16xf32>,
        %broadcast_in_dim3A_242 = arith.constant 0.000000e+00 : f32
        %broadcast_in_dim3A_243 = vector.broadcast %broadcast_in_dim3A_242 : f32 to vector<16xf32>
        %swap3A_244 = arith.index_cast %scan3A_186 : i32 to index
        %swap3A_245 = arith.constant 176 : index
        %swap3A_246 = tpu.vector_load %arg13[%swap3A_244, %swap3A_245] {strides = array<i32>} : memref<56x208xf32, #tpu.memory_space<vmem>>, vector<16xf32>,
        tpu.vector_store %arg13[%swap3A_244, %swap3A_245], %broadcast_in_dim3A_243 {strides = array<i32>} : memref<56x208xf32, #tpu.memory_space<vmem>>, vector<16xf32>,
        %broadcast_in_dim3A_247 = arith.constant 0.000000e+00 : f32
        %broadcast_in_dim3A_248 = vector.broadcast %broadcast_in_dim3A_247 : f32 to vector<16xf32>
        %swap3A_249 = arith.index_cast %scan3A_186 : i32 to index
        %swap3A_250 = arith.constant 192 : index
        %swap3A_251 = tpu.vector_load %arg13[%swap3A_249, %swap3A_250] {strides = array<i32>} : memref<56x208xf32, #tpu.memory_space<vmem>>, vector<16xf32>,
        tpu.vector_store %arg13[%swap3A_249, %swap3A_250], %broadcast_in_dim3A_248 {strides = array<i32>} : memref<56x208xf32, #tpu.memory_space<vmem>>, vector<16xf32>,
        %scan3A_252 = arith.constant 0 : i32
        scf.yield %scan3A_252 : i32
      }
      %scan3A_176 = arith.constant 56 : i32
      "tpu.region"() ({
        %run_scoped3A = tpu.sem_alloc : memref<!tpu.dma_semaphore, #tpu.memory_space<semaphore_mem>>
        tpu.enqueue_dma source(%arg4 : memref<3136xi32, #tpu.memory_space<hbm>>) target(%arg11 : memref<3136xi32, #tpu.memory_space<vmem>>) target_semaphore(%run_scoped3A : memref<!tpu.dma_semaphore, #tpu.memory_space<semaphore_mem>>)
        tpu.wait_dma2 semaphore(%run_scoped3A : memref<!tpu.dma_semaphore, #tpu.memory_space<semaphore_mem>>) src(%arg4 : memref<3136xi32, #tpu.memory_space<hbm>>) dst(%arg11 : memref<3136xi32, #tpu.memory_space<vmem>>)
        tpu.yield
      }) : () -> ()
      "tpu.region"() ({
        %run_scoped3A = tpu.sem_alloc : memref<!tpu.dma_semaphore, #tpu.memory_space<semaphore_mem>>
        tpu.enqueue_dma source(%arg5 : memref<3136xi32, #tpu.memory_space<hbm>>) target(%arg12 : memref<3136xi32, #tpu.memory_space<vmem>>) target_semaphore(%run_scoped3A : memref<!tpu.dma_semaphore, #tpu.memory_space<semaphore_mem>>)
        tpu.wait_dma2 semaphore(%run_scoped3A : memref<!tpu.dma_semaphore, #tpu.memory_space<semaphore_mem>>) src(%arg5 : memref<3136xi32, #tpu.memory_space<hbm>>) dst(%arg12 : memref<3136xi32, #tpu.memory_space<vmem>>)
        tpu.yield
      }) : () -> ()
      %mul3A_177 = arith.constant 56 : i32
      %mul3A_178 = arith.muli %add3A, %mul3A_177 : i32
      %scan3A_179 = arith.constant 0 : i32
      %scan3A_180 = arith.constant 0 : i32
      %scan3A_181 = arith.constant 196 : i32
      %scan3A_182 = arith.addi %scan3A_180, %scan3A_181 : i32
      %scan3A_183 = arith.constant 1 : i32
      %scan3A_184 = scf.for %scan3A_186 = %scan3A_180 to %scan3A_182 step %scan3A_183 iter_args(%scan3A_187 = %scan3A_179) -> (i32)  : i32 {
        %mul3A_188 = arith.constant 16 : i32
        %mul3A_189 = arith.muli %scan3A_186, %mul3A_188 : i32
        %get3A = arith.index_cast %mul3A_189 : i32 to index
        %get3A_190 = tpu.vector_load %arg11[%get3A] {strides = array<i32>} : memref<3136xi32, #tpu.memory_space<vmem>>, vector<16xi32>,
        %mul3A_191 = arith.constant 16 : i32
        %mul3A_192 = arith.muli %scan3A_186, %mul3A_191 : i32
        %get3A_193 = arith.index_cast %mul3A_192 : i32 to index
        %get3A_194 = tpu.vector_load %arg12[%get3A_193] {strides = array<i32>} : memref<3136xi32, #tpu.memory_space<vmem>>, vector<16xi32>,
        %ge3A = vector.broadcast %mul3A_178 : i32 to vector<16xi32>
        %ge3A_195 = arith.cmpi sge, %get3A_194, %ge3A : vector<16xi32>
        %add3A_196 = arith.constant 56 : i32
        %add3A_197 = arith.addi %mul3A_178, %add3A_196 : i32
        %lt3A_198 = vector.broadcast %add3A_197 : i32 to vector<16xi32>
        %lt3A_199 = arith.cmpi slt, %get3A_194, %lt3A_198 : vector<16xi32>
        %and3A_200 = arith.andi %ge3A_195, %lt3A_199 : vector<16xi1>
        %sub3A_201 = vector.broadcast %mul3A_178 : i32 to vector<16xi32>
        %sub3A_202 = arith.subi %get3A_194, %sub3A_201 : vector<16xi32>
        tpu.vector_store_idx %arg13[%sub3A_202, %get3A_190], %broadcast_in_dim3A_1 masked %and3A_200 {add = true} : memref<56x208xf32, #tpu.memory_space<vmem>>[vector<16xi32>, vector<16xi32>], vector<16xf32>, vector<16xi1>
        %scan3A_203 = arith.constant 0 : i32
        scf.yield %scan3A_203 : i32
      }
      %scan3A_185 = arith.constant 196 : i32
      "tpu.region"() ({
        %run_scoped3A = tpu.sem_alloc : memref<!tpu.dma_semaphore, #tpu.memory_space<semaphore_mem>>
        %dma_start3A = arith.constant 0 : i32
        %dma_start3A_186 = tpu.memref_slice %arg7[%mul3A_178, %dma_start3A] : memref<224x208xf32, #tpu.memory_space<hbm>> -> memref<56x208xf32, #tpu.memory_space<hbm>>
        %dma_start3A_187 = arith.constant 0 : i32
        %dma_start3A_188 = tpu.memref_slice %arg7[%mul3A_178, %dma_start3A_187] : memref<224x208xf32, #tpu.memory_space<hbm>> -> memref<56x208xf32, #tpu.memory_space<hbm>>
        tpu.enqueue_dma source(%arg13 : memref<56x208xf32, #tpu.memory_space<vmem>>) target(%dma_start3A_188 : memref<56x208xf32, #tpu.memory_space<hbm>>) target_semaphore(%run_scoped3A : memref<!tpu.dma_semaphore, #tpu.memory_space<semaphore_mem>>)
        %dma_wait3A = arith.constant 0 : i32
        %dma_wait3A_189 = tpu.memref_slice %arg7[%mul3A_178, %dma_wait3A] : memref<224x208xf32, #tpu.memory_space<hbm>> -> memref<56x208xf32, #tpu.memory_space<hbm>>
        %dma_wait3A_190 = arith.constant 0 : i32
        %dma_wait3A_191 = tpu.memref_slice %arg7[%mul3A_178, %dma_wait3A_190] : memref<224x208xf32, #tpu.memory_space<hbm>> -> memref<56x208xf32, #tpu.memory_space<hbm>>
        tpu.wait_dma2 semaphore(%run_scoped3A : memref<!tpu.dma_semaphore, #tpu.memory_space<semaphore_mem>>) src(%arg13 : memref<56x208xf32, #tpu.memory_space<vmem>>) dst(%dma_wait3A_191 : memref<56x208xf32, #tpu.memory_space<hbm>>)
        tpu.yield
      }) : () -> ()
    } else {
    }
    return
  }
}

module attributes {stable_mosaic.version = 14 : i64} {
  func.func @_main_kernel(%arg0: i32, %arg1: memref<1x512x300xf32, #tpu.memory_space<vmem>>, %arg2: memref<1x196x300xf32, #tpu.memory_space<vmem>>, %arg3: memref<1x512x300xf32, #tpu.memory_space<vmem>>, %arg4: memref<1x512x512xf32, #tpu.memory_space<vmem>>, %arg5: memref<196x196xf32, #tpu.memory_space<vmem>>, %arg6: memref<1x1x512xf32, #tpu.memory_space<vmem>>, %arg7: memref<1x1x513xf32, #tpu.memory_space<vmem>>, %arg8: memref<1x1x1xf32, #tpu.memory_space<vmem>>, %arg9: memref<2x300x1500xbf16, #tpu.memory_space<vmem>>, %arg10: memref<2x5x300xf32, #tpu.memory_space<vmem>>, %arg11: memref<2x5x300xf32, #tpu.memory_space<vmem>>, %arg12: memref<2x300xf32, #tpu.memory_space<vmem>>, %arg13: memref<2x300x1500xbf16, #tpu.memory_space<vmem>>, %arg14: memref<2x5x300xf32, #tpu.memory_space<vmem>>, %arg15: memref<2x5x300xf32, #tpu.memory_space<vmem>>, %arg16: memref<2x300xf32, #tpu.memory_space<vmem>>, %arg17: memref<1x300xf32, #tpu.memory_space<vmem>>, %arg18: memref<1x1xf32, #tpu.memory_space<vmem>>, %arg19: memref<1x300xf32, #tpu.memory_space<vmem>>, %arg20: memref<1x1xf32, #tpu.memory_space<vmem>>, %arg21: memref<1x300xf32, #tpu.memory_space<vmem>>, %arg22: memref<1x300xf32, #tpu.memory_space<vmem>>, %arg23: memref<1x1x392xf32, #tpu.memory_space<vmem>>) attributes {dimension_semantics = [#tpu.dimension_semantics<arbitrary>], iteration_bounds = array<i64: 32>, scalar_prefetch = 0 : i64, scratch_operands = 0 : i64, tpu.core_type = #tpu.core_type<tc>, window_params = [{transform_indices = @transform_0, window_bounds = array<i64: 1, 512, 300>}, {transform_indices = @transform_1, window_bounds = array<i64: 1, 196, 300>}, {transform_indices = @transform_2, window_bounds = array<i64: 1, 512, 300>}, {transform_indices = @transform_3, window_bounds = array<i64: 1, 512, 512>}, {pipeline_mode = #tpu.pipeline_mode<synchronous>, transform_indices = @transform_4, window_bounds = array<i64: 196, 196>}, {transform_indices = @transform_5, window_bounds = array<i64: 1, 1, 512>}, {transform_indices = @transform_6, window_bounds = array<i64: 1, 1, 513>}, {transform_indices = @transform_7, window_bounds = array<i64: 1, 1, 1>}, {pipeline_mode = #tpu.pipeline_mode<synchronous>, transform_indices = @transform_8, window_bounds = array<i64: 2, 300, 1500>}, {pipeline_mode = #tpu.pipeline_mode<synchronous>, transform_indices = @transform_9, window_bounds = array<i64: 2, 5, 300>}, {pipeline_mode = #tpu.pipeline_mode<synchronous>, transform_indices = @transform_10, window_bounds = array<i64: 2, 5, 300>}, {pipeline_mode = #tpu.pipeline_mode<synchronous>, transform_indices = @transform_11, window_bounds = array<i64: 2, 300>}, {pipeline_mode = #tpu.pipeline_mode<synchronous>, transform_indices = @transform_12, window_bounds = array<i64: 2, 300, 1500>}, {pipeline_mode = #tpu.pipeline_mode<synchronous>, transform_indices = @transform_13, window_bounds = array<i64: 2, 5, 300>}, {pipeline_mode = #tpu.pipeline_mode<synchronous>, transform_indices = @transform_14, window_bounds = array<i64: 2, 5, 300>}, {pipeline_mode = #tpu.pipeline_mode<synchronous>, transform_indices = @transform_15, window_bounds = array<i64: 2, 300>}, {pipeline_mode = #tpu.pipeline_mode<synchronous>, transform_indices = @transform_16, window_bounds = array<i64: 1, 300>}, {pipeline_mode = #tpu.pipeline_mode<synchronous>, transform_indices = @transform_17, window_bounds = array<i64: 1, 1>}, {pipeline_mode = #tpu.pipeline_mode<synchronous>, transform_indices = @transform_18, window_bounds = array<i64: 1, 300>}, {pipeline_mode = #tpu.pipeline_mode<synchronous>, transform_indices = @transform_19, window_bounds = array<i64: 1, 1>}, {pipeline_mode = #tpu.pipeline_mode<synchronous>, transform_indices = @transform_20, window_bounds = array<i64: 1, 300>}, {pipeline_mode = #tpu.pipeline_mode<synchronous>, transform_indices = @transform_21, window_bounds = array<i64: 1, 300>}, {transform_indices = @transform_22, window_bounds = array<i64: 1, 1, 392>}]} {
    %get3A = arith.constant 0 : index
    %get3A_0 = arith.constant 0 : index
    %get3A_1 = arith.constant 0 : index
    %get3A_2 = vector.load %arg1[%get3A, %get3A_0, %get3A_1] : memref<1x512x300xf32, #tpu.memory_space<vmem>>, vector<1x512x300xf32>
    %get3A_3 = vector.shape_cast %get3A_2 : vector<1x512x300xf32> to vector<512x300xf32>
    %get3A_4 = arith.constant 0 : index
    %get3A_5 = arith.constant 0 : index
    %get3A_6 = arith.constant 0 : index
    %get3A_7 = vector.load %arg2[%get3A_4, %get3A_5, %get3A_6] : memref<1x196x300xf32, #tpu.memory_space<vmem>>, vector<1x196x300xf32>
    %get3A_8 = vector.shape_cast %get3A_7 : vector<1x196x300xf32> to vector<196x300xf32>
    %get3A_9 = arith.constant 0 : index
    %get3A_10 = arith.constant 0 : index
    %get3A_11 = arith.constant 0 : index
    %get3A_12 = vector.load %arg3[%get3A_9, %get3A_10, %get3A_11] : memref<1x512x300xf32, #tpu.memory_space<vmem>>, vector<1x512x300xf32>
    %get3A_13 = vector.shape_cast %get3A_12 : vector<1x512x300xf32> to vector<512x300xf32>
    %get3A_14 = arith.constant 0 : index
    %get3A_15 = arith.constant 0 : index
    %get3A_16 = arith.constant 0 : index
    %get3A_17 = vector.load %arg4[%get3A_14, %get3A_15, %get3A_16] : memref<1x512x512xf32, #tpu.memory_space<vmem>>, vector<1x512x512xf32>
    %get3A_18 = vector.shape_cast %get3A_17 : vector<1x512x512xf32> to vector<512x512xf32>
    %get3A_19 = arith.constant 0 : index
    %get3A_20 = arith.constant 0 : index
    %get3A_21 = vector.load %arg5[%get3A_19, %get3A_20] : memref<196x196xf32, #tpu.memory_space<vmem>>, vector<196x196xf32>
    %get3A_22 = arith.constant 0 : index
    %get3A_23 = arith.constant 0 : index
    %get3A_24 = vector.load %arg21[%get3A_22, %get3A_23] : memref<1x300xf32, #tpu.memory_space<vmem>>, vector<1x300xf32>
    %get3A_25 = arith.constant 0 : index
    %get3A_26 = arith.constant 0 : index
    %get3A_27 = vector.load %arg22[%get3A_25, %get3A_26] : memref<1x300xf32, #tpu.memory_space<vmem>>, vector<1x300xf32>
    %dot_general3A = arith.constant dense<0.000000e+00> : vector<512x196xf32>
    %dot_general3A_28 = tpu.matmul %get3A_3, %get3A_8, %dot_general3A {dimension_numbers = #tpu.dot_dimension_numbers<[1], [1], [0], [0], [0, 0, 1, 0], [], []>, transpose_lhs_hint = false} : vector<512x300xf32>, vector<196x300xf32>, vector<512x196xf32> -> vector<512x196xf32>
    %mul3A = arith.constant 0.0577350259 : f32
    %mul3A_29 = vector.broadcast %mul3A : f32 to vector<512x196xf32>
    %mul3A_30 = arith.mulf %dot_general3A_28, %mul3A_29 : vector<512x196xf32>
    %broadcast_in_dim3A = arith.constant 1.000000e+00 : f32
    %broadcast_in_dim3A_31 = vector.broadcast %broadcast_in_dim3A : f32 to vector<1x512xf32>
    %mul3A_32 = arith.mulf %get3A_13, %get3A_3 : vector<512x300xf32>
    %dot_general3A_33 = arith.constant dense<0.000000e+00> : vector<1x300xf32>
    %dot_general3A_34 = tpu.matmul %broadcast_in_dim3A_31, %mul3A_32, %dot_general3A_33 {dimension_numbers = #tpu.dot_dimension_numbers<[1], [0], [0], [1], [0, 0, 1, 1], [], []>, precision = #tpu.contract_precision<fp32>, transpose_lhs_hint = false} : vector<1x512xf32>, vector<512x300xf32>, vector<1x300xf32> -> vector<1x300xf32>
    %get3A_35 = arith.constant 0 : index
    %get3A_36 = arith.constant 0 : index
    %get3A_37 = vector.load %arg17[%get3A_35, %get3A_36] : memref<1x300xf32, #tpu.memory_space<vmem>>, vector<1x300xf32>
    %dot_general3A_38 = arith.constant dense<0.000000e+00> : vector<1x512xf32>
    %dot_general3A_39 = tpu.matmul %get3A_37, %get3A_3, %dot_general3A_38 {dimension_numbers = #tpu.dot_dimension_numbers<[1], [1], [0], [0], [0, 0, 1, 0], [], []>, precision = #tpu.contract_precision<fp32>, transpose_lhs_hint = false} : vector<1x300xf32>, vector<512x300xf32>, vector<1x512xf32> -> vector<1x512xf32>
    %get3A_40 = arith.constant 0 : index
    %get3A_41 = arith.constant 0 : index
    %get3A_42 = vector.load %arg18[%get3A_40, %get3A_41] : memref<1x1xf32, #tpu.memory_space<vmem>>, vector<1x1xf32>
    %get3A_43 = vector.extract %get3A_42[0, 0] : f32 from vector<1x1xf32>
    %add3A = vector.broadcast %get3A_43 : f32 to vector<1x512xf32>
    %add3A_44 = arith.addf %dot_general3A_39, %add3A : vector<1x512xf32>
    %get3A_45 = arith.constant 0 : index
    %get3A_46 = arith.constant 0 : index
    %get3A_47 = arith.constant 0 : index
    %get3A_48 = vector.load %arg6[%get3A_45, %get3A_46, %get3A_47] : memref<1x1x512xf32, #tpu.memory_space<vmem>>, vector<1x1x512xf32>
    %get3A_49 = vector.shape_cast %get3A_48 : vector<1x1x512xf32> to vector<1x512xf32>
    %gt3A = arith.constant 0.000000e+00 : f32
    %gt3A_50 = vector.broadcast %gt3A : f32 to vector<1x512xf32>
    %gt3A_51 = arith.cmpf ogt, %get3A_49, %gt3A_50 : vector<1x512xf32>
    %jit3A = arith.constant 0xFF800000 : f32
    %broadcast_in_dim3A_52 = vector.broadcast %jit3A : f32 to vector<1x512xf32>
    %select_n3A = arith.select %gt3A_51, %broadcast_in_dim3A_52, %add3A_44 : vector<1x512xi1>, vector<1x512xf32>
    %get3A_53 = arith.constant 0 : index
    %get3A_54 = arith.constant 0 : index
    %get3A_55 = arith.constant 0 : index
    %get3A_56 = vector.load %arg8[%get3A_53, %get3A_54, %get3A_55] : memref<1x1x1xf32, #tpu.memory_space<vmem>>, vector<1x1x1xf32>
    %get3A_57 = vector.shape_cast %get3A_56 : vector<1x1x1xf32> to vector<1xf32>
    %gt3A_58 = arith.constant 0.000000e+00 : f32
    %gt3A_59 = vector.broadcast %gt3A_58 : f32 to vector<1xf32>
    %gt3A_60 = arith.cmpf ogt, %get3A_57, %gt3A_59 : vector<1xf32>
    %get3A_61 = arith.constant 0 : index
    %get3A_62 = arith.constant 0 : index
    %get3A_63 = arith.constant 0 : index
    %get3A_64 = vector.load %arg9[%get3A_61, %get3A_62, %get3A_63] : memref<2x300x1500xbf16, #tpu.memory_space<vmem>>, vector<1x300x1500xbf16>
    %get3A_65 = vector.shape_cast %get3A_64 : vector<1x300x1500xbf16> to vector<300x1500xbf16>
    %get3A_66 = arith.constant 0 : index
    %get3A_67 = arith.constant 0 : index
    %get3A_68 = arith.constant 0 : index
    %get3A_69 = vector.load %arg10[%get3A_66, %get3A_67, %get3A_68] : memref<2x5x300xf32, #tpu.memory_space<vmem>>, vector<1x5x300xf32>
    %get3A_70 = vector.shape_cast %get3A_69 : vector<1x5x300xf32> to vector<5x300xf32>
    %get3A_71 = arith.constant 0 : index
    %get3A_72 = arith.constant 0 : index
    %get3A_73 = arith.constant 0 : index
    %get3A_74 = vector.load %arg11[%get3A_71, %get3A_72, %get3A_73] : memref<2x5x300xf32, #tpu.memory_space<vmem>>, vector<1x5x300xf32>
    %get3A_75 = vector.shape_cast %get3A_74 : vector<1x5x300xf32> to vector<5x300xf32>
    %get3A_76 = arith.constant 0 : index
    %get3A_77 = arith.constant 0 : index
    %get3A_78 = vector.load %arg12[%get3A_76, %get3A_77] : memref<2x300xf32, #tpu.memory_space<vmem>>, vector<1x300xf32>
    %convert_element_type3A = arith.truncf %get3A_3 : vector<512x300xf32> to vector<512x300xbf16>
    %dot_general3A_79 = arith.constant dense<0.000000e+00> : vector<512x1500xf32>
    %dot_general3A_80 = tpu.matmul %convert_element_type3A, %get3A_65, %dot_general3A_79 {dimension_numbers = #tpu.dot_dimension_numbers<[1], [0], [0], [1], [0, 0, 1, 1], [], []>, transpose_lhs_hint = false} : vector<512x300xbf16>, vector<300x1500xbf16>, vector<512x1500xf32> -> vector<512x1500xf32>
    %convert_element_type3A_81 = arith.truncf %dot_general3A_80 : vector<512x1500xf32> to vector<512x1500xbf16>
    %dot_general3A_82 = arith.constant dense<0.000000e+00> : vector<5x512xf32>
    %dot_general3A_83 = tpu.matmul %get3A_70, %get3A_3, %dot_general3A_82 {dimension_numbers = #tpu.dot_dimension_numbers<[1], [1], [0], [0], [0, 0, 1, 0], [], []>, precision = #tpu.contract_precision<fp32>, transpose_lhs_hint = false} : vector<5x300xf32>, vector<512x300xf32>, vector<5x512xf32> -> vector<5x512xf32>
    %dot_general3A_84 = arith.constant dense<0.000000e+00> : vector<5x512xf32>
    %dot_general3A_85 = tpu.matmul %get3A_75, %get3A_3, %dot_general3A_84 {dimension_numbers = #tpu.dot_dimension_numbers<[1], [1], [0], [0], [0, 0, 1, 0], [], []>, precision = #tpu.contract_precision<fp32>, transpose_lhs_hint = false} : vector<5x300xf32>, vector<512x300xf32>, vector<5x512xf32> -> vector<5x512xf32>
    %transpose3A = tpu.transpose %dot_general3A_85, [1, 0] : vector<5x512xf32> -> vector<512x5xf32>
    %broadcast_in_dim3A_86 = arith.constant 0.000000e+00 : f32
    %broadcast_in_dim3A_87 = vector.broadcast %broadcast_in_dim3A_86 : f32 to vector<512x300xf32>
    %slice3A = vector.extract_strided_slice %convert_element_type3A_81 {offsets = [0, 0], sizes = [512, 300], strides = [1, 1]} : vector<512x1500xbf16> to vector<512x300xbf16>
    %slice3A_88 = vector.extract_strided_slice %transpose3A {offsets = [0, 0], sizes = [512, 1], strides = [1, 1]} : vector<512x5xf32> to vector<512x1xf32>
    %slice3A_89 = vector.extract_strided_slice %dot_general3A_83 {offsets = [0, 0], sizes = [1, 512], strides = [1, 1]} : vector<5x512xf32> to vector<1x512xf32>
    %add3A_90 = vector.broadcast %slice3A_88 : vector<512x1xf32> to vector<512x512xf32>
    %add3A_91 = vector.broadcast %slice3A_89 : vector<1x512xf32> to vector<512x512xf32>
    %add3A_92 = arith.addf %add3A_90, %add3A_91 : vector<512x512xf32>
    %mul3A_93 = arith.constant 2.000000e-01 : f32
    %mul3A_94 = vector.broadcast %mul3A_93 : f32 to vector<512x512xf32>
    %mul3A_95 = arith.mulf %mul3A_94, %add3A_92 : vector<512x512xf32>
    %max3A = arith.maximumf %add3A_92, %mul3A_95 : vector<512x512xf32>
    %exp3A = math.exp %max3A : vector<512x512xf32>
    %mul3A_96 = arith.mulf %get3A_18, %exp3A : vector<512x512xf32>
    %reduce_sum3A = arith.constant dense<0.000000e+00> : vector<512xf32>
    %reduce_sum3A_97 = vector.multi_reduction <add>, %mul3A_96, %reduce_sum3A [1] : vector<512x512xf32> to vector<512xf32>
    %broadcast_in_dim3A_98 = vector.shape_cast %reduce_sum3A_97 : vector<512xf32> to vector<512x1xf32>
    %convert_element_type3A_99 = arith.truncf %mul3A_96 : vector<512x512xf32> to vector<512x512xbf16>
    %dot_general3A_100 = arith.constant dense<0.000000e+00> : vector<512x300xf32>
    %dot_general3A_101 = tpu.matmul %convert_element_type3A_99, %slice3A, %dot_general3A_100 {dimension_numbers = #tpu.dot_dimension_numbers<[1], [0], [0], [1], [0, 0, 1, 1], [], []>, transpose_lhs_hint = false} : vector<512x512xbf16>, vector<512x300xbf16>, vector<512x300xf32> -> vector<512x300xf32>
    %add3A_102 = arith.constant 1.000000e-16 : f32
    %add3A_103 = vector.broadcast %add3A_102 : f32 to vector<512x1xf32>
    %add3A_104 = arith.addf %broadcast_in_dim3A_98, %add3A_103 : vector<512x1xf32>
    %div3A = arith.constant 1.000000e+00 : f32
    %div3A_105 = vector.broadcast %div3A : f32 to vector<512x1xf32>
    %div3A_106 = arith.divf %div3A_105, %add3A_104 : vector<512x1xf32>
    %mul3A_107 = vector.broadcast %div3A_106 : vector<512x1xf32> to vector<512x300xf32>
    %mul3A_108 = arith.mulf %dot_general3A_101, %mul3A_107 : vector<512x300xf32>
    %add3A_109 = arith.addf %broadcast_in_dim3A_87, %mul3A_108 : vector<512x300xf32>
    %slice3A_110 = vector.extract_strided_slice %convert_element_type3A_81 {offsets = [0, 300], sizes = [512, 300], strides = [1, 1]} : vector<512x1500xbf16> to vector<512x300xbf16>
    %slice3A_111 = vector.extract_strided_slice %transpose3A {offsets = [0, 1], sizes = [512, 1], strides = [1, 1]} : vector<512x5xf32> to vector<512x1xf32>
    %slice3A_112 = vector.extract_strided_slice %dot_general3A_83 {offsets = [1, 0], sizes = [1, 512], strides = [1, 1]} : vector<5x512xf32> to vector<1x512xf32>
    %add3A_113 = vector.broadcast %slice3A_111 : vector<512x1xf32> to vector<512x512xf32>
    %add3A_114 = vector.broadcast %slice3A_112 : vector<1x512xf32> to vector<512x512xf32>
    %add3A_115 = arith.addf %add3A_113, %add3A_114 : vector<512x512xf32>
    %mul3A_116 = arith.constant 2.000000e-01 : f32
    %mul3A_117 = vector.broadcast %mul3A_116 : f32 to vector<512x512xf32>
    %mul3A_118 = arith.mulf %mul3A_117, %add3A_115 : vector<512x512xf32>
    %max3A_119 = arith.maximumf %add3A_115, %mul3A_118 : vector<512x512xf32>
    %exp3A_120 = math.exp %max3A_119 : vector<512x512xf32>
    %mul3A_121 = arith.mulf %get3A_18, %exp3A_120 : vector<512x512xf32>
    %reduce_sum3A_122 = arith.constant dense<0.000000e+00> : vector<512xf32>
    %reduce_sum3A_123 = vector.multi_reduction <add>, %mul3A_121, %reduce_sum3A_122 [1] : vector<512x512xf32> to vector<512xf32>
    %broadcast_in_dim3A_124 = vector.shape_cast %reduce_sum3A_123 : vector<512xf32> to vector<512x1xf32>
    %convert_element_type3A_125 = arith.truncf %mul3A_121 : vector<512x512xf32> to vector<512x512xbf16>
    %dot_general3A_126 = arith.constant dense<0.000000e+00> : vector<512x300xf32>
    %dot_general3A_127 = tpu.matmul %convert_element_type3A_125, %slice3A_110, %dot_general3A_126 {dimension_numbers = #tpu.dot_dimension_numbers<[1], [0], [0], [1], [0, 0, 1, 1], [], []>, transpose_lhs_hint = false} : vector<512x512xbf16>, vector<512x300xbf16>, vector<512x300xf32> -> vector<512x300xf32>
    %add3A_128 = arith.constant 1.000000e-16 : f32
    %add3A_129 = vector.broadcast %add3A_128 : f32 to vector<512x1xf32>
    %add3A_130 = arith.addf %broadcast_in_dim3A_124, %add3A_129 : vector<512x1xf32>
    %div3A_131 = arith.constant 1.000000e+00 : f32
    %div3A_132 = vector.broadcast %div3A_131 : f32 to vector<512x1xf32>
    %div3A_133 = arith.divf %div3A_132, %add3A_130 : vector<512x1xf32>
    %mul3A_134 = vector.broadcast %div3A_133 : vector<512x1xf32> to vector<512x300xf32>
    %mul3A_135 = arith.mulf %dot_general3A_127, %mul3A_134 : vector<512x300xf32>
    %add3A_136 = arith.addf %add3A_109, %mul3A_135 : vector<512x300xf32>
    %slice3A_137 = vector.extract_strided_slice %convert_element_type3A_81 {offsets = [0, 600], sizes = [512, 300], strides = [1, 1]} : vector<512x1500xbf16> to vector<512x300xbf16>
    %slice3A_138 = vector.extract_strided_slice %transpose3A {offsets = [0, 2], sizes = [512, 1], strides = [1, 1]} : vector<512x5xf32> to vector<512x1xf32>
    %slice3A_139 = vector.extract_strided_slice %dot_general3A_83 {offsets = [2, 0], sizes = [1, 512], strides = [1, 1]} : vector<5x512xf32> to vector<1x512xf32>
    %add3A_140 = vector.broadcast %slice3A_138 : vector<512x1xf32> to vector<512x512xf32>
    %add3A_141 = vector.broadcast %slice3A_139 : vector<1x512xf32> to vector<512x512xf32>
    %add3A_142 = arith.addf %add3A_140, %add3A_141 : vector<512x512xf32>
    %mul3A_143 = arith.constant 2.000000e-01 : f32
    %mul3A_144 = vector.broadcast %mul3A_143 : f32 to vector<512x512xf32>
    %mul3A_145 = arith.mulf %mul3A_144, %add3A_142 : vector<512x512xf32>
    %max3A_146 = arith.maximumf %add3A_142, %mul3A_145 : vector<512x512xf32>
    %exp3A_147 = math.exp %max3A_146 : vector<512x512xf32>
    %mul3A_148 = arith.mulf %get3A_18, %exp3A_147 : vector<512x512xf32>
    %reduce_sum3A_149 = arith.constant dense<0.000000e+00> : vector<512xf32>
    %reduce_sum3A_150 = vector.multi_reduction <add>, %mul3A_148, %reduce_sum3A_149 [1] : vector<512x512xf32> to vector<512xf32>
    %broadcast_in_dim3A_151 = vector.shape_cast %reduce_sum3A_150 : vector<512xf32> to vector<512x1xf32>
    %convert_element_type3A_152 = arith.truncf %mul3A_148 : vector<512x512xf32> to vector<512x512xbf16>
    %dot_general3A_153 = arith.constant dense<0.000000e+00> : vector<512x300xf32>
    %dot_general3A_154 = tpu.matmul %convert_element_type3A_152, %slice3A_137, %dot_general3A_153 {dimension_numbers = #tpu.dot_dimension_numbers<[1], [0], [0], [1], [0, 0, 1, 1], [], []>, transpose_lhs_hint = false} : vector<512x512xbf16>, vector<512x300xbf16>, vector<512x300xf32> -> vector<512x300xf32>
    %add3A_155 = arith.constant 1.000000e-16 : f32
    %add3A_156 = vector.broadcast %add3A_155 : f32 to vector<512x1xf32>
    %add3A_157 = arith.addf %broadcast_in_dim3A_151, %add3A_156 : vector<512x1xf32>
    %div3A_158 = arith.constant 1.000000e+00 : f32
    %div3A_159 = vector.broadcast %div3A_158 : f32 to vector<512x1xf32>
    %div3A_160 = arith.divf %div3A_159, %add3A_157 : vector<512x1xf32>
    %mul3A_161 = vector.broadcast %div3A_160 : vector<512x1xf32> to vector<512x300xf32>
    %mul3A_162 = arith.mulf %dot_general3A_154, %mul3A_161 : vector<512x300xf32>
    %add3A_163 = arith.addf %add3A_136, %mul3A_162 : vector<512x300xf32>
    %slice3A_164 = vector.extract_strided_slice %convert_element_type3A_81 {offsets = [0, 900], sizes = [512, 300], strides = [1, 1]} : vector<512x1500xbf16> to vector<512x300xbf16>
    %slice3A_165 = vector.extract_strided_slice %transpose3A {offsets = [0, 3], sizes = [512, 1], strides = [1, 1]} : vector<512x5xf32> to vector<512x1xf32>
    %slice3A_166 = vector.extract_strided_slice %dot_general3A_83 {offsets = [3, 0], sizes = [1, 512], strides = [1, 1]} : vector<5x512xf32> to vector<1x512xf32>
    %add3A_167 = vector.broadcast %slice3A_165 : vector<512x1xf32> to vector<512x512xf32>
    %add3A_168 = vector.broadcast %slice3A_166 : vector<1x512xf32> to vector<512x512xf32>
    %add3A_169 = arith.addf %add3A_167, %add3A_168 : vector<512x512xf32>
    %mul3A_170 = arith.constant 2.000000e-01 : f32
    %mul3A_171 = vector.broadcast %mul3A_170 : f32 to vector<512x512xf32>
    %mul3A_172 = arith.mulf %mul3A_171, %add3A_169 : vector<512x512xf32>
    %max3A_173 = arith.maximumf %add3A_169, %mul3A_172 : vector<512x512xf32>
    %exp3A_174 = math.exp %max3A_173 : vector<512x512xf32>
    %mul3A_175 = arith.mulf %get3A_18, %exp3A_174 : vector<512x512xf32>
    %reduce_sum3A_176 = arith.constant dense<0.000000e+00> : vector<512xf32>
    %reduce_sum3A_177 = vector.multi_reduction <add>, %mul3A_175, %reduce_sum3A_176 [1] : vector<512x512xf32> to vector<512xf32>
    %broadcast_in_dim3A_178 = vector.shape_cast %reduce_sum3A_177 : vector<512xf32> to vector<512x1xf32>
    %convert_element_type3A_179 = arith.truncf %mul3A_175 : vector<512x512xf32> to vector<512x512xbf16>
    %dot_general3A_180 = arith.constant dense<0.000000e+00> : vector<512x300xf32>
    %dot_general3A_181 = tpu.matmul %convert_element_type3A_179, %slice3A_164, %dot_general3A_180 {dimension_numbers = #tpu.dot_dimension_numbers<[1], [0], [0], [1], [0, 0, 1, 1], [], []>, transpose_lhs_hint = false} : vector<512x512xbf16>, vector<512x300xbf16>, vector<512x300xf32> -> vector<512x300xf32>
    %add3A_182 = arith.constant 1.000000e-16 : f32
    %add3A_183 = vector.broadcast %add3A_182 : f32 to vector<512x1xf32>
    %add3A_184 = arith.addf %broadcast_in_dim3A_178, %add3A_183 : vector<512x1xf32>
    %div3A_185 = arith.constant 1.000000e+00 : f32
    %div3A_186 = vector.broadcast %div3A_185 : f32 to vector<512x1xf32>
    %div3A_187 = arith.divf %div3A_186, %add3A_184 : vector<512x1xf32>
    %mul3A_188 = vector.broadcast %div3A_187 : vector<512x1xf32> to vector<512x300xf32>
    %mul3A_189 = arith.mulf %dot_general3A_181, %mul3A_188 : vector<512x300xf32>
    %add3A_190 = arith.addf %add3A_163, %mul3A_189 : vector<512x300xf32>
    %slice3A_191 = vector.extract_strided_slice %convert_element_type3A_81 {offsets = [0, 1200], sizes = [512, 300], strides = [1, 1]} : vector<512x1500xbf16> to vector<512x300xbf16>
    %slice3A_192 = vector.extract_strided_slice %transpose3A {offsets = [0, 4], sizes = [512, 1], strides = [1, 1]} : vector<512x5xf32> to vector<512x1xf32>
    %slice3A_193 = vector.extract_strided_slice %dot_general3A_83 {offsets = [4, 0], sizes = [1, 512], strides = [1, 1]} : vector<5x512xf32> to vector<1x512xf32>
    %add3A_194 = vector.broadcast %slice3A_192 : vector<512x1xf32> to vector<512x512xf32>
    %add3A_195 = vector.broadcast %slice3A_193 : vector<1x512xf32> to vector<512x512xf32>
    %add3A_196 = arith.addf %add3A_194, %add3A_195 : vector<512x512xf32>
    %mul3A_197 = arith.constant 2.000000e-01 : f32
    %mul3A_198 = vector.broadcast %mul3A_197 : f32 to vector<512x512xf32>
    %mul3A_199 = arith.mulf %mul3A_198, %add3A_196 : vector<512x512xf32>
    %max3A_200 = arith.maximumf %add3A_196, %mul3A_199 : vector<512x512xf32>
    %exp3A_201 = math.exp %max3A_200 : vector<512x512xf32>
    %mul3A_202 = arith.mulf %get3A_18, %exp3A_201 : vector<512x512xf32>
    %reduce_sum3A_203 = arith.constant dense<0.000000e+00> : vector<512xf32>
    %reduce_sum3A_204 = vector.multi_reduction <add>, %mul3A_202, %reduce_sum3A_203 [1] : vector<512x512xf32> to vector<512xf32>
    %broadcast_in_dim3A_205 = vector.shape_cast %reduce_sum3A_204 : vector<512xf32> to vector<512x1xf32>
    %convert_element_type3A_206 = arith.truncf %mul3A_202 : vector<512x512xf32> to vector<512x512xbf16>
    %dot_general3A_207 = arith.constant dense<0.000000e+00> : vector<512x300xf32>
    %dot_general3A_208 = tpu.matmul %convert_element_type3A_206, %slice3A_191, %dot_general3A_207 {dimension_numbers = #tpu.dot_dimension_numbers<[1], [0], [0], [1], [0, 0, 1, 1], [], []>, transpose_lhs_hint = false} : vector<512x512xbf16>, vector<512x300xbf16>, vector<512x300xf32> -> vector<512x300xf32>
    %add3A_209 = arith.constant 1.000000e-16 : f32
    %add3A_210 = vector.broadcast %add3A_209 : f32 to vector<512x1xf32>
    %add3A_211 = arith.addf %broadcast_in_dim3A_205, %add3A_210 : vector<512x1xf32>
    %div3A_212 = arith.constant 1.000000e+00 : f32
    %div3A_213 = vector.broadcast %div3A_212 : f32 to vector<512x1xf32>
    %div3A_214 = arith.divf %div3A_213, %add3A_211 : vector<512x1xf32>
    %mul3A_215 = vector.broadcast %div3A_214 : vector<512x1xf32> to vector<512x300xf32>
    %mul3A_216 = arith.mulf %dot_general3A_208, %mul3A_215 : vector<512x300xf32>
    %add3A_217 = arith.addf %add3A_190, %mul3A_216 : vector<512x300xf32>
    %mul3A_218 = arith.constant 2.000000e-01 : f32
    %mul3A_219 = vector.broadcast %mul3A_218 : f32 to vector<512x300xf32>
    %mul3A_220 = arith.mulf %add3A_217, %mul3A_219 : vector<512x300xf32>
    %add3A_221 = vector.broadcast %get3A_78 : vector<1x300xf32> to vector<512x300xf32>
    %add3A_222 = arith.addf %mul3A_220, %add3A_221 : vector<512x300xf32>
    %max3A_223 = arith.constant 0.000000e+00 : f32
    %max3A_224 = vector.broadcast %max3A_223 : f32 to vector<512x300xf32>
    %max3A_225 = arith.maximumf %add3A_222, %max3A_224 : vector<512x300xf32>
    %jit3A_226 = arith.constant 0.000000e+00 : f32
    %broadcast_in_dim3A_227 = vector.shape_cast %gt3A_60 : vector<1xi1> to vector<1x1xi1>
    %broadcast_in_dim3A_228 = vector.broadcast %broadcast_in_dim3A_227 : vector<1x1xi1> to vector<512x300xi1>
    %broadcast_in_dim3A_229 = vector.broadcast %jit3A_226 : f32 to vector<512x300xf32>
    %select_n3A_230 = arith.select %broadcast_in_dim3A_228, %broadcast_in_dim3A_229, %max3A_225 : vector<512x300xi1>, vector<512x300xf32>
    %reduce_sum3A_231 = arith.constant dense<0.000000e+00> : vector<512xf32>
    %reduce_sum3A_232 = vector.multi_reduction <add>, %select_n3A_230, %reduce_sum3A_231 [1] : vector<512x300xf32> to vector<512xf32>
    %broadcast_in_dim3A_233 = vector.shape_cast %reduce_sum3A_232 : vector<512xf32> to vector<512x1xf32>
    %div3A_234 = arith.constant 3.000000e+02 : f32
    %div3A_235 = vector.broadcast %div3A_234 : f32 to vector<512x1xf32>
    %div3A_236 = arith.divf %broadcast_in_dim3A_233, %div3A_235 : vector<512x1xf32>
    %sub3A = vector.broadcast %div3A_236 : vector<512x1xf32> to vector<512x300xf32>
    %sub3A_237 = arith.subf %select_n3A_230, %sub3A : vector<512x300xf32>
    %mul3A_238 = arith.mulf %sub3A_237, %sub3A_237 : vector<512x300xf32>
    %reduce_sum3A_239 = arith.constant dense<0.000000e+00> : vector<512xf32>
    %reduce_sum3A_240 = vector.multi_reduction <add>, %mul3A_238, %reduce_sum3A_239 [1] : vector<512x300xf32> to vector<512xf32>
    %broadcast_in_dim3A_241 = vector.shape_cast %reduce_sum3A_240 : vector<512xf32> to vector<512x1xf32>
    %div3A_242 = arith.constant 3.000000e+02 : f32
    %div3A_243 = vector.broadcast %div3A_242 : f32 to vector<512x1xf32>
    %div3A_244 = arith.divf %broadcast_in_dim3A_241, %div3A_243 : vector<512x1xf32>
    %add3A_245 = arith.constant 9.99999974E-6 : f32
    %add3A_246 = vector.broadcast %add3A_245 : f32 to vector<512x1xf32>
    %add3A_247 = arith.addf %div3A_244, %add3A_246 : vector<512x1xf32>
    %rsqrt3A = math.rsqrt %add3A_247 : vector<512x1xf32>
    %mul3A_248 = vector.broadcast %rsqrt3A : vector<512x1xf32> to vector<512x300xf32>
    %mul3A_249 = arith.mulf %sub3A_237, %mul3A_248 : vector<512x300xf32>
    %mul3A_250 = vector.broadcast %get3A_24 : vector<1x300xf32> to vector<512x300xf32>
    %mul3A_251 = arith.mulf %mul3A_249, %mul3A_250 : vector<512x300xf32>
    %add3A_252 = vector.broadcast %get3A_27 : vector<1x300xf32> to vector<512x300xf32>
    %add3A_253 = arith.addf %mul3A_251, %add3A_252 : vector<512x300xf32>
    %get3A_254 = arith.constant 1 : index
    %get3A_255 = arith.constant 0 : index
    %get3A_256 = arith.constant 0 : index
    %get3A_257 = vector.load %arg9[%get3A_254, %get3A_255, %get3A_256] : memref<2x300x1500xbf16, #tpu.memory_space<vmem>>, vector<1x300x1500xbf16>
    %get3A_258 = vector.shape_cast %get3A_257 : vector<1x300x1500xbf16> to vector<300x1500xbf16>
    %get3A_259 = arith.constant 1 : index
    %get3A_260 = arith.constant 0 : index
    %get3A_261 = arith.constant 0 : index
    %get3A_262 = vector.load %arg10[%get3A_259, %get3A_260, %get3A_261] : memref<2x5x300xf32, #tpu.memory_space<vmem>>, vector<1x5x300xf32>
    %get3A_263 = vector.shape_cast %get3A_262 : vector<1x5x300xf32> to vector<5x300xf32>
    %get3A_264 = arith.constant 1 : index
    %get3A_265 = arith.constant 0 : index
    %get3A_266 = arith.constant 0 : index
    %get3A_267 = vector.load %arg11[%get3A_264, %get3A_265, %get3A_266] : memref<2x5x300xf32, #tpu.memory_space<vmem>>, vector<1x5x300xf32>
    %get3A_268 = vector.shape_cast %get3A_267 : vector<1x5x300xf32> to vector<5x300xf32>
    %get3A_269 = arith.constant 1 : index
    %get3A_270 = arith.constant 0 : index
    %get3A_271 = vector.load %arg12[%get3A_269, %get3A_270] : memref<2x300xf32, #tpu.memory_space<vmem>>, vector<1x300xf32>
    %convert_element_type3A_272 = arith.truncf %add3A_253 : vector<512x300xf32> to vector<512x300xbf16>
    %dot_general3A_273 = arith.constant dense<0.000000e+00> : vector<512x1500xf32>
    %dot_general3A_274 = tpu.matmul %convert_element_type3A_272, %get3A_258, %dot_general3A_273 {dimension_numbers = #tpu.dot_dimension_numbers<[1], [0], [0], [1], [0, 0, 1, 1], [], []>, transpose_lhs_hint = false} : vector<512x300xbf16>, vector<300x1500xbf16>, vector<512x1500xf32> -> vector<512x1500xf32>
    %convert_element_type3A_275 = arith.truncf %dot_general3A_274 : vector<512x1500xf32> to vector<512x1500xbf16>
    %dot_general3A_276 = arith.constant dense<0.000000e+00> : vector<5x512xf32>
    %dot_general3A_277 = tpu.matmul %get3A_263, %add3A_253, %dot_general3A_276 {dimension_numbers = #tpu.dot_dimension_numbers<[1], [1], [0], [0], [0, 0, 1, 0], [], []>, precision = #tpu.contract_precision<fp32>, transpose_lhs_hint = false} : vector<5x300xf32>, vector<512x300xf32>, vector<5x512xf32> -> vector<5x512xf32>
    %dot_general3A_278 = arith.constant dense<0.000000e+00> : vector<5x512xf32>
    %dot_general3A_279 = tpu.matmul %get3A_268, %add3A_253, %dot_general3A_278 {dimension_numbers = #tpu.dot_dimension_numbers<[1], [1], [0], [0], [0, 0, 1, 0], [], []>, precision = #tpu.contract_precision<fp32>, transpose_lhs_hint = false} : vector<5x300xf32>, vector<512x300xf32>, vector<5x512xf32> -> vector<5x512xf32>
    %transpose3A_280 = tpu.transpose %dot_general3A_279, [1, 0] : vector<5x512xf32> -> vector<512x5xf32>
    %broadcast_in_dim3A_281 = arith.constant 0.000000e+00 : f32
    %broadcast_in_dim3A_282 = vector.broadcast %broadcast_in_dim3A_281 : f32 to vector<512x300xf32>
    %slice3A_283 = vector.extract_strided_slice %convert_element_type3A_275 {offsets = [0, 0], sizes = [512, 300], strides = [1, 1]} : vector<512x1500xbf16> to vector<512x300xbf16>
    %slice3A_284 = vector.extract_strided_slice %transpose3A_280 {offsets = [0, 0], sizes = [512, 1], strides = [1, 1]} : vector<512x5xf32> to vector<512x1xf32>
    %slice3A_285 = vector.extract_strided_slice %dot_general3A_277 {offsets = [0, 0], sizes = [1, 512], strides = [1, 1]} : vector<5x512xf32> to vector<1x512xf32>
    %add3A_286 = vector.broadcast %slice3A_284 : vector<512x1xf32> to vector<512x512xf32>
    %add3A_287 = vector.broadcast %slice3A_285 : vector<1x512xf32> to vector<512x512xf32>
    %add3A_288 = arith.addf %add3A_286, %add3A_287 : vector<512x512xf32>
    %mul3A_289 = arith.constant 2.000000e-01 : f32
    %mul3A_290 = vector.broadcast %mul3A_289 : f32 to vector<512x512xf32>
    %mul3A_291 = arith.mulf %mul3A_290, %add3A_288 : vector<512x512xf32>
    %max3A_292 = arith.maximumf %add3A_288, %mul3A_291 : vector<512x512xf32>
    %exp3A_293 = math.exp %max3A_292 : vector<512x512xf32>
    %mul3A_294 = arith.mulf %get3A_18, %exp3A_293 : vector<512x512xf32>
    %reduce_sum3A_295 = arith.constant dense<0.000000e+00> : vector<512xf32>
    %reduce_sum3A_296 = vector.multi_reduction <add>, %mul3A_294, %reduce_sum3A_295 [1] : vector<512x512xf32> to vector<512xf32>
    %broadcast_in_dim3A_297 = vector.shape_cast %reduce_sum3A_296 : vector<512xf32> to vector<512x1xf32>
    %convert_element_type3A_298 = arith.truncf %mul3A_294 : vector<512x512xf32> to vector<512x512xbf16>
    %dot_general3A_299 = arith.constant dense<0.000000e+00> : vector<512x300xf32>
    %dot_general3A_300 = tpu.matmul %convert_element_type3A_298, %slice3A_283, %dot_general3A_299 {dimension_numbers = #tpu.dot_dimension_numbers<[1], [0], [0], [1], [0, 0, 1, 1], [], []>, transpose_lhs_hint = false} : vector<512x512xbf16>, vector<512x300xbf16>, vector<512x300xf32> -> vector<512x300xf32>
    %add3A_301 = arith.constant 1.000000e-16 : f32
    %add3A_302 = vector.broadcast %add3A_301 : f32 to vector<512x1xf32>
    %add3A_303 = arith.addf %broadcast_in_dim3A_297, %add3A_302 : vector<512x1xf32>
    %div3A_304 = arith.constant 1.000000e+00 : f32
    %div3A_305 = vector.broadcast %div3A_304 : f32 to vector<512x1xf32>
    %div3A_306 = arith.divf %div3A_305, %add3A_303 : vector<512x1xf32>
    %mul3A_307 = vector.broadcast %div3A_306 : vector<512x1xf32> to vector<512x300xf32>
    %mul3A_308 = arith.mulf %dot_general3A_300, %mul3A_307 : vector<512x300xf32>
    %add3A_309 = arith.addf %broadcast_in_dim3A_282, %mul3A_308 : vector<512x300xf32>
    %slice3A_310 = vector.extract_strided_slice %convert_element_type3A_275 {offsets = [0, 300], sizes = [512, 300], strides = [1, 1]} : vector<512x1500xbf16> to vector<512x300xbf16>
    %slice3A_311 = vector.extract_strided_slice %transpose3A_280 {offsets = [0, 1], sizes = [512, 1], strides = [1, 1]} : vector<512x5xf32> to vector<512x1xf32>
    %slice3A_312 = vector.extract_strided_slice %dot_general3A_277 {offsets = [1, 0], sizes = [1, 512], strides = [1, 1]} : vector<5x512xf32> to vector<1x512xf32>
    %add3A_313 = vector.broadcast %slice3A_311 : vector<512x1xf32> to vector<512x512xf32>
    %add3A_314 = vector.broadcast %slice3A_312 : vector<1x512xf32> to vector<512x512xf32>
    %add3A_315 = arith.addf %add3A_313, %add3A_314 : vector<512x512xf32>
    %mul3A_316 = arith.constant 2.000000e-01 : f32
    %mul3A_317 = vector.broadcast %mul3A_316 : f32 to vector<512x512xf32>
    %mul3A_318 = arith.mulf %mul3A_317, %add3A_315 : vector<512x512xf32>
    %max3A_319 = arith.maximumf %add3A_315, %mul3A_318 : vector<512x512xf32>
    %exp3A_320 = math.exp %max3A_319 : vector<512x512xf32>
    %mul3A_321 = arith.mulf %get3A_18, %exp3A_320 : vector<512x512xf32>
    %reduce_sum3A_322 = arith.constant dense<0.000000e+00> : vector<512xf32>
    %reduce_sum3A_323 = vector.multi_reduction <add>, %mul3A_321, %reduce_sum3A_322 [1] : vector<512x512xf32> to vector<512xf32>
    %broadcast_in_dim3A_324 = vector.shape_cast %reduce_sum3A_323 : vector<512xf32> to vector<512x1xf32>
    %convert_element_type3A_325 = arith.truncf %mul3A_321 : vector<512x512xf32> to vector<512x512xbf16>
    %dot_general3A_326 = arith.constant dense<0.000000e+00> : vector<512x300xf32>
    %dot_general3A_327 = tpu.matmul %convert_element_type3A_325, %slice3A_310, %dot_general3A_326 {dimension_numbers = #tpu.dot_dimension_numbers<[1], [0], [0], [1], [0, 0, 1, 1], [], []>, transpose_lhs_hint = false} : vector<512x512xbf16>, vector<512x300xbf16>, vector<512x300xf32> -> vector<512x300xf32>
    %add3A_328 = arith.constant 1.000000e-16 : f32
    %add3A_329 = vector.broadcast %add3A_328 : f32 to vector<512x1xf32>
    %add3A_330 = arith.addf %broadcast_in_dim3A_324, %add3A_329 : vector<512x1xf32>
    %div3A_331 = arith.constant 1.000000e+00 : f32
    %div3A_332 = vector.broadcast %div3A_331 : f32 to vector<512x1xf32>
    %div3A_333 = arith.divf %div3A_332, %add3A_330 : vector<512x1xf32>
    %mul3A_334 = vector.broadcast %div3A_333 : vector<512x1xf32> to vector<512x300xf32>
    %mul3A_335 = arith.mulf %dot_general3A_327, %mul3A_334 : vector<512x300xf32>
    %add3A_336 = arith.addf %add3A_309, %mul3A_335 : vector<512x300xf32>
    %slice3A_337 = vector.extract_strided_slice %convert_element_type3A_275 {offsets = [0, 600], sizes = [512, 300], strides = [1, 1]} : vector<512x1500xbf16> to vector<512x300xbf16>
    %slice3A_338 = vector.extract_strided_slice %transpose3A_280 {offsets = [0, 2], sizes = [512, 1], strides = [1, 1]} : vector<512x5xf32> to vector<512x1xf32>
    %slice3A_339 = vector.extract_strided_slice %dot_general3A_277 {offsets = [2, 0], sizes = [1, 512], strides = [1, 1]} : vector<5x512xf32> to vector<1x512xf32>
    %add3A_340 = vector.broadcast %slice3A_338 : vector<512x1xf32> to vector<512x512xf32>
    %add3A_341 = vector.broadcast %slice3A_339 : vector<1x512xf32> to vector<512x512xf32>
    %add3A_342 = arith.addf %add3A_340, %add3A_341 : vector<512x512xf32>
    %mul3A_343 = arith.constant 2.000000e-01 : f32
    %mul3A_344 = vector.broadcast %mul3A_343 : f32 to vector<512x512xf32>
    %mul3A_345 = arith.mulf %mul3A_344, %add3A_342 : vector<512x512xf32>
    %max3A_346 = arith.maximumf %add3A_342, %mul3A_345 : vector<512x512xf32>
    %exp3A_347 = math.exp %max3A_346 : vector<512x512xf32>
    %mul3A_348 = arith.mulf %get3A_18, %exp3A_347 : vector<512x512xf32>
    %reduce_sum3A_349 = arith.constant dense<0.000000e+00> : vector<512xf32>
    %reduce_sum3A_350 = vector.multi_reduction <add>, %mul3A_348, %reduce_sum3A_349 [1] : vector<512x512xf32> to vector<512xf32>
    %broadcast_in_dim3A_351 = vector.shape_cast %reduce_sum3A_350 : vector<512xf32> to vector<512x1xf32>
    %convert_element_type3A_352 = arith.truncf %mul3A_348 : vector<512x512xf32> to vector<512x512xbf16>
    %dot_general3A_353 = arith.constant dense<0.000000e+00> : vector<512x300xf32>
    %dot_general3A_354 = tpu.matmul %convert_element_type3A_352, %slice3A_337, %dot_general3A_353 {dimension_numbers = #tpu.dot_dimension_numbers<[1], [0], [0], [1], [0, 0, 1, 1], [], []>, transpose_lhs_hint = false} : vector<512x512xbf16>, vector<512x300xbf16>, vector<512x300xf32> -> vector<512x300xf32>
    %add3A_355 = arith.constant 1.000000e-16 : f32
    %add3A_356 = vector.broadcast %add3A_355 : f32 to vector<512x1xf32>
    %add3A_357 = arith.addf %broadcast_in_dim3A_351, %add3A_356 : vector<512x1xf32>
    %div3A_358 = arith.constant 1.000000e+00 : f32
    %div3A_359 = vector.broadcast %div3A_358 : f32 to vector<512x1xf32>
    %div3A_360 = arith.divf %div3A_359, %add3A_357 : vector<512x1xf32>
    %mul3A_361 = vector.broadcast %div3A_360 : vector<512x1xf32> to vector<512x300xf32>
    %mul3A_362 = arith.mulf %dot_general3A_354, %mul3A_361 : vector<512x300xf32>
    %add3A_363 = arith.addf %add3A_336, %mul3A_362 : vector<512x300xf32>
    %slice3A_364 = vector.extract_strided_slice %convert_element_type3A_275 {offsets = [0, 900], sizes = [512, 300], strides = [1, 1]} : vector<512x1500xbf16> to vector<512x300xbf16>
    %slice3A_365 = vector.extract_strided_slice %transpose3A_280 {offsets = [0, 3], sizes = [512, 1], strides = [1, 1]} : vector<512x5xf32> to vector<512x1xf32>
    %slice3A_366 = vector.extract_strided_slice %dot_general3A_277 {offsets = [3, 0], sizes = [1, 512], strides = [1, 1]} : vector<5x512xf32> to vector<1x512xf32>
    %add3A_367 = vector.broadcast %slice3A_365 : vector<512x1xf32> to vector<512x512xf32>
    %add3A_368 = vector.broadcast %slice3A_366 : vector<1x512xf32> to vector<512x512xf32>
    %add3A_369 = arith.addf %add3A_367, %add3A_368 : vector<512x512xf32>
    %mul3A_370 = arith.constant 2.000000e-01 : f32
    %mul3A_371 = vector.broadcast %mul3A_370 : f32 to vector<512x512xf32>
    %mul3A_372 = arith.mulf %mul3A_371, %add3A_369 : vector<512x512xf32>
    %max3A_373 = arith.maximumf %add3A_369, %mul3A_372 : vector<512x512xf32>
    %exp3A_374 = math.exp %max3A_373 : vector<512x512xf32>
    %mul3A_375 = arith.mulf %get3A_18, %exp3A_374 : vector<512x512xf32>
    %reduce_sum3A_376 = arith.constant dense<0.000000e+00> : vector<512xf32>
    %reduce_sum3A_377 = vector.multi_reduction <add>, %mul3A_375, %reduce_sum3A_376 [1] : vector<512x512xf32> to vector<512xf32>
    %broadcast_in_dim3A_378 = vector.shape_cast %reduce_sum3A_377 : vector<512xf32> to vector<512x1xf32>
    %convert_element_type3A_379 = arith.truncf %mul3A_375 : vector<512x512xf32> to vector<512x512xbf16>
    %dot_general3A_380 = arith.constant dense<0.000000e+00> : vector<512x300xf32>
    %dot_general3A_381 = tpu.matmul %convert_element_type3A_379, %slice3A_364, %dot_general3A_380 {dimension_numbers = #tpu.dot_dimension_numbers<[1], [0], [0], [1], [0, 0, 1, 1], [], []>, transpose_lhs_hint = false} : vector<512x512xbf16>, vector<512x300xbf16>, vector<512x300xf32> -> vector<512x300xf32>
    %add3A_382 = arith.constant 1.000000e-16 : f32
    %add3A_383 = vector.broadcast %add3A_382 : f32 to vector<512x1xf32>
    %add3A_384 = arith.addf %broadcast_in_dim3A_378, %add3A_383 : vector<512x1xf32>
    %div3A_385 = arith.constant 1.000000e+00 : f32
    %div3A_386 = vector.broadcast %div3A_385 : f32 to vector<512x1xf32>
    %div3A_387 = arith.divf %div3A_386, %add3A_384 : vector<512x1xf32>
    %mul3A_388 = vector.broadcast %div3A_387 : vector<512x1xf32> to vector<512x300xf32>
    %mul3A_389 = arith.mulf %dot_general3A_381, %mul3A_388 : vector<512x300xf32>
    %add3A_390 = arith.addf %add3A_363, %mul3A_389 : vector<512x300xf32>
    %slice3A_391 = vector.extract_strided_slice %convert_element_type3A_275 {offsets = [0, 1200], sizes = [512, 300], strides = [1, 1]} : vector<512x1500xbf16> to vector<512x300xbf16>
    %slice3A_392 = vector.extract_strided_slice %transpose3A_280 {offsets = [0, 4], sizes = [512, 1], strides = [1, 1]} : vector<512x5xf32> to vector<512x1xf32>
    %slice3A_393 = vector.extract_strided_slice %dot_general3A_277 {offsets = [4, 0], sizes = [1, 512], strides = [1, 1]} : vector<5x512xf32> to vector<1x512xf32>
    %add3A_394 = vector.broadcast %slice3A_392 : vector<512x1xf32> to vector<512x512xf32>
    %add3A_395 = vector.broadcast %slice3A_393 : vector<1x512xf32> to vector<512x512xf32>
    %add3A_396 = arith.addf %add3A_394, %add3A_395 : vector<512x512xf32>
    %mul3A_397 = arith.constant 2.000000e-01 : f32
    %mul3A_398 = vector.broadcast %mul3A_397 : f32 to vector<512x512xf32>
    %mul3A_399 = arith.mulf %mul3A_398, %add3A_396 : vector<512x512xf32>
    %max3A_400 = arith.maximumf %add3A_396, %mul3A_399 : vector<512x512xf32>
    %exp3A_401 = math.exp %max3A_400 : vector<512x512xf32>
    %mul3A_402 = arith.mulf %get3A_18, %exp3A_401 : vector<512x512xf32>
    %reduce_sum3A_403 = arith.constant dense<0.000000e+00> : vector<512xf32>
    %reduce_sum3A_404 = vector.multi_reduction <add>, %mul3A_402, %reduce_sum3A_403 [1] : vector<512x512xf32> to vector<512xf32>
    %broadcast_in_dim3A_405 = vector.shape_cast %reduce_sum3A_404 : vector<512xf32> to vector<512x1xf32>
    %convert_element_type3A_406 = arith.truncf %mul3A_402 : vector<512x512xf32> to vector<512x512xbf16>
    %dot_general3A_407 = arith.constant dense<0.000000e+00> : vector<512x300xf32>
    %dot_general3A_408 = tpu.matmul %convert_element_type3A_406, %slice3A_391, %dot_general3A_407 {dimension_numbers = #tpu.dot_dimension_numbers<[1], [0], [0], [1], [0, 0, 1, 1], [], []>, transpose_lhs_hint = false} : vector<512x512xbf16>, vector<512x300xbf16>, vector<512x300xf32> -> vector<512x300xf32>
    %add3A_409 = arith.constant 1.000000e-16 : f32
    %add3A_410 = vector.broadcast %add3A_409 : f32 to vector<512x1xf32>
    %add3A_411 = arith.addf %broadcast_in_dim3A_405, %add3A_410 : vector<512x1xf32>
    %div3A_412 = arith.constant 1.000000e+00 : f32
    %div3A_413 = vector.broadcast %div3A_412 : f32 to vector<512x1xf32>
    %div3A_414 = arith.divf %div3A_413, %add3A_411 : vector<512x1xf32>
    %mul3A_415 = vector.broadcast %div3A_414 : vector<512x1xf32> to vector<512x300xf32>
    %mul3A_416 = arith.mulf %dot_general3A_408, %mul3A_415 : vector<512x300xf32>
    %add3A_417 = arith.addf %add3A_390, %mul3A_416 : vector<512x300xf32>
    %mul3A_418 = arith.constant 2.000000e-01 : f32
    %mul3A_419 = vector.broadcast %mul3A_418 : f32 to vector<512x300xf32>
    %mul3A_420 = arith.mulf %add3A_417, %mul3A_419 : vector<512x300xf32>
    %add3A_421 = vector.broadcast %get3A_271 : vector<1x300xf32> to vector<512x300xf32>
    %add3A_422 = arith.addf %mul3A_420, %add3A_421 : vector<512x300xf32>
    %max3A_423 = arith.constant 0.000000e+00 : f32
    %max3A_424 = vector.broadcast %max3A_423 : f32 to vector<512x300xf32>
    %max3A_425 = arith.maximumf %add3A_422, %max3A_424 : vector<512x300xf32>
    %jit3A_426 = arith.constant 0.000000e+00 : f32
    %broadcast_in_dim3A_427 = vector.shape_cast %gt3A_60 : vector<1xi1> to vector<1x1xi1>
    %broadcast_in_dim3A_428 = vector.broadcast %broadcast_in_dim3A_427 : vector<1x1xi1> to vector<512x300xi1>
    %broadcast_in_dim3A_429 = vector.broadcast %jit3A_426 : f32 to vector<512x300xf32>
    %select_n3A_430 = arith.select %broadcast_in_dim3A_428, %broadcast_in_dim3A_429, %max3A_425 : vector<512x300xi1>, vector<512x300xf32>
    %reduce_sum3A_431 = arith.constant dense<0.000000e+00> : vector<512xf32>
    %reduce_sum3A_432 = vector.multi_reduction <add>, %select_n3A_430, %reduce_sum3A_431 [1] : vector<512x300xf32> to vector<512xf32>
    %broadcast_in_dim3A_433 = vector.shape_cast %reduce_sum3A_432 : vector<512xf32> to vector<512x1xf32>
    %div3A_434 = arith.constant 3.000000e+02 : f32
    %div3A_435 = vector.broadcast %div3A_434 : f32 to vector<512x1xf32>
    %div3A_436 = arith.divf %broadcast_in_dim3A_433, %div3A_435 : vector<512x1xf32>
    %sub3A_437 = vector.broadcast %div3A_436 : vector<512x1xf32> to vector<512x300xf32>
    %sub3A_438 = arith.subf %select_n3A_430, %sub3A_437 : vector<512x300xf32>
    %mul3A_439 = arith.mulf %sub3A_438, %sub3A_438 : vector<512x300xf32>
    %reduce_sum3A_440 = arith.constant dense<0.000000e+00> : vector<512xf32>
    %reduce_sum3A_441 = vector.multi_reduction <add>, %mul3A_439, %reduce_sum3A_440 [1] : vector<512x300xf32> to vector<512xf32>
    %broadcast_in_dim3A_442 = vector.shape_cast %reduce_sum3A_441 : vector<512xf32> to vector<512x1xf32>
    %div3A_443 = arith.constant 3.000000e+02 : f32
    %div3A_444 = vector.broadcast %div3A_443 : f32 to vector<512x1xf32>
    %div3A_445 = arith.divf %broadcast_in_dim3A_442, %div3A_444 : vector<512x1xf32>
    %add3A_446 = arith.constant 9.99999974E-6 : f32
    %add3A_447 = vector.broadcast %add3A_446 : f32 to vector<512x1xf32>
    %add3A_448 = arith.addf %div3A_445, %add3A_447 : vector<512x1xf32>
    %rsqrt3A_449 = math.rsqrt %add3A_448 : vector<512x1xf32>
    %mul3A_450 = vector.broadcast %rsqrt3A_449 : vector<512x1xf32> to vector<512x300xf32>
    %mul3A_451 = arith.mulf %sub3A_438, %mul3A_450 : vector<512x300xf32>
    %mul3A_452 = vector.broadcast %get3A_24 : vector<1x300xf32> to vector<512x300xf32>
    %mul3A_453 = arith.mulf %mul3A_451, %mul3A_452 : vector<512x300xf32>
    %add3A_454 = vector.broadcast %get3A_27 : vector<1x300xf32> to vector<512x300xf32>
    %add3A_455 = arith.addf %mul3A_453, %add3A_454 : vector<512x300xf32>
    %get3A_456 = arith.constant 0 : index
    %get3A_457 = arith.constant 0 : index
    %get3A_458 = arith.constant 0 : index
    %get3A_459 = vector.load %arg13[%get3A_456, %get3A_457, %get3A_458] : memref<2x300x1500xbf16, #tpu.memory_space<vmem>>, vector<1x300x1500xbf16>
    %get3A_460 = vector.shape_cast %get3A_459 : vector<1x300x1500xbf16> to vector<300x1500xbf16>
    %get3A_461 = arith.constant 0 : index
    %get3A_462 = arith.constant 0 : index
    %get3A_463 = arith.constant 0 : index
    %get3A_464 = vector.load %arg14[%get3A_461, %get3A_462, %get3A_463] : memref<2x5x300xf32, #tpu.memory_space<vmem>>, vector<1x5x300xf32>
    %get3A_465 = vector.shape_cast %get3A_464 : vector<1x5x300xf32> to vector<5x300xf32>
    %get3A_466 = arith.constant 0 : index
    %get3A_467 = arith.constant 0 : index
    %get3A_468 = arith.constant 0 : index
    %get3A_469 = vector.load %arg15[%get3A_466, %get3A_467, %get3A_468] : memref<2x5x300xf32, #tpu.memory_space<vmem>>, vector<1x5x300xf32>
    %get3A_470 = vector.shape_cast %get3A_469 : vector<1x5x300xf32> to vector<5x300xf32>
    %get3A_471 = arith.constant 0 : index
    %get3A_472 = arith.constant 0 : index
    %get3A_473 = vector.load %arg16[%get3A_471, %get3A_472] : memref<2x300xf32, #tpu.memory_space<vmem>>, vector<1x300xf32>
    %convert_element_type3A_474 = arith.truncf %get3A_8 : vector<196x300xf32> to vector<196x300xbf16>
    %dot_general3A_475 = arith.constant dense<0.000000e+00> : vector<196x1500xf32>
    %dot_general3A_476 = tpu.matmul %convert_element_type3A_474, %get3A_460, %dot_general3A_475 {dimension_numbers = #tpu.dot_dimension_numbers<[1], [0], [0], [1], [0, 0, 1, 1], [], []>, transpose_lhs_hint = false} : vector<196x300xbf16>, vector<300x1500xbf16>, vector<196x1500xf32> -> vector<196x1500xf32>
    %convert_element_type3A_477 = arith.truncf %dot_general3A_476 : vector<196x1500xf32> to vector<196x1500xbf16>
    %dot_general3A_478 = arith.constant dense<0.000000e+00> : vector<5x196xf32>
    %dot_general3A_479 = tpu.matmul %get3A_465, %get3A_8, %dot_general3A_478 {dimension_numbers = #tpu.dot_dimension_numbers<[1], [1], [0], [0], [0, 0, 1, 0], [], []>, precision = #tpu.contract_precision<fp32>, transpose_lhs_hint = false} : vector<5x300xf32>, vector<196x300xf32>, vector<5x196xf32> -> vector<5x196xf32>
    %dot_general3A_480 = arith.constant dense<0.000000e+00> : vector<5x196xf32>
    %dot_general3A_481 = tpu.matmul %get3A_470, %get3A_8, %dot_general3A_480 {dimension_numbers = #tpu.dot_dimension_numbers<[1], [1], [0], [0], [0, 0, 1, 0], [], []>, precision = #tpu.contract_precision<fp32>, transpose_lhs_hint = false} : vector<5x300xf32>, vector<196x300xf32>, vector<5x196xf32> -> vector<5x196xf32>
    %transpose3A_482 = tpu.transpose %dot_general3A_481, [1, 0] : vector<5x196xf32> -> vector<196x5xf32>
    %broadcast_in_dim3A_483 = arith.constant 0.000000e+00 : f32
    %broadcast_in_dim3A_484 = vector.broadcast %broadcast_in_dim3A_483 : f32 to vector<196x300xf32>
    %slice3A_485 = vector.extract_strided_slice %convert_element_type3A_477 {offsets = [0, 0], sizes = [196, 300], strides = [1, 1]} : vector<196x1500xbf16> to vector<196x300xbf16>
    %slice3A_486 = vector.extract_strided_slice %transpose3A_482 {offsets = [0, 0], sizes = [196, 1], strides = [1, 1]} : vector<196x5xf32> to vector<196x1xf32>
    %slice3A_487 = vector.extract_strided_slice %dot_general3A_479 {offsets = [0, 0], sizes = [1, 196], strides = [1, 1]} : vector<5x196xf32> to vector<1x196xf32>
    %add3A_488 = vector.broadcast %slice3A_486 : vector<196x1xf32> to vector<196x196xf32>
    %add3A_489 = vector.broadcast %slice3A_487 : vector<1x196xf32> to vector<196x196xf32>
    %add3A_490 = arith.addf %add3A_488, %add3A_489 : vector<196x196xf32>
    %mul3A_491 = arith.constant 2.000000e-01 : f32
    %mul3A_492 = vector.broadcast %mul3A_491 : f32 to vector<196x196xf32>
    %mul3A_493 = arith.mulf %mul3A_492, %add3A_490 : vector<196x196xf32>
    %max3A_494 = arith.maximumf %add3A_490, %mul3A_493 : vector<196x196xf32>
    %exp3A_495 = math.exp %max3A_494 : vector<196x196xf32>
    %mul3A_496 = arith.mulf %get3A_21, %exp3A_495 : vector<196x196xf32>
    %reduce_sum3A_497 = arith.constant dense<0.000000e+00> : vector<196xf32>
    %reduce_sum3A_498 = vector.multi_reduction <add>, %mul3A_496, %reduce_sum3A_497 [1] : vector<196x196xf32> to vector<196xf32>
    %broadcast_in_dim3A_499 = vector.shape_cast %reduce_sum3A_498 : vector<196xf32> to vector<196x1xf32>
    %convert_element_type3A_500 = arith.truncf %mul3A_496 : vector<196x196xf32> to vector<196x196xbf16>
    %dot_general3A_501 = arith.constant dense<0.000000e+00> : vector<196x300xf32>
    %dot_general3A_502 = tpu.matmul %convert_element_type3A_500, %slice3A_485, %dot_general3A_501 {dimension_numbers = #tpu.dot_dimension_numbers<[1], [0], [0], [1], [0, 0, 1, 1], [], []>, transpose_lhs_hint = false} : vector<196x196xbf16>, vector<196x300xbf16>, vector<196x300xf32> -> vector<196x300xf32>
    %add3A_503 = arith.constant 1.000000e-16 : f32
    %add3A_504 = vector.broadcast %add3A_503 : f32 to vector<196x1xf32>
    %add3A_505 = arith.addf %broadcast_in_dim3A_499, %add3A_504 : vector<196x1xf32>
    %div3A_506 = arith.constant 1.000000e+00 : f32
    %div3A_507 = vector.broadcast %div3A_506 : f32 to vector<196x1xf32>
    %div3A_508 = arith.divf %div3A_507, %add3A_505 : vector<196x1xf32>
    %mul3A_509 = vector.broadcast %div3A_508 : vector<196x1xf32> to vector<196x300xf32>
    %mul3A_510 = arith.mulf %dot_general3A_502, %mul3A_509 : vector<196x300xf32>
    %add3A_511 = arith.addf %broadcast_in_dim3A_484, %mul3A_510 : vector<196x300xf32>
    %slice3A_512 = vector.extract_strided_slice %convert_element_type3A_477 {offsets = [0, 300], sizes = [196, 300], strides = [1, 1]} : vector<196x1500xbf16> to vector<196x300xbf16>
    %slice3A_513 = vector.extract_strided_slice %transpose3A_482 {offsets = [0, 1], sizes = [196, 1], strides = [1, 1]} : vector<196x5xf32> to vector<196x1xf32>
    %slice3A_514 = vector.extract_strided_slice %dot_general3A_479 {offsets = [1, 0], sizes = [1, 196], strides = [1, 1]} : vector<5x196xf32> to vector<1x196xf32>
    %add3A_515 = vector.broadcast %slice3A_513 : vector<196x1xf32> to vector<196x196xf32>
    %add3A_516 = vector.broadcast %slice3A_514 : vector<1x196xf32> to vector<196x196xf32>
    %add3A_517 = arith.addf %add3A_515, %add3A_516 : vector<196x196xf32>
    %mul3A_518 = arith.constant 2.000000e-01 : f32
    %mul3A_519 = vector.broadcast %mul3A_518 : f32 to vector<196x196xf32>
    %mul3A_520 = arith.mulf %mul3A_519, %add3A_517 : vector<196x196xf32>
    %max3A_521 = arith.maximumf %add3A_517, %mul3A_520 : vector<196x196xf32>
    %exp3A_522 = math.exp %max3A_521 : vector<196x196xf32>
    %mul3A_523 = arith.mulf %get3A_21, %exp3A_522 : vector<196x196xf32>
    %reduce_sum3A_524 = arith.constant dense<0.000000e+00> : vector<196xf32>
    %reduce_sum3A_525 = vector.multi_reduction <add>, %mul3A_523, %reduce_sum3A_524 [1] : vector<196x196xf32> to vector<196xf32>
    %broadcast_in_dim3A_526 = vector.shape_cast %reduce_sum3A_525 : vector<196xf32> to vector<196x1xf32>
    %convert_element_type3A_527 = arith.truncf %mul3A_523 : vector<196x196xf32> to vector<196x196xbf16>
    %dot_general3A_528 = arith.constant dense<0.000000e+00> : vector<196x300xf32>
    %dot_general3A_529 = tpu.matmul %convert_element_type3A_527, %slice3A_512, %dot_general3A_528 {dimension_numbers = #tpu.dot_dimension_numbers<[1], [0], [0], [1], [0, 0, 1, 1], [], []>, transpose_lhs_hint = false} : vector<196x196xbf16>, vector<196x300xbf16>, vector<196x300xf32> -> vector<196x300xf32>
    %add3A_530 = arith.constant 1.000000e-16 : f32
    %add3A_531 = vector.broadcast %add3A_530 : f32 to vector<196x1xf32>
    %add3A_532 = arith.addf %broadcast_in_dim3A_526, %add3A_531 : vector<196x1xf32>
    %div3A_533 = arith.constant 1.000000e+00 : f32
    %div3A_534 = vector.broadcast %div3A_533 : f32 to vector<196x1xf32>
    %div3A_535 = arith.divf %div3A_534, %add3A_532 : vector<196x1xf32>
    %mul3A_536 = vector.broadcast %div3A_535 : vector<196x1xf32> to vector<196x300xf32>
    %mul3A_537 = arith.mulf %dot_general3A_529, %mul3A_536 : vector<196x300xf32>
    %add3A_538 = arith.addf %add3A_511, %mul3A_537 : vector<196x300xf32>
    %slice3A_539 = vector.extract_strided_slice %convert_element_type3A_477 {offsets = [0, 600], sizes = [196, 300], strides = [1, 1]} : vector<196x1500xbf16> to vector<196x300xbf16>
    %slice3A_540 = vector.extract_strided_slice %transpose3A_482 {offsets = [0, 2], sizes = [196, 1], strides = [1, 1]} : vector<196x5xf32> to vector<196x1xf32>
    %slice3A_541 = vector.extract_strided_slice %dot_general3A_479 {offsets = [2, 0], sizes = [1, 196], strides = [1, 1]} : vector<5x196xf32> to vector<1x196xf32>
    %add3A_542 = vector.broadcast %slice3A_540 : vector<196x1xf32> to vector<196x196xf32>
    %add3A_543 = vector.broadcast %slice3A_541 : vector<1x196xf32> to vector<196x196xf32>
    %add3A_544 = arith.addf %add3A_542, %add3A_543 : vector<196x196xf32>
    %mul3A_545 = arith.constant 2.000000e-01 : f32
    %mul3A_546 = vector.broadcast %mul3A_545 : f32 to vector<196x196xf32>
    %mul3A_547 = arith.mulf %mul3A_546, %add3A_544 : vector<196x196xf32>
    %max3A_548 = arith.maximumf %add3A_544, %mul3A_547 : vector<196x196xf32>
    %exp3A_549 = math.exp %max3A_548 : vector<196x196xf32>
    %mul3A_550 = arith.mulf %get3A_21, %exp3A_549 : vector<196x196xf32>
    %reduce_sum3A_551 = arith.constant dense<0.000000e+00> : vector<196xf32>
    %reduce_sum3A_552 = vector.multi_reduction <add>, %mul3A_550, %reduce_sum3A_551 [1] : vector<196x196xf32> to vector<196xf32>
    %broadcast_in_dim3A_553 = vector.shape_cast %reduce_sum3A_552 : vector<196xf32> to vector<196x1xf32>
    %convert_element_type3A_554 = arith.truncf %mul3A_550 : vector<196x196xf32> to vector<196x196xbf16>
    %dot_general3A_555 = arith.constant dense<0.000000e+00> : vector<196x300xf32>
    %dot_general3A_556 = tpu.matmul %convert_element_type3A_554, %slice3A_539, %dot_general3A_555 {dimension_numbers = #tpu.dot_dimension_numbers<[1], [0], [0], [1], [0, 0, 1, 1], [], []>, transpose_lhs_hint = false} : vector<196x196xbf16>, vector<196x300xbf16>, vector<196x300xf32> -> vector<196x300xf32>
    %add3A_557 = arith.constant 1.000000e-16 : f32
    %add3A_558 = vector.broadcast %add3A_557 : f32 to vector<196x1xf32>
    %add3A_559 = arith.addf %broadcast_in_dim3A_553, %add3A_558 : vector<196x1xf32>
    %div3A_560 = arith.constant 1.000000e+00 : f32
    %div3A_561 = vector.broadcast %div3A_560 : f32 to vector<196x1xf32>
    %div3A_562 = arith.divf %div3A_561, %add3A_559 : vector<196x1xf32>
    %mul3A_563 = vector.broadcast %div3A_562 : vector<196x1xf32> to vector<196x300xf32>
    %mul3A_564 = arith.mulf %dot_general3A_556, %mul3A_563 : vector<196x300xf32>
    %add3A_565 = arith.addf %add3A_538, %mul3A_564 : vector<196x300xf32>
    %slice3A_566 = vector.extract_strided_slice %convert_element_type3A_477 {offsets = [0, 900], sizes = [196, 300], strides = [1, 1]} : vector<196x1500xbf16> to vector<196x300xbf16>
    %slice3A_567 = vector.extract_strided_slice %transpose3A_482 {offsets = [0, 3], sizes = [196, 1], strides = [1, 1]} : vector<196x5xf32> to vector<196x1xf32>
    %slice3A_568 = vector.extract_strided_slice %dot_general3A_479 {offsets = [3, 0], sizes = [1, 196], strides = [1, 1]} : vector<5x196xf32> to vector<1x196xf32>
    %add3A_569 = vector.broadcast %slice3A_567 : vector<196x1xf32> to vector<196x196xf32>
    %add3A_570 = vector.broadcast %slice3A_568 : vector<1x196xf32> to vector<196x196xf32>
    %add3A_571 = arith.addf %add3A_569, %add3A_570 : vector<196x196xf32>
    %mul3A_572 = arith.constant 2.000000e-01 : f32
    %mul3A_573 = vector.broadcast %mul3A_572 : f32 to vector<196x196xf32>
    %mul3A_574 = arith.mulf %mul3A_573, %add3A_571 : vector<196x196xf32>
    %max3A_575 = arith.maximumf %add3A_571, %mul3A_574 : vector<196x196xf32>
    %exp3A_576 = math.exp %max3A_575 : vector<196x196xf32>
    %mul3A_577 = arith.mulf %get3A_21, %exp3A_576 : vector<196x196xf32>
    %reduce_sum3A_578 = arith.constant dense<0.000000e+00> : vector<196xf32>
    %reduce_sum3A_579 = vector.multi_reduction <add>, %mul3A_577, %reduce_sum3A_578 [1] : vector<196x196xf32> to vector<196xf32>
    %broadcast_in_dim3A_580 = vector.shape_cast %reduce_sum3A_579 : vector<196xf32> to vector<196x1xf32>
    %convert_element_type3A_581 = arith.truncf %mul3A_577 : vector<196x196xf32> to vector<196x196xbf16>
    %dot_general3A_582 = arith.constant dense<0.000000e+00> : vector<196x300xf32>
    %dot_general3A_583 = tpu.matmul %convert_element_type3A_581, %slice3A_566, %dot_general3A_582 {dimension_numbers = #tpu.dot_dimension_numbers<[1], [0], [0], [1], [0, 0, 1, 1], [], []>, transpose_lhs_hint = false} : vector<196x196xbf16>, vector<196x300xbf16>, vector<196x300xf32> -> vector<196x300xf32>
    %add3A_584 = arith.constant 1.000000e-16 : f32
    %add3A_585 = vector.broadcast %add3A_584 : f32 to vector<196x1xf32>
    %add3A_586 = arith.addf %broadcast_in_dim3A_580, %add3A_585 : vector<196x1xf32>
    %div3A_587 = arith.constant 1.000000e+00 : f32
    %div3A_588 = vector.broadcast %div3A_587 : f32 to vector<196x1xf32>
    %div3A_589 = arith.divf %div3A_588, %add3A_586 : vector<196x1xf32>
    %mul3A_590 = vector.broadcast %div3A_589 : vector<196x1xf32> to vector<196x300xf32>
    %mul3A_591 = arith.mulf %dot_general3A_583, %mul3A_590 : vector<196x300xf32>
    %add3A_592 = arith.addf %add3A_565, %mul3A_591 : vector<196x300xf32>
    %slice3A_593 = vector.extract_strided_slice %convert_element_type3A_477 {offsets = [0, 1200], sizes = [196, 300], strides = [1, 1]} : vector<196x1500xbf16> to vector<196x300xbf16>
    %slice3A_594 = vector.extract_strided_slice %transpose3A_482 {offsets = [0, 4], sizes = [196, 1], strides = [1, 1]} : vector<196x5xf32> to vector<196x1xf32>
    %slice3A_595 = vector.extract_strided_slice %dot_general3A_479 {offsets = [4, 0], sizes = [1, 196], strides = [1, 1]} : vector<5x196xf32> to vector<1x196xf32>
    %add3A_596 = vector.broadcast %slice3A_594 : vector<196x1xf32> to vector<196x196xf32>
    %add3A_597 = vector.broadcast %slice3A_595 : vector<1x196xf32> to vector<196x196xf32>
    %add3A_598 = arith.addf %add3A_596, %add3A_597 : vector<196x196xf32>
    %mul3A_599 = arith.constant 2.000000e-01 : f32
    %mul3A_600 = vector.broadcast %mul3A_599 : f32 to vector<196x196xf32>
    %mul3A_601 = arith.mulf %mul3A_600, %add3A_598 : vector<196x196xf32>
    %max3A_602 = arith.maximumf %add3A_598, %mul3A_601 : vector<196x196xf32>
    %exp3A_603 = math.exp %max3A_602 : vector<196x196xf32>
    %mul3A_604 = arith.mulf %get3A_21, %exp3A_603 : vector<196x196xf32>
    %reduce_sum3A_605 = arith.constant dense<0.000000e+00> : vector<196xf32>
    %reduce_sum3A_606 = vector.multi_reduction <add>, %mul3A_604, %reduce_sum3A_605 [1] : vector<196x196xf32> to vector<196xf32>
    %broadcast_in_dim3A_607 = vector.shape_cast %reduce_sum3A_606 : vector<196xf32> to vector<196x1xf32>
    %convert_element_type3A_608 = arith.truncf %mul3A_604 : vector<196x196xf32> to vector<196x196xbf16>
    %dot_general3A_609 = arith.constant dense<0.000000e+00> : vector<196x300xf32>
    %dot_general3A_610 = tpu.matmul %convert_element_type3A_608, %slice3A_593, %dot_general3A_609 {dimension_numbers = #tpu.dot_dimension_numbers<[1], [0], [0], [1], [0, 0, 1, 1], [], []>, transpose_lhs_hint = false} : vector<196x196xbf16>, vector<196x300xbf16>, vector<196x300xf32> -> vector<196x300xf32>
    %add3A_611 = arith.constant 1.000000e-16 : f32
    %add3A_612 = vector.broadcast %add3A_611 : f32 to vector<196x1xf32>
    %add3A_613 = arith.addf %broadcast_in_dim3A_607, %add3A_612 : vector<196x1xf32>
    %div3A_614 = arith.constant 1.000000e+00 : f32
    %div3A_615 = vector.broadcast %div3A_614 : f32 to vector<196x1xf32>
    %div3A_616 = arith.divf %div3A_615, %add3A_613 : vector<196x1xf32>
    %mul3A_617 = vector.broadcast %div3A_616 : vector<196x1xf32> to vector<196x300xf32>
    %mul3A_618 = arith.mulf %dot_general3A_610, %mul3A_617 : vector<196x300xf32>
    %add3A_619 = arith.addf %add3A_592, %mul3A_618 : vector<196x300xf32>
    %mul3A_620 = arith.constant 2.000000e-01 : f32
    %mul3A_621 = vector.broadcast %mul3A_620 : f32 to vector<196x300xf32>
    %mul3A_622 = arith.mulf %add3A_619, %mul3A_621 : vector<196x300xf32>
    %add3A_623 = vector.broadcast %get3A_473 : vector<1x300xf32> to vector<196x300xf32>
    %add3A_624 = arith.addf %mul3A_622, %add3A_623 : vector<196x300xf32>
    %max3A_625 = arith.constant 0.000000e+00 : f32
    %max3A_626 = vector.broadcast %max3A_625 : f32 to vector<196x300xf32>
    %max3A_627 = arith.maximumf %add3A_624, %max3A_626 : vector<196x300xf32>
    %reduce_sum3A_628 = arith.constant dense<0.000000e+00> : vector<196xf32>
    %reduce_sum3A_629 = vector.multi_reduction <add>, %max3A_627, %reduce_sum3A_628 [1] : vector<196x300xf32> to vector<196xf32>
    %broadcast_in_dim3A_630 = vector.shape_cast %reduce_sum3A_629 : vector<196xf32> to vector<196x1xf32>
    %div3A_631 = arith.constant 3.000000e+02 : f32
    %div3A_632 = vector.broadcast %div3A_631 : f32 to vector<196x1xf32>
    %div3A_633 = arith.divf %broadcast_in_dim3A_630, %div3A_632 : vector<196x1xf32>
    %sub3A_634 = vector.broadcast %div3A_633 : vector<196x1xf32> to vector<196x300xf32>
    %sub3A_635 = arith.subf %max3A_627, %sub3A_634 : vector<196x300xf32>
    %mul3A_636 = arith.mulf %sub3A_635, %sub3A_635 : vector<196x300xf32>
    %reduce_sum3A_637 = arith.constant dense<0.000000e+00> : vector<196xf32>
    %reduce_sum3A_638 = vector.multi_reduction <add>, %mul3A_636, %reduce_sum3A_637 [1] : vector<196x300xf32> to vector<196xf32>
    %broadcast_in_dim3A_639 = vector.shape_cast %reduce_sum3A_638 : vector<196xf32> to vector<196x1xf32>
    %div3A_640 = arith.constant 3.000000e+02 : f32
    %div3A_641 = vector.broadcast %div3A_640 : f32 to vector<196x1xf32>
    %div3A_642 = arith.divf %broadcast_in_dim3A_639, %div3A_641 : vector<196x1xf32>
    %add3A_643 = arith.constant 9.99999974E-6 : f32
    %add3A_644 = vector.broadcast %add3A_643 : f32 to vector<196x1xf32>
    %add3A_645 = arith.addf %div3A_642, %add3A_644 : vector<196x1xf32>
    %rsqrt3A_646 = math.rsqrt %add3A_645 : vector<196x1xf32>
    %mul3A_647 = vector.broadcast %rsqrt3A_646 : vector<196x1xf32> to vector<196x300xf32>
    %mul3A_648 = arith.mulf %sub3A_635, %mul3A_647 : vector<196x300xf32>
    %mul3A_649 = vector.broadcast %get3A_24 : vector<1x300xf32> to vector<196x300xf32>
    %mul3A_650 = arith.mulf %mul3A_648, %mul3A_649 : vector<196x300xf32>
    %add3A_651 = vector.broadcast %get3A_27 : vector<1x300xf32> to vector<196x300xf32>
    %add3A_652 = arith.addf %mul3A_650, %add3A_651 : vector<196x300xf32>
    %get3A_653 = arith.constant 1 : index
    %get3A_654 = arith.constant 0 : index
    %get3A_655 = arith.constant 0 : index
    %get3A_656 = vector.load %arg13[%get3A_653, %get3A_654, %get3A_655] : memref<2x300x1500xbf16, #tpu.memory_space<vmem>>, vector<1x300x1500xbf16>
    %get3A_657 = vector.shape_cast %get3A_656 : vector<1x300x1500xbf16> to vector<300x1500xbf16>
    %get3A_658 = arith.constant 1 : index
    %get3A_659 = arith.constant 0 : index
    %get3A_660 = arith.constant 0 : index
    %get3A_661 = vector.load %arg14[%get3A_658, %get3A_659, %get3A_660] : memref<2x5x300xf32, #tpu.memory_space<vmem>>, vector<1x5x300xf32>
    %get3A_662 = vector.shape_cast %get3A_661 : vector<1x5x300xf32> to vector<5x300xf32>
    %get3A_663 = arith.constant 1 : index
    %get3A_664 = arith.constant 0 : index
    %get3A_665 = arith.constant 0 : index
    %get3A_666 = vector.load %arg15[%get3A_663, %get3A_664, %get3A_665] : memref<2x5x300xf32, #tpu.memory_space<vmem>>, vector<1x5x300xf32>
    %get3A_667 = vector.shape_cast %get3A_666 : vector<1x5x300xf32> to vector<5x300xf32>
    %get3A_668 = arith.constant 1 : index
    %get3A_669 = arith.constant 0 : index
    %get3A_670 = vector.load %arg16[%get3A_668, %get3A_669] : memref<2x300xf32, #tpu.memory_space<vmem>>, vector<1x300xf32>
    %convert_element_type3A_671 = arith.truncf %add3A_652 : vector<196x300xf32> to vector<196x300xbf16>
    %dot_general3A_672 = arith.constant dense<0.000000e+00> : vector<196x1500xf32>
    %dot_general3A_673 = tpu.matmul %convert_element_type3A_671, %get3A_657, %dot_general3A_672 {dimension_numbers = #tpu.dot_dimension_numbers<[1], [0], [0], [1], [0, 0, 1, 1], [], []>, transpose_lhs_hint = false} : vector<196x300xbf16>, vector<300x1500xbf16>, vector<196x1500xf32> -> vector<196x1500xf32>
    %convert_element_type3A_674 = arith.truncf %dot_general3A_673 : vector<196x1500xf32> to vector<196x1500xbf16>
    %dot_general3A_675 = arith.constant dense<0.000000e+00> : vector<5x196xf32>
    %dot_general3A_676 = tpu.matmul %get3A_662, %add3A_652, %dot_general3A_675 {dimension_numbers = #tpu.dot_dimension_numbers<[1], [1], [0], [0], [0, 0, 1, 0], [], []>, precision = #tpu.contract_precision<fp32>, transpose_lhs_hint = false} : vector<5x300xf32>, vector<196x300xf32>, vector<5x196xf32> -> vector<5x196xf32>
    %dot_general3A_677 = arith.constant dense<0.000000e+00> : vector<5x196xf32>
    %dot_general3A_678 = tpu.matmul %get3A_667, %add3A_652, %dot_general3A_677 {dimension_numbers = #tpu.dot_dimension_numbers<[1], [1], [0], [0], [0, 0, 1, 0], [], []>, precision = #tpu.contract_precision<fp32>, transpose_lhs_hint = false} : vector<5x300xf32>, vector<196x300xf32>, vector<5x196xf32> -> vector<5x196xf32>
    %transpose3A_679 = tpu.transpose %dot_general3A_678, [1, 0] : vector<5x196xf32> -> vector<196x5xf32>
    %broadcast_in_dim3A_680 = arith.constant 0.000000e+00 : f32
    %broadcast_in_dim3A_681 = vector.broadcast %broadcast_in_dim3A_680 : f32 to vector<196x300xf32>
    %slice3A_682 = vector.extract_strided_slice %convert_element_type3A_674 {offsets = [0, 0], sizes = [196, 300], strides = [1, 1]} : vector<196x1500xbf16> to vector<196x300xbf16>
    %slice3A_683 = vector.extract_strided_slice %transpose3A_679 {offsets = [0, 0], sizes = [196, 1], strides = [1, 1]} : vector<196x5xf32> to vector<196x1xf32>
    %slice3A_684 = vector.extract_strided_slice %dot_general3A_676 {offsets = [0, 0], sizes = [1, 196], strides = [1, 1]} : vector<5x196xf32> to vector<1x196xf32>
    %add3A_685 = vector.broadcast %slice3A_683 : vector<196x1xf32> to vector<196x196xf32>
    %add3A_686 = vector.broadcast %slice3A_684 : vector<1x196xf32> to vector<196x196xf32>
    %add3A_687 = arith.addf %add3A_685, %add3A_686 : vector<196x196xf32>
    %mul3A_688 = arith.constant 2.000000e-01 : f32
    %mul3A_689 = vector.broadcast %mul3A_688 : f32 to vector<196x196xf32>
    %mul3A_690 = arith.mulf %mul3A_689, %add3A_687 : vector<196x196xf32>
    %max3A_691 = arith.maximumf %add3A_687, %mul3A_690 : vector<196x196xf32>
    %exp3A_692 = math.exp %max3A_691 : vector<196x196xf32>
    %mul3A_693 = arith.mulf %get3A_21, %exp3A_692 : vector<196x196xf32>
    %reduce_sum3A_694 = arith.constant dense<0.000000e+00> : vector<196xf32>
    %reduce_sum3A_695 = vector.multi_reduction <add>, %mul3A_693, %reduce_sum3A_694 [1] : vector<196x196xf32> to vector<196xf32>
    %broadcast_in_dim3A_696 = vector.shape_cast %reduce_sum3A_695 : vector<196xf32> to vector<196x1xf32>
    %convert_element_type3A_697 = arith.truncf %mul3A_693 : vector<196x196xf32> to vector<196x196xbf16>
    %dot_general3A_698 = arith.constant dense<0.000000e+00> : vector<196x300xf32>
    %dot_general3A_699 = tpu.matmul %convert_element_type3A_697, %slice3A_682, %dot_general3A_698 {dimension_numbers = #tpu.dot_dimension_numbers<[1], [0], [0], [1], [0, 0, 1, 1], [], []>, transpose_lhs_hint = false} : vector<196x196xbf16>, vector<196x300xbf16>, vector<196x300xf32> -> vector<196x300xf32>
    %add3A_700 = arith.constant 1.000000e-16 : f32
    %add3A_701 = vector.broadcast %add3A_700 : f32 to vector<196x1xf32>
    %add3A_702 = arith.addf %broadcast_in_dim3A_696, %add3A_701 : vector<196x1xf32>
    %div3A_703 = arith.constant 1.000000e+00 : f32
    %div3A_704 = vector.broadcast %div3A_703 : f32 to vector<196x1xf32>
    %div3A_705 = arith.divf %div3A_704, %add3A_702 : vector<196x1xf32>
    %mul3A_706 = vector.broadcast %div3A_705 : vector<196x1xf32> to vector<196x300xf32>
    %mul3A_707 = arith.mulf %dot_general3A_699, %mul3A_706 : vector<196x300xf32>
    %add3A_708 = arith.addf %broadcast_in_dim3A_681, %mul3A_707 : vector<196x300xf32>
    %slice3A_709 = vector.extract_strided_slice %convert_element_type3A_674 {offsets = [0, 300], sizes = [196, 300], strides = [1, 1]} : vector<196x1500xbf16> to vector<196x300xbf16>
    %slice3A_710 = vector.extract_strided_slice %transpose3A_679 {offsets = [0, 1], sizes = [196, 1], strides = [1, 1]} : vector<196x5xf32> to vector<196x1xf32>
    %slice3A_711 = vector.extract_strided_slice %dot_general3A_676 {offsets = [1, 0], sizes = [1, 196], strides = [1, 1]} : vector<5x196xf32> to vector<1x196xf32>
    %add3A_712 = vector.broadcast %slice3A_710 : vector<196x1xf32> to vector<196x196xf32>
    %add3A_713 = vector.broadcast %slice3A_711 : vector<1x196xf32> to vector<196x196xf32>
    %add3A_714 = arith.addf %add3A_712, %add3A_713 : vector<196x196xf32>
    %mul3A_715 = arith.constant 2.000000e-01 : f32
    %mul3A_716 = vector.broadcast %mul3A_715 : f32 to vector<196x196xf32>
    %mul3A_717 = arith.mulf %mul3A_716, %add3A_714 : vector<196x196xf32>
    %max3A_718 = arith.maximumf %add3A_714, %mul3A_717 : vector<196x196xf32>
    %exp3A_719 = math.exp %max3A_718 : vector<196x196xf32>
    %mul3A_720 = arith.mulf %get3A_21, %exp3A_719 : vector<196x196xf32>
    %reduce_sum3A_721 = arith.constant dense<0.000000e+00> : vector<196xf32>
    %reduce_sum3A_722 = vector.multi_reduction <add>, %mul3A_720, %reduce_sum3A_721 [1] : vector<196x196xf32> to vector<196xf32>
    %broadcast_in_dim3A_723 = vector.shape_cast %reduce_sum3A_722 : vector<196xf32> to vector<196x1xf32>
    %convert_element_type3A_724 = arith.truncf %mul3A_720 : vector<196x196xf32> to vector<196x196xbf16>
    %dot_general3A_725 = arith.constant dense<0.000000e+00> : vector<196x300xf32>
    %dot_general3A_726 = tpu.matmul %convert_element_type3A_724, %slice3A_709, %dot_general3A_725 {dimension_numbers = #tpu.dot_dimension_numbers<[1], [0], [0], [1], [0, 0, 1, 1], [], []>, transpose_lhs_hint = false} : vector<196x196xbf16>, vector<196x300xbf16>, vector<196x300xf32> -> vector<196x300xf32>
    %add3A_727 = arith.constant 1.000000e-16 : f32
    %add3A_728 = vector.broadcast %add3A_727 : f32 to vector<196x1xf32>
    %add3A_729 = arith.addf %broadcast_in_dim3A_723, %add3A_728 : vector<196x1xf32>
    %div3A_730 = arith.constant 1.000000e+00 : f32
    %div3A_731 = vector.broadcast %div3A_730 : f32 to vector<196x1xf32>
    %div3A_732 = arith.divf %div3A_731, %add3A_729 : vector<196x1xf32>
    %mul3A_733 = vector.broadcast %div3A_732 : vector<196x1xf32> to vector<196x300xf32>
    %mul3A_734 = arith.mulf %dot_general3A_726, %mul3A_733 : vector<196x300xf32>
    %add3A_735 = arith.addf %add3A_708, %mul3A_734 : vector<196x300xf32>
    %slice3A_736 = vector.extract_strided_slice %convert_element_type3A_674 {offsets = [0, 600], sizes = [196, 300], strides = [1, 1]} : vector<196x1500xbf16> to vector<196x300xbf16>
    %slice3A_737 = vector.extract_strided_slice %transpose3A_679 {offsets = [0, 2], sizes = [196, 1], strides = [1, 1]} : vector<196x5xf32> to vector<196x1xf32>
    %slice3A_738 = vector.extract_strided_slice %dot_general3A_676 {offsets = [2, 0], sizes = [1, 196], strides = [1, 1]} : vector<5x196xf32> to vector<1x196xf32>
    %add3A_739 = vector.broadcast %slice3A_737 : vector<196x1xf32> to vector<196x196xf32>
    %add3A_740 = vector.broadcast %slice3A_738 : vector<1x196xf32> to vector<196x196xf32>
    %add3A_741 = arith.addf %add3A_739, %add3A_740 : vector<196x196xf32>
    %mul3A_742 = arith.constant 2.000000e-01 : f32
    %mul3A_743 = vector.broadcast %mul3A_742 : f32 to vector<196x196xf32>
    %mul3A_744 = arith.mulf %mul3A_743, %add3A_741 : vector<196x196xf32>
    %max3A_745 = arith.maximumf %add3A_741, %mul3A_744 : vector<196x196xf32>
    %exp3A_746 = math.exp %max3A_745 : vector<196x196xf32>
    %mul3A_747 = arith.mulf %get3A_21, %exp3A_746 : vector<196x196xf32>
    %reduce_sum3A_748 = arith.constant dense<0.000000e+00> : vector<196xf32>
    %reduce_sum3A_749 = vector.multi_reduction <add>, %mul3A_747, %reduce_sum3A_748 [1] : vector<196x196xf32> to vector<196xf32>
    %broadcast_in_dim3A_750 = vector.shape_cast %reduce_sum3A_749 : vector<196xf32> to vector<196x1xf32>
    %convert_element_type3A_751 = arith.truncf %mul3A_747 : vector<196x196xf32> to vector<196x196xbf16>
    %dot_general3A_752 = arith.constant dense<0.000000e+00> : vector<196x300xf32>
    %dot_general3A_753 = tpu.matmul %convert_element_type3A_751, %slice3A_736, %dot_general3A_752 {dimension_numbers = #tpu.dot_dimension_numbers<[1], [0], [0], [1], [0, 0, 1, 1], [], []>, transpose_lhs_hint = false} : vector<196x196xbf16>, vector<196x300xbf16>, vector<196x300xf32> -> vector<196x300xf32>
    %add3A_754 = arith.constant 1.000000e-16 : f32
    %add3A_755 = vector.broadcast %add3A_754 : f32 to vector<196x1xf32>
    %add3A_756 = arith.addf %broadcast_in_dim3A_750, %add3A_755 : vector<196x1xf32>
    %div3A_757 = arith.constant 1.000000e+00 : f32
    %div3A_758 = vector.broadcast %div3A_757 : f32 to vector<196x1xf32>
    %div3A_759 = arith.divf %div3A_758, %add3A_756 : vector<196x1xf32>
    %mul3A_760 = vector.broadcast %div3A_759 : vector<196x1xf32> to vector<196x300xf32>
    %mul3A_761 = arith.mulf %dot_general3A_753, %mul3A_760 : vector<196x300xf32>
    %add3A_762 = arith.addf %add3A_735, %mul3A_761 : vector<196x300xf32>
    %slice3A_763 = vector.extract_strided_slice %convert_element_type3A_674 {offsets = [0, 900], sizes = [196, 300], strides = [1, 1]} : vector<196x1500xbf16> to vector<196x300xbf16>
    %slice3A_764 = vector.extract_strided_slice %transpose3A_679 {offsets = [0, 3], sizes = [196, 1], strides = [1, 1]} : vector<196x5xf32> to vector<196x1xf32>
    %slice3A_765 = vector.extract_strided_slice %dot_general3A_676 {offsets = [3, 0], sizes = [1, 196], strides = [1, 1]} : vector<5x196xf32> to vector<1x196xf32>
    %add3A_766 = vector.broadcast %slice3A_764 : vector<196x1xf32> to vector<196x196xf32>
    %add3A_767 = vector.broadcast %slice3A_765 : vector<1x196xf32> to vector<196x196xf32>
    %add3A_768 = arith.addf %add3A_766, %add3A_767 : vector<196x196xf32>
    %mul3A_769 = arith.constant 2.000000e-01 : f32
    %mul3A_770 = vector.broadcast %mul3A_769 : f32 to vector<196x196xf32>
    %mul3A_771 = arith.mulf %mul3A_770, %add3A_768 : vector<196x196xf32>
    %max3A_772 = arith.maximumf %add3A_768, %mul3A_771 : vector<196x196xf32>
    %exp3A_773 = math.exp %max3A_772 : vector<196x196xf32>
    %mul3A_774 = arith.mulf %get3A_21, %exp3A_773 : vector<196x196xf32>
    %reduce_sum3A_775 = arith.constant dense<0.000000e+00> : vector<196xf32>
    %reduce_sum3A_776 = vector.multi_reduction <add>, %mul3A_774, %reduce_sum3A_775 [1] : vector<196x196xf32> to vector<196xf32>
    %broadcast_in_dim3A_777 = vector.shape_cast %reduce_sum3A_776 : vector<196xf32> to vector<196x1xf32>
    %convert_element_type3A_778 = arith.truncf %mul3A_774 : vector<196x196xf32> to vector<196x196xbf16>
    %dot_general3A_779 = arith.constant dense<0.000000e+00> : vector<196x300xf32>
    %dot_general3A_780 = tpu.matmul %convert_element_type3A_778, %slice3A_763, %dot_general3A_779 {dimension_numbers = #tpu.dot_dimension_numbers<[1], [0], [0], [1], [0, 0, 1, 1], [], []>, transpose_lhs_hint = false} : vector<196x196xbf16>, vector<196x300xbf16>, vector<196x300xf32> -> vector<196x300xf32>
    %add3A_781 = arith.constant 1.000000e-16 : f32
    %add3A_782 = vector.broadcast %add3A_781 : f32 to vector<196x1xf32>
    %add3A_783 = arith.addf %broadcast_in_dim3A_777, %add3A_782 : vector<196x1xf32>
    %div3A_784 = arith.constant 1.000000e+00 : f32
    %div3A_785 = vector.broadcast %div3A_784 : f32 to vector<196x1xf32>
    %div3A_786 = arith.divf %div3A_785, %add3A_783 : vector<196x1xf32>
    %mul3A_787 = vector.broadcast %div3A_786 : vector<196x1xf32> to vector<196x300xf32>
    %mul3A_788 = arith.mulf %dot_general3A_780, %mul3A_787 : vector<196x300xf32>
    %add3A_789 = arith.addf %add3A_762, %mul3A_788 : vector<196x300xf32>
    %slice3A_790 = vector.extract_strided_slice %convert_element_type3A_674 {offsets = [0, 1200], sizes = [196, 300], strides = [1, 1]} : vector<196x1500xbf16> to vector<196x300xbf16>
    %slice3A_791 = vector.extract_strided_slice %transpose3A_679 {offsets = [0, 4], sizes = [196, 1], strides = [1, 1]} : vector<196x5xf32> to vector<196x1xf32>
    %slice3A_792 = vector.extract_strided_slice %dot_general3A_676 {offsets = [4, 0], sizes = [1, 196], strides = [1, 1]} : vector<5x196xf32> to vector<1x196xf32>
    %add3A_793 = vector.broadcast %slice3A_791 : vector<196x1xf32> to vector<196x196xf32>
    %add3A_794 = vector.broadcast %slice3A_792 : vector<1x196xf32> to vector<196x196xf32>
    %add3A_795 = arith.addf %add3A_793, %add3A_794 : vector<196x196xf32>
    %mul3A_796 = arith.constant 2.000000e-01 : f32
    %mul3A_797 = vector.broadcast %mul3A_796 : f32 to vector<196x196xf32>
    %mul3A_798 = arith.mulf %mul3A_797, %add3A_795 : vector<196x196xf32>
    %max3A_799 = arith.maximumf %add3A_795, %mul3A_798 : vector<196x196xf32>
    %exp3A_800 = math.exp %max3A_799 : vector<196x196xf32>
    %mul3A_801 = arith.mulf %get3A_21, %exp3A_800 : vector<196x196xf32>
    %reduce_sum3A_802 = arith.constant dense<0.000000e+00> : vector<196xf32>
    %reduce_sum3A_803 = vector.multi_reduction <add>, %mul3A_801, %reduce_sum3A_802 [1] : vector<196x196xf32> to vector<196xf32>
    %broadcast_in_dim3A_804 = vector.shape_cast %reduce_sum3A_803 : vector<196xf32> to vector<196x1xf32>
    %convert_element_type3A_805 = arith.truncf %mul3A_801 : vector<196x196xf32> to vector<196x196xbf16>
    %dot_general3A_806 = arith.constant dense<0.000000e+00> : vector<196x300xf32>
    %dot_general3A_807 = tpu.matmul %convert_element_type3A_805, %slice3A_790, %dot_general3A_806 {dimension_numbers = #tpu.dot_dimension_numbers<[1], [0], [0], [1], [0, 0, 1, 1], [], []>, transpose_lhs_hint = false} : vector<196x196xbf16>, vector<196x300xbf16>, vector<196x300xf32> -> vector<196x300xf32>
    %add3A_808 = arith.constant 1.000000e-16 : f32
    %add3A_809 = vector.broadcast %add3A_808 : f32 to vector<196x1xf32>
    %add3A_810 = arith.addf %broadcast_in_dim3A_804, %add3A_809 : vector<196x1xf32>
    %div3A_811 = arith.constant 1.000000e+00 : f32
    %div3A_812 = vector.broadcast %div3A_811 : f32 to vector<196x1xf32>
    %div3A_813 = arith.divf %div3A_812, %add3A_810 : vector<196x1xf32>
    %mul3A_814 = vector.broadcast %div3A_813 : vector<196x1xf32> to vector<196x300xf32>
    %mul3A_815 = arith.mulf %dot_general3A_807, %mul3A_814 : vector<196x300xf32>
    %add3A_816 = arith.addf %add3A_789, %mul3A_815 : vector<196x300xf32>
    %mul3A_817 = arith.constant 2.000000e-01 : f32
    %mul3A_818 = vector.broadcast %mul3A_817 : f32 to vector<196x300xf32>
    %mul3A_819 = arith.mulf %add3A_816, %mul3A_818 : vector<196x300xf32>
    %add3A_820 = vector.broadcast %get3A_670 : vector<1x300xf32> to vector<196x300xf32>
    %add3A_821 = arith.addf %mul3A_819, %add3A_820 : vector<196x300xf32>
    %max3A_822 = arith.constant 0.000000e+00 : f32
    %max3A_823 = vector.broadcast %max3A_822 : f32 to vector<196x300xf32>
    %max3A_824 = arith.maximumf %add3A_821, %max3A_823 : vector<196x300xf32>
    %reduce_sum3A_825 = arith.constant dense<0.000000e+00> : vector<196xf32>
    %reduce_sum3A_826 = vector.multi_reduction <add>, %max3A_824, %reduce_sum3A_825 [1] : vector<196x300xf32> to vector<196xf32>
    %broadcast_in_dim3A_827 = vector.shape_cast %reduce_sum3A_826 : vector<196xf32> to vector<196x1xf32>
    %div3A_828 = arith.constant 3.000000e+02 : f32
    %div3A_829 = vector.broadcast %div3A_828 : f32 to vector<196x1xf32>
    %div3A_830 = arith.divf %broadcast_in_dim3A_827, %div3A_829 : vector<196x1xf32>
    %sub3A_831 = vector.broadcast %div3A_830 : vector<196x1xf32> to vector<196x300xf32>
    %sub3A_832 = arith.subf %max3A_824, %sub3A_831 : vector<196x300xf32>
    %mul3A_833 = arith.mulf %sub3A_832, %sub3A_832 : vector<196x300xf32>
    %reduce_sum3A_834 = arith.constant dense<0.000000e+00> : vector<196xf32>
    %reduce_sum3A_835 = vector.multi_reduction <add>, %mul3A_833, %reduce_sum3A_834 [1] : vector<196x300xf32> to vector<196xf32>
    %broadcast_in_dim3A_836 = vector.shape_cast %reduce_sum3A_835 : vector<196xf32> to vector<196x1xf32>
    %div3A_837 = arith.constant 3.000000e+02 : f32
    %div3A_838 = vector.broadcast %div3A_837 : f32 to vector<196x1xf32>
    %div3A_839 = arith.divf %broadcast_in_dim3A_836, %div3A_838 : vector<196x1xf32>
    %add3A_840 = arith.constant 9.99999974E-6 : f32
    %add3A_841 = vector.broadcast %add3A_840 : f32 to vector<196x1xf32>
    %add3A_842 = arith.addf %div3A_839, %add3A_841 : vector<196x1xf32>
    %rsqrt3A_843 = math.rsqrt %add3A_842 : vector<196x1xf32>
    %mul3A_844 = vector.broadcast %rsqrt3A_843 : vector<196x1xf32> to vector<196x300xf32>
    %mul3A_845 = arith.mulf %sub3A_832, %mul3A_844 : vector<196x300xf32>
    %mul3A_846 = vector.broadcast %get3A_24 : vector<1x300xf32> to vector<196x300xf32>
    %mul3A_847 = arith.mulf %mul3A_845, %mul3A_846 : vector<196x300xf32>
    %add3A_848 = vector.broadcast %get3A_27 : vector<1x300xf32> to vector<196x300xf32>
    %add3A_849 = arith.addf %mul3A_847, %add3A_848 : vector<196x300xf32>
    %dot_general3A_850 = arith.constant dense<0.000000e+00> : vector<512x196xf32>
    %dot_general3A_851 = tpu.matmul %add3A_455, %add3A_849, %dot_general3A_850 {dimension_numbers = #tpu.dot_dimension_numbers<[1], [1], [0], [0], [0, 0, 1, 0], [], []>, transpose_lhs_hint = false} : vector<512x300xf32>, vector<196x300xf32>, vector<512x196xf32> -> vector<512x196xf32>
    %mul3A_852 = arith.constant 0.0577350259 : f32
    %mul3A_853 = vector.broadcast %mul3A_852 : f32 to vector<512x196xf32>
    %mul3A_854 = arith.mulf %dot_general3A_851, %mul3A_853 : vector<512x196xf32>
    %dot_general3A_855 = arith.constant dense<0.000000e+00> : vector<1x196xf32>
    %dot_general3A_856 = tpu.matmul %dot_general3A_34, %add3A_849, %dot_general3A_855 {dimension_numbers = #tpu.dot_dimension_numbers<[1], [1], [0], [0], [0, 0, 1, 0], [], []>, precision = #tpu.contract_precision<fp32>, transpose_lhs_hint = false} : vector<1x300xf32>, vector<196x300xf32>, vector<1x196xf32> -> vector<1x196xf32>
    %mul3A_857 = arith.constant 0.0577350259 : f32
    %mul3A_858 = vector.broadcast %mul3A_857 : f32 to vector<1x196xf32>
    %mul3A_859 = arith.mulf %dot_general3A_856, %mul3A_858 : vector<1x196xf32>
    %get3A_860 = arith.constant 0 : index
    %get3A_861 = arith.constant 0 : index
    %get3A_862 = vector.load %arg19[%get3A_860, %get3A_861] : memref<1x300xf32, #tpu.memory_space<vmem>>, vector<1x300xf32>
    %dot_general3A_863 = arith.constant dense<0.000000e+00> : vector<1x512xf32>
    %dot_general3A_864 = tpu.matmul %get3A_862, %add3A_455, %dot_general3A_863 {dimension_numbers = #tpu.dot_dimension_numbers<[1], [1], [0], [0], [0, 0, 1, 0], [], []>, precision = #tpu.contract_precision<fp32>, transpose_lhs_hint = false} : vector<1x300xf32>, vector<512x300xf32>, vector<1x512xf32> -> vector<1x512xf32>
    %mul3A_865 = arith.mulf %dot_general3A_34, %get3A_862 : vector<1x300xf32>
    %reduce_sum3A_866 = arith.constant dense<0.000000e+00> : vector<1xf32>
    %reduce_sum3A_867 = vector.multi_reduction <add>, %mul3A_865, %reduce_sum3A_866 [1] : vector<1x300xf32> to vector<1xf32>
    %broadcast_in_dim3A_868 = vector.shape_cast %reduce_sum3A_867 : vector<1xf32> to vector<1x1xf32>
    %get3A_869 = arith.constant 0 : index
    %get3A_870 = arith.constant 0 : index
    %get3A_871 = vector.load %arg20[%get3A_869, %get3A_870] : memref<1x1xf32, #tpu.memory_space<vmem>>, vector<1x1xf32>
    %get3A_872 = vector.extract %get3A_871[0, 0] : f32 from vector<1x1xf32>
    %add3A_873 = vector.broadcast %get3A_872 : f32 to vector<1x512xf32>
    %add3A_874 = arith.addf %dot_general3A_864, %add3A_873 : vector<1x512xf32>
    %add3A_875 = vector.broadcast %get3A_872 : f32 to vector<1x1xf32>
    %add3A_876 = arith.addf %broadcast_in_dim3A_868, %add3A_875 : vector<1x1xf32>
    %get3A_877 = arith.constant 0 : index
    %get3A_878 = arith.constant 0 : index
    %get3A_879 = arith.constant 0 : index
    %get3A_880 = vector.load %arg7[%get3A_877, %get3A_878, %get3A_879] : memref<1x1x513xf32, #tpu.memory_space<vmem>>, vector<1x1x513xf32>
    %get3A_881 = vector.shape_cast %get3A_880 : vector<1x1x513xf32> to vector<1x513xf32>
    %slice3A_882 = vector.extract_strided_slice %get3A_881 {offsets = [0, 0], sizes = [1, 512], strides = [1, 1]} : vector<1x513xf32> to vector<1x512xf32>
    %gt3A_883 = arith.constant 0.000000e+00 : f32
    %gt3A_884 = vector.broadcast %gt3A_883 : f32 to vector<1x512xf32>
    %gt3A_885 = arith.cmpf ogt, %slice3A_882, %gt3A_884 : vector<1x512xf32>
    %jit3A_886 = arith.constant 0xFF800000 : f32
    %broadcast_in_dim3A_887 = vector.broadcast %jit3A_886 : f32 to vector<1x512xf32>
    %select_n3A_888 = arith.select %gt3A_885, %broadcast_in_dim3A_887, %add3A_874 : vector<1x512xi1>, vector<1x512xf32>
    %slice3A_889 = vector.extract_strided_slice %get3A_881 {offsets = [0, 512], sizes = [1, 1], strides = [1, 1]} : vector<1x513xf32> to vector<1x1xf32>
    %gt3A_890 = arith.constant 0.000000e+00 : f32
    %gt3A_891 = vector.broadcast %gt3A_890 : f32 to vector<1x1xf32>
    %gt3A_892 = arith.cmpf ogt, %slice3A_889, %gt3A_891 : vector<1x1xf32>
    %jit3A_893 = arith.constant 0xFF800000 : f32
    %broadcast_in_dim3A_894 = vector.broadcast %jit3A_893 : f32 to vector<1x1xf32>
    %select_n3A_895 = arith.select %gt3A_892, %broadcast_in_dim3A_894, %add3A_876 : vector<1x1xi1>, vector<1x1xf32>
    %reduce_max3A = vector.shape_cast %select_n3A_888 : vector<1x512xf32> to vector<1x1x512xf32>
    %reduce_max3A_896 = arith.constant dense<0xFF800000> : vector<1xf32>
    %reduce_max3A_897 = vector.multi_reduction <maximumf>, %reduce_max3A, %reduce_max3A_896 [1, 2] : vector<1x1x512xf32> to vector<1xf32>
    %reduce_max3A_898 = vector.shape_cast %reduce_max3A_897 : vector<1xf32> to vector<1x1x1xf32>
    %reduce_max3A_899 = vector.extract %reduce_max3A_898[0, 0, 0] : f32 from vector<1x1x1xf32>
    %squeeze3A = vector.extract %select_n3A_895[0, 0] : f32 from vector<1x1xf32>
    %max3A_900 = arith.maximumf %reduce_max3A_899, %squeeze3A : f32
    %sub3A_901 = vector.broadcast %max3A_900 : f32 to vector<1x512xf32>
    %sub3A_902 = arith.subf %select_n3A_888, %sub3A_901 : vector<1x512xf32>
    %exp3A_903 = math.exp %sub3A_902 : vector<1x512xf32>
    %squeeze3A_904 = vector.extract %select_n3A_895[0, 0] : f32 from vector<1x1xf32>
    %sub3A_905 = arith.subf %squeeze3A_904, %max3A_900 : f32
    %exp3A_906 = math.exp %sub3A_905 : f32
    %reduce_sum3A_907 = vector.shape_cast %exp3A_903 : vector<1x512xf32> to vector<1x1x512xf32>
    %reduce_sum3A_908 = arith.constant dense<0.000000e+00> : vector<1xf32>
    %reduce_sum3A_909 = vector.multi_reduction <add>, %reduce_sum3A_907, %reduce_sum3A_908 [1, 2] : vector<1x1x512xf32> to vector<1xf32>
    %reduce_sum3A_910 = vector.shape_cast %reduce_sum3A_909 : vector<1xf32> to vector<1x1x1xf32>
    %reduce_sum3A_911 = vector.extract %reduce_sum3A_910[0, 0, 0] : f32 from vector<1x1x1xf32>
    %add3A_912 = arith.addf %reduce_sum3A_911, %exp3A_906 : f32
    %dot_general3A_913 = arith.constant dense<0.000000e+00> : vector<1x196xf32>
    %dot_general3A_914 = tpu.matmul %exp3A_903, %mul3A_854, %dot_general3A_913 {dimension_numbers = #tpu.dot_dimension_numbers<[1], [0], [0], [1], [0, 0, 1, 1], [], []>, precision = #tpu.contract_precision<fp32>, transpose_lhs_hint = false} : vector<1x512xf32>, vector<512x196xf32>, vector<1x196xf32> -> vector<1x196xf32>
    %mul3A_915 = vector.broadcast %exp3A_906 : f32 to vector<1x196xf32>
    %mul3A_916 = arith.mulf %mul3A_859, %mul3A_915 : vector<1x196xf32>
    %add3A_917 = arith.addf %dot_general3A_914, %mul3A_916 : vector<1x196xf32>
    %div3A_918 = vector.broadcast %add3A_912 : f32 to vector<1x196xf32>
    %div3A_919 = arith.divf %add3A_917, %div3A_918 : vector<1x196xf32>
    %reduce_max3A_920 = vector.shape_cast %select_n3A : vector<1x512xf32> to vector<1x1x512xf32>
    %reduce_max3A_921 = arith.constant dense<0xFF800000> : vector<1xf32>
    %reduce_max3A_922 = vector.multi_reduction <maximumf>, %reduce_max3A_920, %reduce_max3A_921 [1, 2] : vector<1x1x512xf32> to vector<1xf32>
    %reduce_max3A_923 = vector.shape_cast %reduce_max3A_922 : vector<1xf32> to vector<1x1x1xf32>
    %reduce_max3A_924 = vector.extract %reduce_max3A_923[0, 0, 0] : f32 from vector<1x1x1xf32>
    %sub3A_925 = vector.broadcast %reduce_max3A_924 : f32 to vector<1x512xf32>
    %sub3A_926 = arith.subf %select_n3A, %sub3A_925 : vector<1x512xf32>
    %exp3A_927 = math.exp %sub3A_926 : vector<1x512xf32>
    %dot_general3A_928 = arith.constant dense<0.000000e+00> : vector<1x196xf32>
    %dot_general3A_929 = tpu.matmul %exp3A_927, %mul3A_30, %dot_general3A_928 {dimension_numbers = #tpu.dot_dimension_numbers<[1], [0], [0], [1], [0, 0, 1, 1], [], []>, precision = #tpu.contract_precision<fp32>, transpose_lhs_hint = false} : vector<1x512xf32>, vector<512x196xf32>, vector<1x196xf32> -> vector<1x196xf32>
    %reduce_sum3A_930 = vector.shape_cast %exp3A_927 : vector<1x512xf32> to vector<1x1x512xf32>
    %reduce_sum3A_931 = arith.constant dense<0.000000e+00> : vector<1xf32>
    %reduce_sum3A_932 = vector.multi_reduction <add>, %reduce_sum3A_930, %reduce_sum3A_931 [1, 2] : vector<1x1x512xf32> to vector<1xf32>
    %reduce_sum3A_933 = vector.shape_cast %reduce_sum3A_932 : vector<1xf32> to vector<1x1x1xf32>
    %reduce_sum3A_934 = vector.extract %reduce_sum3A_933[0, 0, 0] : f32 from vector<1x1x1xf32>
    %div3A_935 = vector.broadcast %reduce_sum3A_934 : f32 to vector<1x196xf32>
    %div3A_936 = arith.divf %dot_general3A_929, %div3A_935 : vector<1x196xf32>
    %squeeze3A_937 = vector.shape_cast %div3A_936 : vector<1x196xf32> to vector<196xf32>
    %swap3A = arith.constant 0 : index
    %swap3A_938 = arith.constant 0 : index
    %swap3A_939 = arith.constant 0 : index
    %swap3A_940 = vector.load %arg23[%swap3A, %swap3A_938, %swap3A_939] : memref<1x1x392xf32, #tpu.memory_space<vmem>>, vector<1x1x196xf32>
    %swap3A_941 = vector.shape_cast %swap3A_940 : vector<1x1x196xf32> to vector<196xf32>
    %swap3A_942 = vector.shape_cast %squeeze3A_937 : vector<196xf32> to vector<1x1x196xf32>
    tpu.vector_store %arg23[%swap3A, %swap3A_938, %swap3A_939], %swap3A_942 {strides = array<i32>} : memref<1x1x392xf32, #tpu.memory_space<vmem>>, vector<1x1x196xf32>,
    %squeeze3A_943 = vector.shape_cast %div3A_919 : vector<1x196xf32> to vector<196xf32>
    %swap3A_944 = arith.constant 0 : index
    %swap3A_945 = arith.constant 0 : index
    %swap3A_946 = arith.constant 196 : index
    %swap3A_947 = vector.load %arg23[%swap3A_944, %swap3A_945, %swap3A_946] : memref<1x1x392xf32, #tpu.memory_space<vmem>>, vector<1x1x196xf32>
    %swap3A_948 = vector.shape_cast %swap3A_947 : vector<1x1x196xf32> to vector<196xf32>
    %swap3A_949 = vector.shape_cast %squeeze3A_943 : vector<196xf32> to vector<1x1x196xf32>
    tpu.vector_store %arg23[%swap3A_944, %swap3A_945, %swap3A_946], %swap3A_949 {strides = array<i32>} : memref<1x1x392xf32, #tpu.memory_space<vmem>>, vector<1x1x196xf32>,
    return
  }
  func.func @transform_0(%arg0: i32) -> (i32, i32, i32) {
    %c0_i32 = arith.constant 0 : i32
    %c0_i32_0 = arith.constant 0 : i32
    %c0_i32_1 = arith.constant 0 : i32
    return %arg0, %c0_i32, %c0_i32_0 : i32, i32, i32
  }
  func.func @transform_1(%arg0: i32) -> (i32, i32, i32) {
    %c0_i32 = arith.constant 0 : i32
    %c0_i32_0 = arith.constant 0 : i32
    %c0_i32_1 = arith.constant 0 : i32
    return %arg0, %c0_i32, %c0_i32_0 : i32, i32, i32
  }
  func.func @transform_2(%arg0: i32) -> (i32, i32, i32) {
    %c0_i32 = arith.constant 0 : i32
    %c0_i32_0 = arith.constant 0 : i32
    %c0_i32_1 = arith.constant 0 : i32
    return %arg0, %c0_i32, %c0_i32_0 : i32, i32, i32
  }
  func.func @transform_3(%arg0: i32) -> (i32, i32, i32) {
    %c0_i32 = arith.constant 0 : i32
    %c0_i32_0 = arith.constant 0 : i32
    %c0_i32_1 = arith.constant 0 : i32
    return %arg0, %c0_i32, %c0_i32_0 : i32, i32, i32
  }
  func.func @transform_4(%arg0: i32) -> (i32, i32) {
    %c0_i32 = arith.constant 0 : i32
    %c0_i32_0 = arith.constant 0 : i32
    %c0_i32_1 = arith.constant 0 : i32
    return %c0_i32, %c0_i32_0 : i32, i32
  }
  func.func @transform_5(%arg0: i32) -> (i32, i32, i32) {
    %c0_i32 = arith.constant 0 : i32
    %c0_i32_0 = arith.constant 0 : i32
    %c0_i32_1 = arith.constant 0 : i32
    return %arg0, %c0_i32, %c0_i32_0 : i32, i32, i32
  }
  func.func @transform_6(%arg0: i32) -> (i32, i32, i32) {
    %c0_i32 = arith.constant 0 : i32
    %c0_i32_0 = arith.constant 0 : i32
    %c0_i32_1 = arith.constant 0 : i32
    return %arg0, %c0_i32, %c0_i32_0 : i32, i32, i32
  }
  func.func @transform_7(%arg0: i32) -> (i32, i32, i32) {
    %c0_i32 = arith.constant 0 : i32
    %c0_i32_0 = arith.constant 0 : i32
    %c0_i32_1 = arith.constant 0 : i32
    return %arg0, %c0_i32, %c0_i32_0 : i32, i32, i32
  }
  func.func @transform_8(%arg0: i32) -> (i32, i32, i32) {
    %c0_i32 = arith.constant 0 : i32
    %c0_i32_0 = arith.constant 0 : i32
    %c0_i32_1 = arith.constant 0 : i32
    %c0_i32_2 = arith.constant 0 : i32
    return %c0_i32, %c0_i32_0, %c0_i32_1 : i32, i32, i32
  }
  func.func @transform_9(%arg0: i32) -> (i32, i32, i32) {
    %c0_i32 = arith.constant 0 : i32
    %c0_i32_0 = arith.constant 0 : i32
    %c0_i32_1 = arith.constant 0 : i32
    %c0_i32_2 = arith.constant 0 : i32
    return %c0_i32, %c0_i32_0, %c0_i32_1 : i32, i32, i32
  }
  func.func @transform_10(%arg0: i32) -> (i32, i32, i32) {
    %c0_i32 = arith.constant 0 : i32
    %c0_i32_0 = arith.constant 0 : i32
    %c0_i32_1 = arith.constant 0 : i32
    %c0_i32_2 = arith.constant 0 : i32
    return %c0_i32, %c0_i32_0, %c0_i32_1 : i32, i32, i32
  }
  func.func @transform_11(%arg0: i32) -> (i32, i32) {
    %c0_i32 = arith.constant 0 : i32
    %c0_i32_0 = arith.constant 0 : i32
    %c0_i32_1 = arith.constant 0 : i32
    return %c0_i32, %c0_i32_0 : i32, i32
  }
  func.func @transform_12(%arg0: i32) -> (i32, i32, i32) {
    %c0_i32 = arith.constant 0 : i32
    %c0_i32_0 = arith.constant 0 : i32
    %c0_i32_1 = arith.constant 0 : i32
    %c0_i32_2 = arith.constant 0 : i32
    return %c0_i32, %c0_i32_0, %c0_i32_1 : i32, i32, i32
  }
  func.func @transform_13(%arg0: i32) -> (i32, i32, i32) {
    %c0_i32 = arith.constant 0 : i32
    %c0_i32_0 = arith.constant 0 : i32
    %c0_i32_1 = arith.constant 0 : i32
    %c0_i32_2 = arith.constant 0 : i32
    return %c0_i32, %c0_i32_0, %c0_i32_1 : i32, i32, i32
  }
  func.func @transform_14(%arg0: i32) -> (i32, i32, i32) {
    %c0_i32 = arith.constant 0 : i32
    %c0_i32_0 = arith.constant 0 : i32
    %c0_i32_1 = arith.constant 0 : i32
    %c0_i32_2 = arith.constant 0 : i32
    return %c0_i32, %c0_i32_0, %c0_i32_1 : i32, i32, i32
  }
  func.func @transform_15(%arg0: i32) -> (i32, i32) {
    %c0_i32 = arith.constant 0 : i32
    %c0_i32_0 = arith.constant 0 : i32
    %c0_i32_1 = arith.constant 0 : i32
    return %c0_i32, %c0_i32_0 : i32, i32
  }
  func.func @transform_16(%arg0: i32) -> (i32, i32) {
    %c0_i32 = arith.constant 0 : i32
    %c0_i32_0 = arith.constant 0 : i32
    %c0_i32_1 = arith.constant 0 : i32
    return %c0_i32, %c0_i32_0 : i32, i32
  }
  func.func @transform_17(%arg0: i32) -> (i32, i32) {
    %c0_i32 = arith.constant 0 : i32
    %c0_i32_0 = arith.constant 0 : i32
    %c0_i32_1 = arith.constant 0 : i32
    return %c0_i32, %c0_i32_0 : i32, i32
  }
  func.func @transform_18(%arg0: i32) -> (i32, i32) {
    %c0_i32 = arith.constant 0 : i32
    %c0_i32_0 = arith.constant 0 : i32
    %c0_i32_1 = arith.constant 0 : i32
    return %c0_i32, %c0_i32_0 : i32, i32
  }
  func.func @transform_19(%arg0: i32) -> (i32, i32) {
    %c0_i32 = arith.constant 0 : i32
    %c0_i32_0 = arith.constant 0 : i32
    %c0_i32_1 = arith.constant 0 : i32
    return %c0_i32, %c0_i32_0 : i32, i32
  }
  func.func @transform_20(%arg0: i32) -> (i32, i32) {
    %c0_i32 = arith.constant 0 : i32
    %c0_i32_0 = arith.constant 0 : i32
    %c0_i32_1 = arith.constant 0 : i32
    return %c0_i32, %c0_i32_0 : i32, i32
  }
  func.func @transform_21(%arg0: i32) -> (i32, i32) {
    %c0_i32 = arith.constant 0 : i32
    %c0_i32_0 = arith.constant 0 : i32
    %c0_i32_1 = arith.constant 0 : i32
    return %c0_i32, %c0_i32_0 : i32, i32
  }
  func.func @transform_22(%arg0: i32) -> (i32, i32, i32) {
    %c0_i32 = arith.constant 0 : i32
    %c0_i32_0 = arith.constant 0 : i32
    %c0_i32_1 = arith.constant 0 : i32
    return %arg0, %c0_i32, %c0_i32_0 : i32, i32, i32
  }
}

</mosaic_0001>

<sc_bundles>
// kernel: kernel.4.cloned.1.call-start
scs
__scs_entry_jumppad:
0x0: {  	(pc) =	sbr.rel $0x88, $3  }
0x1: {  	(tag) =	ssettag $0x0;
	lr =	simm.s32 $0x1  }
0x2: {  	[smem:$0x3F8B] =	sst lr;
	_ =	strace $0xD0000000  }
0x3: {  	_ = 	snop  }
0x4: {  	_ = 	snop  }
0x5: {  	_ = 	snop  }
0x6: {  	_ = 	snop  }
0x7: {  	_ = 	snop  }
__scs_overlays_trampoline_lowered:
0x8: {  	[smem:$0x3F9A] =	sst s0  }
0x9: {  	[smem:$0x3F9B] =	sst s1  }
0xa: {  	[smem:$0x3F9C] =	sst s2  }
0xb: {  	[smem:$0x3F9D] =	sst s3  }
0xc: {  	[smem:$0x3F9E] =	sst s4  }
0xd: {  	[smem:$0x3F9F] =	sst s5  }
0xe: {  	[smem:$0x3FA0] =	sst s6  }
0xf: {  	[smem:$0x3FA1] =	sst s7  }
0x10: {  	[smem:$0x3FA2] =	sst s8  }
0x11: {  	[smem:$0x3FA3] =	sst s9;
	s0 =	simm.s32 @!p0 $0x0  }
0x12: {  	s1 =	sld [smem:$0x3F89];
	s0 =	simm.s32 @p0 $0x1  }
0x13: {  	[smem:$0x3FA4] =	sst s0;
	s0 =	simm.s32 @!p1 $0x0  }
0x14: {  	s2 =	sld [smem:$0x3F88];
	s0 =	simm.s32 @p1 $0x1  }
0x15: {  	[smem:$0x3FA5] =	sst s0;
	s0 =	simm.s32 @!p2 $0x0  }
0x16: {  	s3 =	sld [smem:$0x3FDB];
	s0 =	simm.s32 @p2 $0x1  }
0x17: {  	s4 =	simm.s32 $0x1BF5;
	[smem:$0x3FA7] =	sst s0  }
0x18: {  	s0 =	sld [smem:$0x3F8A];
	_ =	swait.ge [sflag:s4], $0x0  }
0x19: {  	s7 =	sld [smem:$0x3F8B]  }
0x1a: {  	s8 =	sadd.s32 $0xFFFFE003, lr  }
0x1b: {  	s9 =	sadd.s32 $0xFFFFFEF7, lr;
	s5 =	simm.s32 $0xFFFFFFFF;
	p2 =	slt.u32 s8, $0xFFFFF086  }
0x1c: {  	p1 =	slt.u32 s9, $0xF7A;
	s5 =	simm.s32 @!p2 $0x0  }
0x1d: {  	s5 =	simm.s32 @p1 $0x1;
	p0 =	seq.s32 s7, s2  }
0x1e: {  	s7 =	smul.u32 @!p0 $0xF7A, s2;
	p2 =	seq.s32 @!p0 s5, $0x0  }
0x1f: {  	s9 =	smul.u32 $0xF7A, s1;
	s8 =	simm.s32 @!p0 $0x1BF5;
	p2 =	por !p2, p0  }
0x20: {  	[sflag:s8] =	ssyncset.s32 @!p0 $0xFFFFF086;
	s6 =	sadd.s32 @!p0 s3, s7;
	s7 =	simm.s32 @!p0 $0x108  }
0x21: {  	s3 =	sadd.s32 s3, s9;
	s6 =	sadd.s32 @!p0 $0x88, s6;
	s7 =	simm.s32 @p2 $0x1082  }
0x22: {  	[simem:s7], [sflag:s8] =	dma.local @!p0 [hbm:s6], $0xF7A  }
0x23: {  	s9 =	sor.u32 $0xD0000000, s2;
	s6 =	simm.s32 $0x108;
	_ =	swait.ge @!p0 [sflag:s8], $0x0  }
0x24: {  	s3 =	sadd.s32 $0x88, s3;
	s6 =	simm.s32 @!p1 $0x1082;
	[sflag:s4] =	ssyncset.s32 $0xFFFFF086  }
0x25: {  	[simem:s6], [sflag:s4] =	dma.local [hbm:s3], $0xF7A  }
0x26: {  	[smem:$0x3F8B] =	sst s1;
	(tag) =	ssettag s2;
	_ =	strace s9  }
0x27: {  	s1 =	sld [smem:$0x3F9B]  }
0x28: {  	s2 =	sld [smem:$0x3F9C]  }
0x29: {  	s4 =	sld [smem:$0x3F9E]  }
0x2a: {  	p0 =	seq.s32 s5, $0x0;
	s5 =	sld [smem:$0x3F9F]  }
0x2b: {  	s6 =	sld [smem:$0x3FA0]  }
0x2c: {  	s7 =	sld [smem:$0x3FA1]  }
0x2d: {  	s3 =	simm.s32 $0x108;
	s8 =	sld [smem:$0x3FA2]  }
0x2e: {  	s3 =	simm.s32 @!p0 $0x1082;
	s9 =	sld [smem:$0x3FA3]  }
0x2f: {  	lr =	sadd.s32 s0, s3;
	s0 =	sld [smem:$0x3F9A]  }
0x30: {  	s3 =	sld [smem:$0x3F9D]  }
0x31: {  	[smem:$0x3FA6] =	sst s10  }
0x32: {  	s10 =	sld [smem:$0x3FA4];
	_ =	sdelay $0x3  }
0x33: {  	p0 =	seq.s32 s10, $0x1;
	s10 =	sld [smem:$0x3FA6];
	_ =	sdelay $0x3  }
0x34: {  	[smem:$0x3FA6] =	sst s10  }
0x35: {  	s10 =	sld [smem:$0x3FA5];
	_ =	sdelay $0x3  }
0x36: {  	p1 =	seq.s32 s10, $0x1;
	s10 =	sld [smem:$0x3FA6];
	_ =	sdelay $0x3  }
0x37: {  	[smem:$0x3FA6] =	sst s10  }
0x38: {  	s10 =	sld [smem:$0x3FA7]  }
0x39: {  	_ = 	snop;
	(pc) =	sbr.ind lr, $3  }
0x3a: {  	_ = 	snop  }
0x3b: {  	_ = 	snop  }
0x3c: {  	p2 =	seq.s32 s10, $0x1;
	s10 =	sld [smem:$0x3FA6]  }
0x3d: {  	_ =	shalt  }
0x3e: {  	_ =	shalt  }
0x3f: {  	_ =	shalt  }
0x40: {  	_ =	shalt  }
0x41: {  	_ =	shalt  }
0x42: {  	_ =	shalt  }
0x43: {  	_ =	shalt  }
0x44: {  	_ =	shalt  }
0x45: {  	_ =	shalt  }
0x46: {  	_ =	shalt  }
0x47: {  	_ =	shalt  }
0x48: {  	_ =	shalt  }
0x49: {  	_ =	shalt  }
0x4a: {  	_ =	shalt  }
0x4b: {  	_ =	shalt  }
0x4c: {  	_ =	shalt  }
0x4d: {  	_ =	shalt  }
0x4e: {  	_ =	shalt  }
0x4f: {  	_ =	shalt  }
0x50: {  	_ =	shalt  }
0x51: {  	_ =	shalt  }
0x52: {  	_ =	shalt  }
0x53: {  	_ =	shalt  }
0x54: {  	_ =	shalt  }
0x55: {  	_ =	shalt  }
0x56: {  	_ =	shalt  }
0x57: {  	_ =	shalt  }
0x58: {  	_ =	shalt  }
0x59: {  	_ =	shalt  }
0x5a: {  	_ =	shalt  }
0x5b: {  	_ =	shalt  }
0x5c: {  	_ =	shalt  }
0x5d: {  	_ =	shalt  }
0x5e: {  	_ =	shalt  }
0x5f: {  	_ =	shalt  }
0x60: {  	_ =	shalt  }
0x61: {  	_ =	shalt  }
0x62: {  	_ =	shalt  }
0x63: {  	_ =	shalt  }
0x64: {  	_ =	shalt  }
0x65: {  	_ =	shalt  }
0x66: {  	_ =	shalt  }
0x67: {  	_ =	shalt  }
0x68: {  	_ =	shalt  }
0x69: {  	_ =	shalt  }
0x6a: {  	_ =	shalt  }
0x6b: {  	_ =	shalt  }
0x6c: {  	_ =	shalt  }
0x6d: {  	_ =	shalt  }
0x6e: {  	_ =	shalt  }
0x6f: {  	_ =	shalt  }
0x70: {  	_ =	shalt  }
0x71: {  	_ =	shalt  }
0x72: {  	_ =	shalt  }
0x73: {  	_ =	shalt  }
0x74: {  	_ =	shalt  }
0x75: {  	_ =	shalt  }
0x76: {  	_ =	shalt  }
0x77: {  	_ =	shalt  }
0x78: {  	_ =	shalt  }
0x79: {  	_ =	shalt  }
0x7a: {  	_ =	shalt  }
0x7b: {  	_ =	shalt  }
0x7c: {  	_ =	shalt  }
0x7d: {  	_ =	shalt  }
0x7e: {  	_ =	shalt  }
0x7f: {  	_ =	shalt  }
0x80: {  	_ =	shalt  }
0x81: {  	_ =	shalt  }
0x82: {  	_ =	shalt  }
0x83: {  	_ =	shalt  }
0x84: {  	_ =	shalt  }
0x85: {  	_ =	shalt  }
0x86: {  	_ =	shalt  }
0x87: {  	_ =	shalt  }
.Lfunc_end0:
.L_simem_size_0:
called_computation_lowered:
.L_overlay_start_0:
0x88: {  	s2 =	sld [smem:$0x3FD9]  }
0x89: {  	s3 =	sld [smem:$0x3FFE];
	_ =	sdelay $0x1  }
0x8a: {  	s1 =	srdreg.scid  }
0x8b: {  	s0 =	sand.u32 $0x1, s1  }
0x8c: {  	s17 =	sshll.u32 s0, $0xA;
	s2 =	sadd.s32 s3, s2  }
0x8d: {  	s2 =	sadd.s32 s2, s17  }
0x8e: {  	[smem:$0x3FB2] =	sst s2  }
0x8f: {  	_ = 	snop  }
0x90: {  	s2 =	sld [smem:$0x3FD0];
	(tm) =	ssettm $0x1  }
0x91: {  	s18 =	sld [smem:$0x3FFB];
	_ =	sdelay $0x3  }
0x92: {  	_ =	strace s18  }
0x93: {  	s3 =	sld [smem:$0x3FFC];
	_ =	sdelay $0x3  }
0x94: {  	_ =	strace s3  }
0x95: {  	s3 =	sld [smem:$0x3FFD];
	_ =	sdelay $0x3  }
0x96: {  	_ =	strace s3  }
0x97: {  	_ =	strace $0x8FFFFFFF  }
0x98: {  	s19 =	sld [smem:$0x3FDB];
	_ =	sdelay $0x1  }
0x99: {  	s4 =	simm.s32 $_scs_section_size  }
0x9a: {  	s5 =	simm.s32 $_size__tile_overlayer_lowered;
	s6 =	simm.s32 $_tile_overlayer_lowered  }
0x9b: {  	s22 =	simm.s32 $0x1BFF;
	s21 =	sshll.u32 s6, $0x1;
	s3 =	sadd.s32 s4, s19  }
0x9c: {  	s7 =	simm.s32 $0x0;
	s20 =	sshll.u32 s5, $0x1;
	s5 =	sadd.s32 s21, s3  }
0x9d: {  	[timem:s7], [sflag:s22] =	dma.local [hbm:s5], s20  }
0x9e: {  	_ =	swait.ge [sflag:s22], s20  }
0x9f: {  	s4 =	ssub.s32 $0x0, s20;
	[sflag:s22] =	ssyncset.done $0x0  }
0xa0: {  	[sflag:s22] =	ssyncadd.s32 s4;
	_ =	sdelay $0x1  }
0xa1: {  	s23 =	simm.s32 $0x1B8B  }
0xa2: {  	_ =	swait.ge [sflag:s23], $0x1  }
0xa3: {  	[sflag:s23] =	ssyncset.done $0x0  }
0xa4: {  	s25 =	simm.s32 $0x1B8E;
	s24 =	sld [smem:$0x3FFE];
	[sflag:s23] =	ssyncadd.s32 $0xFFFFFFFF  }
0xa5: {  	s26 =	simm.s32 $execute0_lowered;
	[smem:$0x3FD2] =	sst s25  }
0xa6: {  	s5 =	sshll.u32 s26, $0x1;
	_ =	strace $0x80000046;
	[dreg:$0x1] =	wrdreg $0xFFFFFFFF  }
0xa7: {  	s28 =	simm.s32 $_size_execute0_lowered;
	s3 =	sadd.s32 s3, s5;
	[dreg:$0x0] =	wrdreg $0x0  }
0xa8: {  	s5 =	sshll.u32 s28, $0x1;
	[dreg:$0x2] =	wrdreg s3  }
0xa9: {  	[dreg:$0x3] =	wrdreg s5  }
0xaa: {  	[dreg:$0x4] =	wrdreg $0xC0  }
0xab: {  	_ =	task [dreg:s7], $0x5FFFF  }
0xac: {  	[dreg:$0x1] =	wrdreg $0xFFFFFFFF  }
0xad: {  	[dreg:$0x0] =	wrdreg $0x60  }
0xae: {  	[dreg:$0x2] =	wrdreg s24  }
0xaf: {  	[dreg:$0x3] =	wrdreg s2  }
0xb0: {  	[dreg:$0x4] =	wrdreg $0x9  }
0xb1: {  	_ =	task.clear_ibuf [dreg:s7], $0x5FFFF;
	_ =	strace $0x90000046  }
0xb2: {  	s29 =	simm.s32 $0x9;
	_ =	strace $0x80000048  }
0xb3: {  	_ =	swait.ge [sflag:s29], $0x1  }
0xb4: {  	[sflag:s29] =	ssyncadd.s32 $0xFFFFFFFF  }
0xb5: {  	_ =	strace $0x90000048  }
0xb6: {  	_ =	sfence  }
0xb7: {  	s30 =	sld [smem:$0x0];
	_ =	sdelay $0x2  }
0xb8: {  	s31 =	sshll.u32 s1, $0xD;
	s1 =	sshrl.u32 s1, $0x2  }
0xb9: {  	s3 =	sand.u32 $0x4000, s31;
	s1 =	sadd.s32 s1, s30  }
0xba: {  	s0 =	sor.u32 s3, s0;
	s1 =	sshll.u32 s1, $0x11  }
0xbb: {  	s0 =	sor.u32 s1, s0  }
0xbc: {  	s0 =	sadd.s32 $0x8F2B, s0  }
0xbd: {  	[sflag:s0] =	ssyncadd.remote.s32 $0x1  }
0xbe: {  	_ =	sfence.sel $0xFFFF  }
0xbf: {  	[dreg:$0x0] =	wrdreg $0xFFFFFFFF;
	(pc) =	sbr.abs _section_cstart, $3  }
0xc0: {  	[dreg:$0x1] =	wrdreg $0xFFFFFFFF  }
0xc1: {  	_ =	task.clear_ibuf [dreg:s7], $0x2FFFF;
	_ =	strace $0x9FFFFFFF  }
0xc2: {  	(tm) =	ssettm $0x7FFFFFFF  }
0xc3: {  	_ =	shalt  }
tec
execute0_lowered:
.L_overlay_start_1:
0x0: {  	(tag) =	ssettag $0x1  }
0x1: {  	s1 =	srdreg.scid  }
0x2: {  	s0 =	stileid.u32;
	s6 =	rddreg [dreg:$0x0]  }
0x3: {  	s2 =	rddreg [dreg:$0x1];
	s3 =	simm.s32 $0x0;
	s13 =	simm.s32 $0x80  }
0x4: {  	s14 =	simm.s32 $0x400;
	s15 =	simm.s32 $0x1;
	s16 =	simm.s32 $0x800  }
0x5: {  	s19 =	simm.s32 $0x11C80;
	s20 =	simm.s32 $0x12900;
	s21 =	simm.s32 $0x0  }
0x6: {  	s5 =	sand.u32 $0x1, s1;
	s29 =	sshll.u32 s0, $0x1;
	s1 =	rddreg [dreg:$0x2]  }
0x7: {  	s4 =	sshll.u32 s0, $0x9;
	[smem:$0x7FF] =	sst s3;
	p0 =	sgt.u32 s0, $0x1  }
0x8: {  	s7 =	sor.u32 s5, s29;
	_ =	strace $0x80000047;
	s5 =	ssub.s32 $0x2, s5  }
0x9: {  	s8 =	sshll.u32 s7, $0x4;
	s9 =	smul.u32 $0x700, s7;
	s10 =	sshll.u32 s7, $0xF  }
0xa: {  	s31 =	sshrl.u32 s5, $0x1;
	s17 =	smul.u32 $0x38, s7;
	s4 =	sor.u32 s4, s8  }
0xb: {  	s10 =	sadd.s32 s10, s6;
	s12 =	ssub.s32 s5, s31;
	s4 =	sand.u32 $0x1870, s4  }
.Ltmp0:
0xc: {  	s11 =	sadd.s32 s9, s6;
	s7 =	sadd.s32 $0x9200, s10;
	(pc) =	sbr.rel .LBB2_1-.Ltmp0, $4  }
0xd: {  	s8 =	sadd.s32 $0xB200, s10;
	s9 =	sadd.s32 $0xD200, s10;
	s10 =	sadd.s32 $0xF200, s10  }
0xe: {  	s18 =	sadd.s32 $0x38, s17;
	s12 =	smax.u32 s12, $0x1;
	v0 =	vmov s17;
	s17 =	simm.s32 $0x1000  }
0xf: {  	v2 =	vimm.f32 $0.0e+00;
	s30 =	sadd.s32 s4, s6;
	s4 =	sadd.s32 $0x3400, s6;
	s11 =	sadd.s32 $0x7600, s11  }
0x10: {  	v3 =	vimm.f32 $1.000000000e+00;
	v4 =	vimm.f32 $-1.000000000e+00;
	v1 =	vmov s18;
	s18 =	simm.s32 $0x11000;
	s5 =	sadd.s32 $0x5600, s30;
	s6 =	sadd.s32 $0x3600, s30  }
.LBB2_24:
0x11: {  	_ =	sdelay $0x4  }
0x12: {  	s22 =	sshra.s32 s22, $0x2;
	[tilespmem:v5+s20+$0x0] =	vst.idx.add.f32.msk vm0, v3  }
0x13: {  	v5 =	vld [tilespmem:s22+$0x11C80]  }
0x14: {  	v6 =	vld [tilespmem:s22+$0x11000];
	_ =	sdelay $0x3  }
0x15: {  	v7 =	vsub.s32 v5, v0  }
0x16: {  	vm15 =	vge.s32 v5, v0;
	v8 =	vshll.u32 v6, $0x3;
	v7 =	vshll.u32 v7, $0x8  }
0x17: {  	v9 =	vshll.u32 v5, $0x7;
	v8 =	vand.u32 $0xFFFFFC00, v8;
	v7 =	vand.u32 $0xFFFFF800, v7  }
0x18: {  	vm1 =	vlt.s32 v5, v1;
	v5 =	vadd.s32 v8, v7;
	v7 =	vand.u32 $0x380, v9  }
0x19: {  	v6 =	vand.u32 $0x7F, v6;
	vm0 =	vmand vm15, vm1;
	v5 =	vor.u32 v7, v5  }
0x1a: {  	v5 =	vor.u32 v6, v5;
	_ =	sdelay $0x4  }
0x1b: {  	[tilespmem:v5+s20+$0x0] =	vst.idx.add.f32.msk vm0, v3  }
0x1c: {  	[hbm4b:s11+s3] =	stream.linear.scatter [tilespmem:s20], [sflag:$0x1], $0x3800, $0x38;
	[tilespmem:$0x16100] =	vst v63  }
0x1d: {  	_ =	swait.ge [sflag:s15], $0x3800  }
0x1e: {  	[sflag:s15] =	ssyncset.done $0x0  }
0x1f: {  	[sflag:s15] =	ssyncadd.s32 $0xFFFFC800  }
.LBB2_25:
0x20: {  	s21 =	sadd.s32 $0x1, s21  }
0x21: {  	p1 =	sne.s32 s21, s12  }
.Ltmp1:
0x22: {  	_ = 	snop;
	(pc) =	sbr.rel @!p1 .LBB2_26-.Ltmp1, $1  }
0x23: {  	_ =	sdelay $0x3  }
.LBB2_1:
0x24: {  	s22 =	sand.u32 $0xF000, s3;
	s23 =	sand.u32 $0x380, s3  }
0x25: {  	s22 =	sor.u32 s23, s22  }
0x26: {  	[tilespmem:s22+$0x1C70] =	vst v2  }
0x27: {  	[tilespmem:s22+$0x1000] =	vst v2  }
0x28: {  	[tilespmem:s22+$0x1010] =	vst v2  }
0x29: {  	[tilespmem:s22+$0x1020] =	vst v2  }
0x2a: {  	[tilespmem:s22+$0x1030] =	vst v2  }
0x2b: {  	[tilespmem:s22+$0x1040] =	vst v2  }
0x2c: {  	[tilespmem:s22+$0x1050] =	vst v2  }
0x2d: {  	[tilespmem:s22+$0x1060] =	vst v2  }
0x2e: {  	[tilespmem:s22+$0x1070] =	vst v2  }
0x2f: {  	[tilespmem:s22+$0x1400] =	vst v2  }
0x30: {  	[tilespmem:s22+$0x1410] =	vst v2  }
0x31: {  	[tilespmem:s22+$0x1420] =	vst v2  }
0x32: {  	[tilespmem:s22+$0x1430] =	vst v2  }
0x33: {  	[tilespmem:s22+$0x1440] =	vst v2  }
0x34: {  	[tilespmem:s22+$0x1450] =	vst v2  }
0x35: {  	[tilespmem:s22+$0x1460] =	vst v2  }
0x36: {  	[tilespmem:s22+$0x1470] =	vst v2  }
0x37: {  	[tilespmem:s22+$0x1800] =	vst v2  }
0x38: {  	[tilespmem:s22+$0x1810] =	vst v2  }
0x39: {  	[tilespmem:s22+$0x1820] =	vst v2  }
0x3a: {  	[tilespmem:s22+$0x1830] =	vst v2  }
0x3b: {  	[tilespmem:s22+$0x1840] =	vst v2  }
0x3c: {  	[tilespmem:s22+$0x1850] =	vst v2  }
0x3d: {  	[tilespmem:s22+$0x1860] =	vst v2  }
0x3e: {  	[tilespmem:s22+$0x1870] =	vst v2  }
0x3f: {  	[tilespmem:s22+$0x1C00] =	vst v2  }
0x40: {  	[tilespmem:s22+$0x1C10] =	vst v2  }
0x41: {  	[tilespmem:s22+$0x1C20] =	vst v2  }
0x42: {  	[tilespmem:s22+$0x1C30] =	vst v2  }
0x43: {  	s24 =	simm.s32 $0x200;
	s23 =	simm.s32 $0x80;
	[tilespmem:s22+$0x1C40] =	vst v2  }
0x44: {  	s25 =	sand.u32 $0xF000, s24;
	s24 =	simm.s32 $0x400;
	s26 =	sand.u32 $0x380, s23;
	[tilespmem:s22+$0x1C50] =	vst v2  }
.LBB2_2:
0x45: {  	p1 =	sne.s32 s24, $0xFE00;
	[tilespmem:s22+$0x1C60] =	vst v2;
	s22 =	sor.u32 s26, s25  }
0x46: {  	[tilespmem:s22+$0x1C70] =	vst v2  }
0x47: {  	[tilespmem:s22+$0x1000] =	vst v2  }
0x48: {  	[tilespmem:s22+$0x1010] =	vst v2  }
0x49: {  	[tilespmem:s22+$0x1020] =	vst v2  }
0x4a: {  	[tilespmem:s22+$0x1030] =	vst v2  }
0x4b: {  	[tilespmem:s22+$0x1040] =	vst v2  }
0x4c: {  	[tilespmem:s22+$0x1050] =	vst v2  }
0x4d: {  	[tilespmem:s22+$0x1060] =	vst v2  }
0x4e: {  	[tilespmem:s22+$0x1070] =	vst v2  }
0x4f: {  	[tilespmem:s22+$0x1400] =	vst v2  }
0x50: {  	[tilespmem:s22+$0x1410] =	vst v2  }
0x51: {  	[tilespmem:s22+$0x1420] =	vst v2  }
0x52: {  	[tilespmem:s22+$0x1430] =	vst v2  }
0x53: {  	[tilespmem:s22+$0x1440] =	vst v2  }
0x54: {  	[tilespmem:s22+$0x1450] =	vst v2  }
0x55: {  	[tilespmem:s22+$0x1460] =	vst v2  }
0x56: {  	[tilespmem:s22+$0x1470] =	vst v2  }
0x57: {  	[tilespmem:s22+$0x1800] =	vst v2  }
0x58: {  	[tilespmem:s22+$0x1810] =	vst v2  }
0x59: {  	[tilespmem:s22+$0x1820] =	vst v2  }
0x5a: {  	[tilespmem:s22+$0x1830] =	vst v2  }
0x5b: {  	[tilespmem:s22+$0x1840] =	vst v2  }
0x5c: {  	[tilespmem:s22+$0x1850] =	vst v2  }
0x5d: {  	[tilespmem:s22+$0x1860] =	vst v2  }
0x5e: {  	[tilespmem:s22+$0x1870] =	vst v2  }
0x5f: {  	[tilespmem:s22+$0x1C00] =	vst v2  }
.Ltmp2:
0x60: {  	[tilespmem:s22+$0x1C10] =	vst v2;
	(pc) =	sbr.rel @p1 .LBB2_2-.Ltmp2, $4  }
0x61: {  	[tilespmem:s22+$0x1C20] =	vst v2  }
0x62: {  	[tilespmem:s22+$0x1C30] =	vst v2  }
0x63: {  	s23 =	sadd.s32 $0x80, s23;
	[tilespmem:s22+$0x1C40] =	vst v2  }
0x64: {  	s25 =	sand.u32 $0xF000, s24;
	s24 =	sadd.s32 $0x200, s24;
	s26 =	sand.u32 $0x380, s23;
	[tilespmem:s22+$0x1C50] =	vst v2  }
0x65: {  	s23 =	sor.u32 s26, s25;
	[tilespmem:s22+$0x1C60] =	vst v2  }
0x66: {  	[tilespmem:s23+$0x1C70] =	vst v2  }
0x67: {  	[tilespmem:s23+$0x1000] =	vst v2  }
0x68: {  	[tilespmem:s23+$0x1010] =	vst v2  }
0x69: {  	[tilespmem:s23+$0x1020] =	vst v2  }
0x6a: {  	[tilespmem:s23+$0x1030] =	vst v2  }
0x6b: {  	[tilespmem:s23+$0x1040] =	vst v2  }
0x6c: {  	[tilespmem:s23+$0x1050] =	vst v2  }
0x6d: {  	[tilespmem:s23+$0x1060] =	vst v2  }
0x6e: {  	[tilespmem:s23+$0x1070] =	vst v2  }
0x6f: {  	[tilespmem:s23+$0x1400] =	vst v2  }
0x70: {  	[tilespmem:s23+$0x1410] =	vst v2  }
0x71: {  	[tilespmem:s23+$0x1420] =	vst v2  }
0x72: {  	[tilespmem:s23+$0x1430] =	vst v2  }
0x73: {  	[tilespmem:s23+$0x1440] =	vst v2  }
0x74: {  	[tilespmem:s23+$0x1450] =	vst v2  }
0x75: {  	[tilespmem:s23+$0x1460] =	vst v2  }
0x76: {  	[tilespmem:s23+$0x1470] =	vst v2  }
0x77: {  	[tilespmem:s23+$0x1800] =	vst v2  }
0x78: {  	[tilespmem:s23+$0x1810] =	vst v2  }
0x79: {  	[tilespmem:s23+$0x1820] =	vst v2  }
0x7a: {  	[tilespmem:s23+$0x1830] =	vst v2  }
0x7b: {  	[tilespmem:s23+$0x1840] =	vst v2  }
0x7c: {  	[tilespmem:s23+$0x1850] =	vst v2  }
0x7d: {  	[tilespmem:s23+$0x1860] =	vst v2  }
0x7e: {  	[tilespmem:s23+$0x1870] =	vst v2  }
0x7f: {  	[tilespmem:s23+$0x1C00] =	vst v2  }
0x80: {  	[tilespmem:s23+$0x1C10] =	vst v2  }
0x81: {  	[tilespmem:s23+$0x1C20] =	vst v2  }
0x82: {  	[tilespmem:s23+$0x1C30] =	vst v2  }
0x83: {  	[tilespmem:s23+$0x1C40] =	vst v2  }
0x84: {  	[tilespmem:s23+$0x1C50] =	vst v2  }
0x85: {  	s31 =	simm.s32 $0x0;
	[tilespmem:s23+$0x1C60] =	vst v2  }
0x86: {  	[tilespmem:s31], [sflag:$0x1] =	stream.strided.gather [hbm4b:s5+s13], $0x800, s14, s13, $0x38;
	[tilespmem:$0x16100] =	vst v63  }
0x87: {  	_ =	swait.ge [sflag:s15], $0x800  }
0x88: {  	[sflag:s15] =	ssyncset.done $0x0  }
0x89: {  	[sflag:s15] =	ssyncadd.s32 $0xFFFFF800  }
0x8a: {  	[tilespmem:s16], [sflag:$0x1] =	stream.strided.gather [hbm4b:s6+s13], $0x800, s14, s13, $0x38;
	[tilespmem:$0x16100] =	vst v63  }
0x8b: {  	_ =	swait.ge [sflag:s15], $0x800  }
0x8c: {  	[sflag:s15] =	ssyncset.done $0x0  }
0x8d: {  	s23 =	simm.s32 $0x0;
	[sflag:s15] =	ssyncadd.s32 $0xFFFFF800  }
0x8e: {  	s22 =	simm.s32 $0x40;
	v5 =	vld [tilespmem:s23+$0x0]  }
.LBB2_4:
0x8f: {  	p1 =	sne.s32 s22, $0x1FC0;
	v6 =	vld [tilespmem:s23+$0x800];
	_ =	sdelay $0x4  }
0x90: {  	v8 =	vshll.u32 v5, $0x3;
	v7 =	vshll.u32 v6, $0x9  }
0x91: {  	v8 =	vand.u32 $0xFFFFFC00, v8;
	v9 =	vshll.u32 v6, $0x7;
	v7 =	vand.u32 $0xFFFFF000, v7  }
0x92: {  	v7 =	vadd.s32 v8, v7;
	v8 =	vand.u32 $0x380, v9  }
0x93: {  	v5 =	vand.u32 $0x7F, v5;
	vm0 =	vlt.u32 v6, $0x80;
	v6 =	vor.u32 v8, v7  }
0x94: {  	v5 =	vor.u32 v5, v6;
	_ =	sdelay $0x1  }
.Ltmp3:
0x95: {  	(pc) =	sbr.rel @p1 .LBB2_4-.Ltmp3, $3  }
0x96: {  	_ =	sdelay $0x1  }
0x97: {  	s23 =	sshra.s32 s22, $0x2;
	[tilespmem:v5+s17+$0x0] =	vst.idx.add.f32.msk vm0, v3  }
0x98: {  	s22 =	sadd.s32 $0x40, s22;
	v5 =	vld [tilespmem:s23+$0x0]  }
0x99: {  	v6 =	vld [tilespmem:s23+$0x800];
	_ =	sdelay $0x4  }
0x9a: {  	v8 =	vshll.u32 v5, $0x3;
	v7 =	vshll.u32 v6, $0x9  }
0x9b: {  	v8 =	vand.u32 $0xFFFFFC00, v8;
	v9 =	vshll.u32 v6, $0x7;
	v7 =	vand.u32 $0xFFFFF000, v7  }
0x9c: {  	v63 =	vand.u32 $0x380, v9;
	v7 =	vadd.s32 v8, v7  }
0x9d: {  	v5 =	vand.u32 $0x7F, v5;
	vm0 =	vlt.u32 v6, $0x80;
	v6 =	vor.u32 v63, v7  }
0x9e: {  	v5 =	vor.u32 v5, v6;
	_ =	sdelay $0x4  }
0x9f: {  	s22 =	simm.s32 $0x0;
	[tilespmem:v5+s17+$0x0] =	vst.idx.add.f32.msk vm0, v3  }
0xa0: {  	[hbm4b:s7+s22] =	stream.linear.scatter [tilespmem:s17], [sflag:$0x1], $0x10000, $0x38;
	[tilespmem:$0x16100] =	vst v63  }
0xa1: {  	_ =	swait.ge [sflag:s15], $0x10000  }
0xa2: {  	[sflag:s15] =	ssyncset.done $0x0  }
0xa3: {  	s23 =	simm.s32 $0x0;
	[sflag:s15] =	ssyncadd.s32 $0xFFFF0000  }
0xa4: {  	s22 =	simm.s32 $0x40;
	v5 =	vld [tilespmem:s23+$0x0]  }
.LBB2_6:
0xa5: {  	p1 =	sne.s32 s22, $0x1FC0;
	v6 =	vld [tilespmem:s23+$0x800];
	_ =	sdelay $0x4  }
0xa6: {  	v8 =	vshll.u32 v5, $0x3;
	v7 =	vshll.u32 v6, $0x9  }
0xa7: {  	v8 =	vand.u32 $0xFFFFFC00, v8;
	v9 =	vshll.u32 v6, $0x7;
	v7 =	vand.u32 $0xFFFFF000, v7  }
0xa8: {  	v7 =	vadd.s32 v8, v7;
	v8 =	vand.u32 $0x380, v9  }
0xa9: {  	v5 =	vand.u32 $0x7F, v5;
	vm0 =	vlt.u32 v6, $0x80;
	v6 =	vor.u32 v8, v7  }
0xaa: {  	v5 =	vor.u32 v5, v6;
	_ =	sdelay $0x1  }
.Ltmp4:
0xab: {  	(pc) =	sbr.rel @p1 .LBB2_6-.Ltmp4, $3  }
0xac: {  	_ =	sdelay $0x1  }
0xad: {  	s23 =	sshra.s32 s22, $0x2;
	[tilespmem:v5+s17+$0x0] =	vst.idx.add.f32.msk vm0, v4  }
0xae: {  	s22 =	sadd.s32 $0x40, s22;
	v5 =	vld [tilespmem:s23+$0x0]  }
0xaf: {  	v6 =	vld [tilespmem:s23+$0x800];
	_ =	sdelay $0x4  }
0xb0: {  	v8 =	vshll.u32 v5, $0x3;
	v7 =	vshll.u32 v6, $0x9  }
0xb1: {  	v8 =	vand.u32 $0xFFFFFC00, v8;
	v9 =	vshll.u32 v6, $0x7;
	v7 =	vand.u32 $0xFFFFF000, v7  }
0xb2: {  	v63 =	vand.u32 $0x380, v9;
	v7 =	vadd.s32 v8, v7  }
0xb3: {  	v5 =	vand.u32 $0x7F, v5;
	vm0 =	vlt.u32 v6, $0x80;
	v6 =	vor.u32 v63, v7  }
0xb4: {  	v5 =	vor.u32 v5, v6;
	_ =	sdelay $0x4  }
0xb5: {  	s23 =	simm.s32 $0x0;
	s22 =	simm.s32 $0x40;
	[tilespmem:v5+s17+$0x0] =	vst.idx.add.f32.msk vm0, v4  }
.LBB2_8:
0xb6: {  	p1 =	sne.s32 s22, $0x1FC0;
	v5 =	vld [tilespmem:s23+$0x0]  }
0xb7: {  	v6 =	vld [tilespmem:s23+$0x800];
	_ =	sdelay $0x3  }
0xb8: {  	v7 =	vshll.u32 v5, $0x3  }
0xb9: {  	v5 =	vand.u32 $0x7F, v5;
	v8 =	vshll.u32 v6, $0x9;
	v7 =	vand.u32 $0xFFFFFC00, v7  }
0xba: {  	v9 =	vshll.u32 v6, $0x7;
	v8 =	vand.u32 $0xFFFFF000, v8;
	v5 =	vor.u32 v5, v7  }
0xbb: {  	v6 =	vand.u32 $0xFFFFFF80, v6;
	v7 =	vand.u32 $0x380, v9;
	v5 =	vadd.s32 v8, v5  }
0xbc: {  	vm0 =	veq.s32 v6, $0x80;
	v5 =	vor.u32 v7, v5  }
0xbd: {  	v5 =	vadd.s32 $0xFFFF0000, v5  }
.Ltmp5:
0xbe: {  	(pc) =	sbr.rel @p1 .LBB2_8-.Ltmp5, $2  }
0xbf: {  	_ =	sdelay $0x2  }
0xc0: {  	s23 =	sshra.s32 s22, $0x2;
	s22 =	sadd.s32 $0x40, s22;
	[tilespmem:v5+s17+$0x0] =	vst.idx.add.f32.msk vm0, v3  }
0xc1: {  	v5 =	vld [tilespmem:s23+$0x0]  }
0xc2: {  	v6 =	vld [tilespmem:s23+$0x800];
	_ =	sdelay $0x3  }
0xc3: {  	v7 =	vshll.u32 v5, $0x3  }
0xc4: {  	v5 =	vand.u32 $0x7F, v5;
	v8 =	vshll.u32 v6, $0x9;
	v7 =	vand.u32 $0xFFFFFC00, v7  }
0xc5: {  	v9 =	vshll.u32 v6, $0x7;
	v8 =	vand.u32 $0xFFFFF000, v8;
	v5 =	vor.u32 v5, v7  }
0xc6: {  	v6 =	vand.u32 $0xFFFFFF80, v6;
	v7 =	vand.u32 $0x380, v9;
	v5 =	vadd.s32 v8, v5  }
0xc7: {  	vm0 =	veq.s32 v6, $0x80;
	v5 =	vor.u32 v7, v5  }
0xc8: {  	v5 =	vadd.s32 $0xFFFF0000, v5;
	_ =	sdelay $0x4  }
0xc9: {  	s22 =	simm.s32 $0x0;
	[tilespmem:v5+s17+$0x0] =	vst.idx.add.f32.msk vm0, v3  }
0xca: {  	[hbm4b:s8+s22] =	stream.linear.scatter [tilespmem:s17], [sflag:$0x1], $0x10000, $0x38;
	[tilespmem:$0x16100] =	vst v63  }
0xcb: {  	_ =	swait.ge [sflag:s15], $0x10000  }
0xcc: {  	[sflag:s15] =	ssyncset.done $0x0  }
0xcd: {  	s23 =	simm.s32 $0x0;
	s22 =	simm.s32 $0x40;
	[sflag:s15] =	ssyncadd.s32 $0xFFFF0000  }
.LBB2_10:
0xce: {  	p1 =	sne.s32 s22, $0x1FC0;
	v5 =	vld [tilespmem:s23+$0x0]  }
0xcf: {  	v6 =	vld [tilespmem:s23+$0x800];
	_ =	sdelay $0x3  }
0xd0: {  	v7 =	vshll.u32 v5, $0x3  }
0xd1: {  	v5 =	vand.u32 $0x7F, v5;
	v8 =	vshll.u32 v6, $0x9;
	v7 =	vand.u32 $0xFFFFFC00, v7  }
0xd2: {  	v9 =	vshll.u32 v6, $0x7;
	v8 =	vand.u32 $0xFFFFF000, v8;
	v5 =	vor.u32 v5, v7  }
0xd3: {  	v6 =	vand.u32 $0xFFFFFF80, v6;
	v7 =	vand.u32 $0x380, v9;
	v5 =	vadd.s32 v8, v5  }
0xd4: {  	vm0 =	veq.s32 v6, $0x80;
	v5 =	vor.u32 v7, v5  }
0xd5: {  	v5 =	vadd.s32 $0xFFFF0000, v5  }
.Ltmp6:
0xd6: {  	(pc) =	sbr.rel @p1 .LBB2_10-.Ltmp6, $2  }
0xd7: {  	_ =	sdelay $0x2  }
0xd8: {  	s23 =	sshra.s32 s22, $0x2;
	s22 =	sadd.s32 $0x40, s22;
	[tilespmem:v5+s17+$0x0] =	vst.idx.add.f32.msk vm0, v4  }
0xd9: {  	v5 =	vld [tilespmem:s23+$0x0]  }
0xda: {  	v6 =	vld [tilespmem:s23+$0x800];
	_ =	sdelay $0x3  }
0xdb: {  	v7 =	vshll.u32 v5, $0x3  }
0xdc: {  	v5 =	vand.u32 $0x7F, v5;
	v8 =	vshll.u32 v6, $0x9;
	v7 =	vand.u32 $0xFFFFFC00, v7  }
0xdd: {  	v9 =	vshll.u32 v6, $0x7;
	v8 =	vand.u32 $0xFFFFF000, v8;
	v5 =	vor.u32 v5, v7  }
0xde: {  	v6 =	vand.u32 $0xFFFFFF80, v6;
	v7 =	vand.u32 $0x380, v9;
	v5 =	vadd.s32 v8, v5  }
0xdf: {  	vm0 =	veq.s32 v6, $0x80;
	v5 =	vor.u32 v7, v5  }
0xe0: {  	v5 =	vadd.s32 $0xFFFF0000, v5;
	_ =	sdelay $0x4  }
0xe1: {  	s23 =	simm.s32 $0x0;
	s22 =	simm.s32 $0x40;
	[tilespmem:v5+s17+$0x0] =	vst.idx.add.f32.msk vm0, v4  }
.LBB2_12:
0xe2: {  	p1 =	sne.s32 s22, $0x1FC0;
	v5 =	vld [tilespmem:s23+$0x0]  }
0xe3: {  	v6 =	vld [tilespmem:s23+$0x800];
	_ =	sdelay $0x3  }
0xe4: {  	v7 =	vshll.u32 v5, $0x3  }
0xe5: {  	v5 =	vand.u32 $0x7F, v5;
	v8 =	vshll.u32 v6, $0x9;
	v7 =	vand.u32 $0xFFFFFC00, v7  }
0xe6: {  	v9 =	vshll.u32 v6, $0x7;
	v8 =	vand.u32 $0xFFFFF000, v8;
	v5 =	vor.u32 v5, v7  }
0xe7: {  	v6 =	vand.u32 $0xFFFFFF80, v6;
	v7 =	vand.u32 $0x380, v9;
	v5 =	vadd.s32 v8, v5  }
0xe8: {  	vm0 =	veq.s32 v6, $0x100;
	v5 =	vor.u32 v7, v5  }
0xe9: {  	v5 =	vadd.s32 $0xFFFE0000, v5  }
.Ltmp7:
0xea: {  	(pc) =	sbr.rel @p1 .LBB2_12-.Ltmp7, $2  }
0xeb: {  	_ =	sdelay $0x2  }
0xec: {  	s23 =	sshra.s32 s22, $0x2;
	s22 =	sadd.s32 $0x40, s22;
	[tilespmem:v5+s17+$0x0] =	vst.idx.add.f32.msk vm0, v3  }
0xed: {  	v5 =	vld [tilespmem:s23+$0x0]  }
0xee: {  	v6 =	vld [tilespmem:s23+$0x800];
	_ =	sdelay $0x3  }
0xef: {  	v7 =	vshll.u32 v5, $0x3  }
0xf0: {  	v5 =	vand.u32 $0x7F, v5;
	v8 =	vshll.u32 v6, $0x9;
	v7 =	vand.u32 $0xFFFFFC00, v7  }
0xf1: {  	v9 =	vshll.u32 v6, $0x7;
	v8 =	vand.u32 $0xFFFFF000, v8;
	v5 =	vor.u32 v5, v7  }
0xf2: {  	v6 =	vand.u32 $0xFFFFFF80, v6;
	v7 =	vand.u32 $0x380, v9;
	v5 =	vadd.s32 v8, v5  }
0xf3: {  	vm0 =	veq.s32 v6, $0x100;
	v5 =	vor.u32 v7, v5  }
0xf4: {  	v5 =	vadd.s32 $0xFFFE0000, v5;
	_ =	sdelay $0x4  }
0xf5: {  	s22 =	simm.s32 $0x0;
	[tilespmem:v5+s17+$0x0] =	vst.idx.add.f32.msk vm0, v3  }
0xf6: {  	[hbm4b:s9+s22] =	stream.linear.scatter [tilespmem:s17], [sflag:$0x1], $0x10000, $0x38;
	[tilespmem:$0x16100] =	vst v63  }
0xf7: {  	_ =	swait.ge [sflag:s15], $0x10000  }
0xf8: {  	[sflag:s15] =	ssyncset.done $0x0  }
0xf9: {  	s23 =	simm.s32 $0x0;
	s22 =	simm.s32 $0x40;
	[sflag:s15] =	ssyncadd.s32 $0xFFFF0000  }
.LBB2_14:
0xfa: {  	p1 =	sne.s32 s22, $0x1FC0;
	v5 =	vld [tilespmem:s23+$0x0]  }
0xfb: {  	v6 =	vld [tilespmem:s23+$0x800];
	_ =	sdelay $0x3  }
0xfc: {  	v7 =	vshll.u32 v5, $0x3  }
0xfd: {  	v5 =	vand.u32 $0x7F, v5;
	v8 =	vshll.u32 v6, $0x9;
	v7 =	vand.u32 $0xFFFFFC00, v7  }
0xfe: {  	v9 =	vshll.u32 v6, $0x7;
	v8 =	vand.u32 $0xFFFFF000, v8;
	v5 =	vor.u32 v5, v7  }
0xff: {  	v6 =	vand.u32 $0xFFFFFF80, v6;
	v7 =	vand.u32 $0x380, v9;
	v5 =	vadd.s32 v8, v5  }
0x100: {  	vm0 =	veq.s32 v6, $0x100;
	v5 =	vor.u32 v7, v5  }
0x101: {  	v5 =	vadd.s32 $0xFFFE0000, v5  }
.Ltmp8:
0x102: {  	(pc) =	sbr.rel @p1 .LBB2_14-.Ltmp8, $2  }
0x103: {  	_ =	sdelay $0x2  }
0x104: {  	s23 =	sshra.s32 s22, $0x2;
	s22 =	sadd.s32 $0x40, s22;
	[tilespmem:v5+s17+$0x0] =	vst.idx.add.f32.msk vm0, v4  }
0x105: {  	v5 =	vld [tilespmem:s23+$0x0]  }
0x106: {  	v6 =	vld [tilespmem:s23+$0x800];
	_ =	sdelay $0x3  }
0x107: {  	v7 =	vshll.u32 v5, $0x3  }
0x108: {  	v5 =	vand.u32 $0x7F, v5;
	v8 =	vshll.u32 v6, $0x9;
	v7 =	vand.u32 $0xFFFFFC00, v7  }
0x109: {  	v9 =	vshll.u32 v6, $0x7;
	v8 =	vand.u32 $0xFFFFF000, v8;
	v5 =	vor.u32 v5, v7  }
0x10a: {  	v6 =	vand.u32 $0xFFFFFF80, v6;
	v7 =	vand.u32 $0x380, v9;
	v5 =	vadd.s32 v8, v5  }
0x10b: {  	vm0 =	veq.s32 v6, $0x100;
	v5 =	vor.u32 v7, v5  }
0x10c: {  	v5 =	vadd.s32 $0xFFFE0000, v5;
	_ =	sdelay $0x4  }
0x10d: {  	s23 =	simm.s32 $0x0;
	s22 =	simm.s32 $0x40;
	[tilespmem:v5+s17+$0x0] =	vst.idx.add.f32.msk vm0, v4  }
.LBB2_16:
0x10e: {  	p1 =	sne.s32 s22, $0x1FC0;
	v5 =	vld [tilespmem:s23+$0x0]  }
0x10f: {  	v6 =	vld [tilespmem:s23+$0x800];
	_ =	sdelay $0x3  }
0x110: {  	v7 =	vshll.u32 v5, $0x3  }
0x111: {  	v5 =	vand.u32 $0x7F, v5;
	v8 =	vshll.u32 v6, $0x9;
	v7 =	vand.u32 $0xFFFFFC00, v7  }
0x112: {  	v9 =	vshll.u32 v6, $0x7;
	v8 =	vand.u32 $0xFFFFF000, v8;
	v5 =	vor.u32 v5, v7  }
0x113: {  	v6 =	vand.u32 $0xFFFFFF80, v6;
	v7 =	vand.u32 $0x380, v9;
	v5 =	vadd.s32 v8, v5  }
0x114: {  	vm0 =	veq.s32 v6, $0x180;
	v5 =	vor.u32 v7, v5  }
0x115: {  	v5 =	vadd.s32 $0xFFFD0000, v5  }
.Ltmp9:
0x116: {  	(pc) =	sbr.rel @p1 .LBB2_16-.Ltmp9, $2  }
0x117: {  	_ =	sdelay $0x2  }
0x118: {  	s23 =	sshra.s32 s22, $0x2;
	s22 =	sadd.s32 $0x40, s22;
	[tilespmem:v5+s17+$0x0] =	vst.idx.add.f32.msk vm0, v3  }
0x119: {  	v5 =	vld [tilespmem:s23+$0x0]  }
0x11a: {  	v6 =	vld [tilespmem:s23+$0x800];
	_ =	sdelay $0x3  }
0x11b: {  	v7 =	vshll.u32 v5, $0x3  }
0x11c: {  	v5 =	vand.u32 $0x7F, v5;
	v8 =	vshll.u32 v6, $0x9;
	v7 =	vand.u32 $0xFFFFFC00, v7  }
0x11d: {  	v9 =	vshll.u32 v6, $0x7;
	v8 =	vand.u32 $0xFFFFF000, v8;
	v5 =	vor.u32 v5, v7  }
0x11e: {  	v6 =	vand.u32 $0xFFFFFF80, v6;
	v7 =	vand.u32 $0x380, v9;
	v5 =	vadd.s32 v8, v5  }
0x11f: {  	vm0 =	veq.s32 v6, $0x180;
	v5 =	vor.u32 v7, v5  }
0x120: {  	v5 =	vadd.s32 $0xFFFD0000, v5;
	_ =	sdelay $0x4  }
0x121: {  	s22 =	simm.s32 $0x0;
	[tilespmem:v5+s17+$0x0] =	vst.idx.add.f32.msk vm0, v3  }
0x122: {  	[hbm4b:s10+s22] =	stream.linear.scatter [tilespmem:s17], [sflag:$0x1], $0x10000, $0x38;
	[tilespmem:$0x16100] =	vst v63  }
0x123: {  	_ =	swait.ge [sflag:s15], $0x10000  }
0x124: {  	[sflag:s15] =	ssyncset.done $0x0  }
0x125: {  	s23 =	simm.s32 $0x0;
	s22 =	simm.s32 $0x40;
	[sflag:s15] =	ssyncadd.s32 $0xFFFF0000  }
.LBB2_18:
0x126: {  	p1 =	sne.s32 s22, $0x1FC0;
	v5 =	vld [tilespmem:s23+$0x0]  }
0x127: {  	v6 =	vld [tilespmem:s23+$0x800];
	_ =	sdelay $0x3  }
0x128: {  	v7 =	vshll.u32 v5, $0x3  }
0x129: {  	v5 =	vand.u32 $0x7F, v5;
	v8 =	vshll.u32 v6, $0x9;
	v7 =	vand.u32 $0xFFFFFC00, v7  }
0x12a: {  	v9 =	vshll.u32 v6, $0x7;
	v8 =	vand.u32 $0xFFFFF000, v8;
	v5 =	vor.u32 v5, v7  }
0x12b: {  	v6 =	vand.u32 $0xFFFFFF80, v6;
	v7 =	vand.u32 $0x380, v9;
	v5 =	vadd.s32 v8, v5  }
0x12c: {  	vm0 =	veq.s32 v6, $0x180;
	v5 =	vor.u32 v7, v5  }
0x12d: {  	v5 =	vadd.s32 $0xFFFD0000, v5  }
.Ltmp10:
0x12e: {  	(pc) =	sbr.rel @p1 .LBB2_18-.Ltmp10, $2  }
0x12f: {  	_ =	sdelay $0x2  }
0x130: {  	s23 =	sshra.s32 s22, $0x2;
	s22 =	sadd.s32 $0x40, s22;
	[tilespmem:v5+s17+$0x0] =	vst.idx.add.f32.msk vm0, v4  }
0x131: {  	v5 =	vld [tilespmem:s23+$0x0]  }
0x132: {  	v6 =	vld [tilespmem:s23+$0x800];
	_ =	sdelay $0x3  }
0x133: {  	v7 =	vshll.u32 v5, $0x3  }
0x134: {  	v5 =	vand.u32 $0x7F, v5;
	v8 =	vshll.u32 v6, $0x9;
	v7 =	vand.u32 $0xFFFFFC00, v7  }
0x135: {  	v9 =	vshll.u32 v6, $0x7;
	v8 =	vand.u32 $0xFFFFF000, v8;
	v5 =	vor.u32 v5, v7  }
0x136: {  	v6 =	vand.u32 $0xFFFFFF80, v6;
	v7 =	vand.u32 $0x380, v9;
	v5 =	vadd.s32 v8, v5  }
0x137: {  	vm0 =	veq.s32 v6, $0x180;
	v5 =	vor.u32 v7, v5  }
0x138: {  	v5 =	vadd.s32 $0xFFFD0000, v5  }
.Ltmp11:
0x139: {  	_ = 	snop;
	(pc) =	sbr.rel @p0 .LBB2_25-.Ltmp11, $2  }
0x13a: {  	_ =	sdelay $0x2  }
0x13b: {  	s23 =	simm.s32 $0x0;
	[tilespmem:v5+s17+$0x0] =	vst.idx.add.f32.msk vm0, v4  }
0x13c: {  	s22 =	sand.u32 $0x3800, s23;
	s24 =	sand.u32 $0x380, s23  }
0x13d: {  	s24 =	sor.u32 s24, s22  }
0x13e: {  	s22 =	sadd.s32 $0x12900, s24;
	[tilespmem:s24+$0x12900] =	vst v2  }
0x13f: {  	[tilespmem:s22+$0x10] =	vst v2  }
0x140: {  	[tilespmem:s22+$0x20] =	vst v2  }
0x141: {  	[tilespmem:s22+$0x30] =	vst v2  }
0x142: {  	[tilespmem:s22+$0x40] =	vst v2  }
0x143: {  	[tilespmem:s22+$0x50] =	vst v2  }
0x144: {  	[tilespmem:s22+$0x60] =	vst v2  }
0x145: {  	[tilespmem:s22+$0x70] =	vst v2  }
0x146: {  	[tilespmem:s22+$0x400] =	vst v2  }
0x147: {  	[tilespmem:s22+$0x410] =	vst v2  }
0x148: {  	s31 =	sadd.s32 $0x100, s23;
	s23 =	sadd.s32 $0x80, s23;
	[tilespmem:s22+$0x420] =	vst v2  }
0x149: {  	s25 =	sand.u32 $0x3800, s31;
	s26 =	sand.u32 $0x380, s23;
	s24 =	sadd.s32 $0x100, s31;
	[tilespmem:s22+$0x430] =	vst v2  }
.LBB2_21:
0x14a: {  	p1 =	sne.s32 s24, $0x3700;
	s25 =	sor.u32 s26, s25;
	[tilespmem:s22+$0x440] =	vst v2  }
0x14b: {  	s22 =	sadd.s32 $0x12900, s25;
	[tilespmem:s25+$0x12900] =	vst v2  }
0x14c: {  	[tilespmem:s22+$0x10] =	vst v2  }
0x14d: {  	[tilespmem:s22+$0x20] =	vst v2  }
0x14e: {  	[tilespmem:s22+$0x30] =	vst v2  }
0x14f: {  	[tilespmem:s22+$0x40] =	vst v2  }
0x150: {  	[tilespmem:s22+$0x50] =	vst v2  }
0x151: {  	[tilespmem:s22+$0x60] =	vst v2  }
.Ltmp12:
0x152: {  	[tilespmem:s22+$0x70] =	vst v2;
	(pc) =	sbr.rel @p1 .LBB2_21-.Ltmp12, $4  }
0x153: {  	[tilespmem:s22+$0x400] =	vst v2  }
0x154: {  	[tilespmem:s22+$0x410] =	vst v2  }
0x155: {  	s23 =	sadd.s32 $0x80, s23;
	[tilespmem:s22+$0x420] =	vst v2  }
0x156: {  	s25 =	sand.u32 $0x3800, s24;
	s26 =	sand.u32 $0x380, s23;
	s24 =	sadd.s32 $0x100, s24;
	[tilespmem:s22+$0x430] =	vst v2  }
0x157: {  	s23 =	sor.u32 s26, s25;
	[tilespmem:s22+$0x440] =	vst v2  }
0x158: {  	s29 =	sadd.s32 $0x12900, s23;
	[tilespmem:s23+$0x12900] =	vst v2  }
0x159: {  	[tilespmem:s29+$0x10] =	vst v2  }
0x15a: {  	[tilespmem:s29+$0x20] =	vst v2  }
0x15b: {  	[tilespmem:s29+$0x30] =	vst v2  }
0x15c: {  	[tilespmem:s29+$0x40] =	vst v2  }
0x15d: {  	[tilespmem:s29+$0x50] =	vst v2  }
0x15e: {  	[tilespmem:s29+$0x60] =	vst v2  }
0x15f: {  	[tilespmem:s29+$0x70] =	vst v2  }
0x160: {  	[tilespmem:s29+$0x400] =	vst v2  }
0x161: {  	[tilespmem:s29+$0x410] =	vst v2  }
0x162: {  	[tilespmem:s29+$0x420] =	vst v2  }
0x163: {  	[tilespmem:s29+$0x430] =	vst v2  }
0x164: {  	s30 =	simm.s32 $0x0;
	[tilespmem:s29+$0x440] =	vst v2  }
0x165: {  	[tilespmem:s18], [sflag:$0x1] =	stream.linear.gather [hbm4b:s4+s30], $0xC80, $0x38;
	[tilespmem:$0x16100] =	vst v63  }
0x166: {  	_ =	swait.ge [sflag:s15], $0xC80  }
0x167: {  	[sflag:s15] =	ssyncset.done $0x0  }
0x168: {  	[sflag:s15] =	ssyncadd.s32 $0xFFFFF380  }
0x169: {  	[tilespmem:s19], [sflag:$0x1] =	stream.linear.gather [hbm4b:s2+s30], $0xC80, $0x38;
	[tilespmem:$0x16100] =	vst v63  }
0x16a: {  	_ =	swait.ge [sflag:s15], $0xC80  }
0x16b: {  	[sflag:s15] =	ssyncset.done $0x0  }
0x16c: {  	s31 =	simm.s32 $0x0;
	[sflag:s15] =	ssyncadd.s32 $0xFFFFF380  }
0x16d: {  	v5 =	vld [tilespmem:s31+$0x11C80]  }
0x16e: {  	v6 =	vld [tilespmem:s31+$0x11000];
	_ =	sdelay $0x3  }
0x16f: {  	v7 =	vsub.s32 v5, v0  }
0x170: {  	v8 =	vshll.u32 v6, $0x3;
	v9 =	vshll.u32 v5, $0x7;
	v7 =	vshll.u32 v7, $0x8  }
0x171: {  	vm0 =	vge.s32 v5, v0;
	v8 =	vand.u32 $0xFFFFFC00, v8;
	v7 =	vand.u32 $0xFFFFF800, v7  }
0x172: {  	vm1 =	vlt.s32 v5, v1;
	v63 =	vand.u32 $0x380, v9;
	v7 =	vadd.s32 v8, v7  }
0x173: {  	v5 =	vand.u32 $0x7F, v6;
	vm0 =	vmand vm0, vm1;
	v6 =	vor.u32 v63, v7  }
0x174: {  	v5 =	vor.u32 v5, v6;
	_ =	sdelay $0x2  }
0x175: {  	s22 =	simm.s32 $0x40;
	s23 =	simm.s32 $0x80  }
.LBB2_23:
0x176: {  	p1 =	sne.s32 s23, $0x30C0  }
0x177: {  	s24 =	sshra.s32 s22, $0x2;
	[tilespmem:v5+s20+$0x0] =	vst.idx.add.f32.msk vm0, v3;
	s22 =	smov.u32 s23;
	s23 =	sadd.s32 $0x40, s23  }
0x178: {  	v5 =	vld [tilespmem:s24+$0x11C80]  }
0x179: {  	v6 =	vld [tilespmem:s24+$0x11000];
	_ =	sdelay $0x3  }
0x17a: {  	vm0 =	vge.s32 v5, v0;
	v7 =	vsub.s32 v5, v0;
	v8 =	vshll.u32 v5, $0x7  }
.Ltmp13:
0x17b: {  	vm1 =	vlt.s32 v5, v1;
	v5 =	vshll.u32 v7, $0x8;
	v7 =	vshll.u32 v6, $0x3;
	(pc) =	sbr.rel @p1 .LBB2_23-.Ltmp13, $4  }
0x17c: {  	vm0 =	vmand vm0, vm1;
	v5 =	vand.u32 $0xFFFFF800, v5;
	v7 =	vand.u32 $0xFFFFFC00, v7  }
0x17d: {  	v5 =	vadd.s32 v7, v5;
	v7 =	vand.u32 $0x380, v8  }
0x17e: {  	v6 =	vand.u32 $0x7F, v6;
	v5 =	vor.u32 v7, v5  }
0x17f: {  	v5 =	vor.u32 v6, v5  }
.Ltmp14:
0x180: {  	_ = 	snop;
	(pc) =	sbr.rel .LBB2_24-.Ltmp14, $1  }
0x181: {  	_ =	sdelay $0x3  }
.LBB2_26:
0x182: {  	_ =	sfence.sel $0x180000  }
0x183: {  	[bflag:$0x0] =	sbarrier.arrive $0xFFFF  }
0x184: {  	p0 =	sne.s32 s0, $0x0;
	_ =	strace $0x90000047  }
0x185: {  	s0 =	sadd.s32 @!p0 $0x100000, s1;
	[bflag:$0x2] =	sbarrier.arrive $0xFFFF  }
0x186: {  	[sflag:s0] =	ssyncadd.tile.s32 @!p0 $0x1;
	_ =	shalt  }
.Lfunc_end2:
_tile_overlayer_lowered:
.L_overlay_start_2:
0x187: {  	(tag) =	ssettag $0x2  }
0x188: {  	s0 =	rddreg [dreg:$0x0];
	s2 =	stileid.u32  }
0x189: {  	s1 =	rddreg [dreg:$0x1];
	p0 =	sne.s32 s2, $0x0  }
0x18a: {  	s3 =	rddreg [dreg:$0x2];
	[bflag:$0x3] =	sbarrier.arrive $0xFFFF;
	s2 =	simm.s32 @!p0 $0x1C01  }
0x18b: {  	[timem:s3], [sflag:s2] =	dma.local @!p0 [hbm:s0], s1  }
0x18c: {  	s0 =	simm.s32 @!p0 $0x1  }
0x18d: {  	_ =	swait.ge @!p0 [sflag:s0], s1  }
0x18e: {  	s1 =	ssub.s32 @!p0 $0x0, s1;
	[sflag:s0] =	ssyncset.done @!p0 $0x0  }
0x18f: {  	[sflag:s0] =	ssyncadd.s32 @!p0 s1  }
0x190: {  	[bflag:$0x3] =	sbarrier.arrive $0xFFFF  }
0x191: {  	_ =	shalt  }

</sc_bundles>
